<compile_context>
chip_gen: v7x
topology: tpu7x:2x2x1
jax: 0.10.2.dev20260603
libtpu: 0.0.44.dev20260713+nightly
codegen_flags: <defaults>
</compile_context>

<pallas_src>
import functools

import jax
import jax.numpy as jnp
from jax import lax
from jax.experimental import pallas as pl
from jax.experimental.pallas import tpu as pltpu
from jax.experimental.pallas import tpu_sc as plsc

_B = 4096
_C = 100000
_L = 16
_CORES = 2
_TILES = 16
_PER = _B // (_CORES * _TILES)
_G = 8
_NCH = _PER // _G


def _sc_body(distT_hbm, labels_hbm, out_hbm,
             lab_v, idx_a, idx_b, rows_a, rows_b, acc_v, shared, tot_v,
             sem_a, sem_b):
    cid = lax.axis_index("c")
    sid = lax.axis_index("s")
    base = (cid * _TILES + sid) * _PER

    pltpu.sync_copy(labels_hbm.at[pl.ds(pl.multiple_of(base, 8), _PER)], lab_v)

    idxs = (idx_a, idx_b)
    rows = (rows_a, rows_b)
    sems = (sem_a, sem_b)
    acc = jnp.zeros((_L,), jnp.float32)
    iota = lax.iota(jnp.int32, _L)
    idx_a[...] = lab_v[pl.ds(0, _G)]
    cps = [pltpu.async_copy(distT_hbm.at[idx_a], rows_a, sem_a), None]
    for ch in range(_NCH):
        p, q = ch % 2, (ch + 1) % 2
        if ch + 1 < _NCH:
            idxs[q][...] = lab_v[pl.ds((ch + 1) * _G, _G)]
            cps[q] = pltpu.async_copy(distT_hbm.at[idxs[q]], rows[q], sems[q])
        cps[p].wait()
        for t_loc in range(_G):
            t = ch * _G + t_loc
            v = rows[p][t_loc,
                        pl.ds(pl.multiple_of(base + (t // _L) * _L, 8), _L)]
            acc = acc + jnp.where(iota == (t % _L), v, 0.0)
    acc_v[...] = acc

    pltpu.sync_copy(acc_v, shared.at[pl.ds(pl.multiple_of(sid * _L, 8), _L)])
    plsc.subcore_barrier()

    @pl.when(sid == 0)
    def _():
        pltpu.sync_copy(shared, tot_v)
        tot = jnp.zeros((_L,), jnp.float32)
        for s in range(_TILES):
            tot = tot + tot_v[pl.ds(s * _L, _L)]
        dnums = lax.GatherDimensionNumbers(
            offset_dims=(), collapsed_slice_dims=(0,), start_index_map=(0,))
        for shift in (8, 4, 2, 1):
            perm = lax.bitwise_xor(iota, shift)
            tot = tot + lax.gather(
                tot, perm[:, None], dnums, (1,),
                mode=lax.GatherScatterMode.PROMISE_IN_BOUNDS)
        acc_v[...] = tot * jnp.float32(1.0 / _B)
        pltpu.sync_copy(acc_v,
                        out_hbm.at[pl.ds(pl.multiple_of(cid * _L, 8), _L)])


@jax.jit
def _sc_loss(distT, labels):
    mesh = plsc.VectorSubcoreMesh(core_axis_name="c", subcore_axis_name="s",
                                  num_cores=_CORES)
    run = functools.partial(
        pl.kernel, mesh=mesh,
        out_type=jax.ShapeDtypeStruct((_CORES * _L,), jnp.float32),
        scratch_types=[
            pltpu.VMEM((_PER,), jnp.int32),
            pltpu.VMEM((_G,), jnp.int32),
            pltpu.VMEM((_G,), jnp.int32),
            pltpu.VMEM((_G, _B), jnp.float32),
            pltpu.VMEM((_G, _B), jnp.float32),
            pltpu.VMEM((_L,), jnp.float32),
            pltpu.VMEM_SHARED((_TILES * _L,), jnp.float32),
            pltpu.VMEM((_TILES * _L,), jnp.float32),
            pltpu.SemaphoreType.DMA,
            pltpu.SemaphoreType.DMA,
        ],
    )(_sc_body)
    return run(distT, labels)


def kernel(distance, labels):
    labels = labels.astype(jnp.int32)
    out = _sc_loss(distance.T, labels)
    return out[0] + out[_L]

# --- scband reference (transcript-rebuilt; emitter-appended) ---
"""Pipeline reference for scband-feature-matching-loss-dis-80418967650494 (READ-ONLY COPY).

The authoritative reference and input builder live on the scoring server;
editing this copy changes nothing except your own understanding.
"""

import jax, jax.numpy as jnp
import numpy as np

B = 4096
C = 100000

def setup_inputs(seed: int = 0) -> dict:
    key = jax.random.key(seed)
    k1, k2 = jax.random.split(key)
    distance = jax.random.normal(k1, (B, C), dtype=jnp.float32)
    labels = jax.random.randint(k2, (B,), 0, C, dtype=jnp.int64)
    return {"distance": distance, "labels": labels}

def reference(distance, labels):
    # targets = zeros(B, C).scatter_(1, labels.unsqueeze(1), 1)  -> one-hot
    b = distance.shape[0]
    targets = jnp.zeros(distance.shape, dtype=distance.dtype).at[jnp.arange(b), labels].set(1.0)
    intra_dis = (distance * targets).sum(-1)
    loss = intra_dis.mean()
    return loss

if __name__ == "__main__":
    import jax
    _d = setup_inputs()
    print(jax.jit(kernel)(*tuple(_d.values())))

</pallas_src>

<mosaic_0001>
#map = affine_map<(d0, d1) -> (0, 0)>
#map1 = affine_map<(d0, d1) -> (0)>
module attributes {stable_mosaic.version = 14 : i64} {
  func.func @_sc_body(%arg0: i32, %arg1: i32, %arg2: memref<100000x4096xf32, #tpu.memory_space<hbm>>, %arg3: memref<4096xi32, #tpu.memory_space<hbm>>, %arg4: memref<32xf32, #tpu.memory_space<hbm>>, %arg5: memref<128xi32, #tpu.memory_space<vmem>>, %arg6: memref<8xi32, #tpu.memory_space<vmem>>, %arg7: memref<8xi32, #tpu.memory_space<vmem>>, %arg8: memref<8x4096xf32, #tpu.memory_space<vmem>>, %arg9: memref<8x4096xf32, #tpu.memory_space<vmem>>, %arg10: memref<16xf32, #tpu.memory_space<vmem>>, %arg11: memref<256xf32, #tpu.memory_space<vmem_shared>>, %arg12: memref<256xf32, #tpu.memory_space<vmem>>, %arg13: memref<!tpu.dma_semaphore, #tpu.memory_space<semaphore_mem>>, %arg14: memref<!tpu.dma_semaphore, #tpu.memory_space<semaphore_mem>>) attributes {dimension_semantics = [#tpu.dimension_semantics<core_parallel>, #tpu.dimension_semantics<subcore_parallel>], iteration_bounds = array<i64: 2, 16>, scalar_prefetch = 0 : i64, scratch_operands = 10 : i64, tpu.core_type = #tpu.core_type<sc_vector_subcore>, window_params = [{transform_indices = #map}, {transform_indices = #map1}, {transform_indices = #map1}]} {
    %mul3A = arith.constant 16 : i32
    %mul3A_0 = arith.muli %arg0, %mul3A : i32
    %add3A = arith.addi %mul3A_0, %arg1 : i32
    %mul3A_1 = arith.constant 128 : i32
    %mul3A_2 = arith.muli %add3A, %mul3A_1 : i32
    %multiple_of3A = tpu.assume_multiple %mul3A_2, 8 : i32
    "tpu.region"() ({
      %run_scoped3A = tpu.sem_alloc : memref<!tpu.dma_semaphore, #tpu.memory_space<semaphore_mem>>
      %dma_start3A_2135 = tpu.memref_slice %arg3[%multiple_of3A] : memref<4096xi32, #tpu.memory_space<hbm>> -> memref<128xi32, #tpu.memory_space<hbm>>
      %dma_start3A_2136 = tpu.memref_slice %arg3[%multiple_of3A] : memref<4096xi32, #tpu.memory_space<hbm>> -> memref<128xi32, #tpu.memory_space<hbm>>
      tpu.enqueue_dma source(%dma_start3A_2136 : memref<128xi32, #tpu.memory_space<hbm>>) target(%arg5 : memref<128xi32, #tpu.memory_space<vmem>>) target_semaphore(%run_scoped3A : memref<!tpu.dma_semaphore, #tpu.memory_space<semaphore_mem>>)
      %dma_wait3A_2137 = tpu.memref_slice %arg3[%multiple_of3A] : memref<4096xi32, #tpu.memory_space<hbm>> -> memref<128xi32, #tpu.memory_space<hbm>>
      %dma_wait3A_2138 = tpu.memref_slice %arg3[%multiple_of3A] : memref<4096xi32, #tpu.memory_space<hbm>> -> memref<128xi32, #tpu.memory_space<hbm>>
      tpu.wait_dma2 semaphore(%run_scoped3A : memref<!tpu.dma_semaphore, #tpu.memory_space<semaphore_mem>>) src(%dma_wait3A_2138 : memref<128xi32, #tpu.memory_space<hbm>>) dst(%arg5 : memref<128xi32, #tpu.memory_space<vmem>>)
      tpu.yield
    }) : () -> ()
    %broadcast_in_dim3A = arith.constant 0.000000e+00 : f32
    %broadcast_in_dim3A_3 = vector.broadcast %broadcast_in_dim3A : f32 to vector<16xf32>
    %iota3A = tpu.iota {dimensions = array<i32: 0>} : vector<16xi32>
    %get3A = arith.constant 0 : index
    %get3A_4 = tpu.vector_load %arg5[%get3A] {strides = array<i32>} : memref<128xi32, #tpu.memory_space<vmem>>, vector<8xi32>,
    %get3A_5 = vector.shape_cast %get3A_4 : vector<8xi32> to vector<8xi32>
    %swap3A = arith.constant 0 : index
    %swap3A_6 = tpu.vector_load %arg6[%swap3A] {strides = array<i32>} : memref<8xi32, #tpu.memory_space<vmem>>, vector<8xi32>,
    %swap3A_7 = vector.shape_cast %swap3A_6 : vector<8xi32> to vector<8xi32>
    %swap3A_8 = vector.shape_cast %get3A_5 : vector<8xi32> to vector<8xi32>
    tpu.vector_store %arg6[%swap3A], %swap3A_8 {strides = array<i32>} : memref<8xi32, #tpu.memory_space<vmem>>, vector<8xi32>,
    %dma_start3A = arith.constant 0 : i32
    %dma_start3A_9 = arith.constant 0 : i32
    %dma_start3A_10 = tpu.memref_slice %arg2[%dma_start3A, %dma_start3A_9] : memref<100000x4096xf32, #tpu.memory_space<hbm>> -> memref<100000x4096xf32, #tpu.memory_space<hbm>>
    tpu.enqueue_indirect_dma source(%dma_start3A_10 : memref<100000x4096xf32, #tpu.memory_space<hbm>>) target(%arg8 : memref<8x4096xf32, #tpu.memory_space<vmem>>) offsets(%arg6 : memref<8xi32, #tpu.memory_space<vmem>>) semaphore(%arg13 : memref<!tpu.dma_semaphore, #tpu.memory_space<semaphore_mem>>)
    %get3A_11 = arith.constant 8 : index
    %get3A_12 = tpu.vector_load %arg5[%get3A_11] {strides = array<i32>} : memref<128xi32, #tpu.memory_space<vmem>>, vector<8xi32>,
    %get3A_13 = vector.shape_cast %get3A_12 : vector<8xi32> to vector<8xi32>
    %swap3A_14 = arith.constant 0 : index
    %swap3A_15 = tpu.vector_load %arg7[%swap3A_14] {strides = array<i32>} : memref<8xi32, #tpu.memory_space<vmem>>, vector<8xi32>,
    %swap3A_16 = vector.shape_cast %swap3A_15 : vector<8xi32> to vector<8xi32>
    %swap3A_17 = vector.shape_cast %get3A_13 : vector<8xi32> to vector<8xi32>
    tpu.vector_store %arg7[%swap3A_14], %swap3A_17 {strides = array<i32>} : memref<8xi32, #tpu.memory_space<vmem>>, vector<8xi32>,
    %dma_start3A_18 = arith.constant 0 : i32
    %dma_start3A_19 = arith.constant 0 : i32
    %dma_start3A_20 = tpu.memref_slice %arg2[%dma_start3A_18, %dma_start3A_19] : memref<100000x4096xf32, #tpu.memory_space<hbm>> -> memref<100000x4096xf32, #tpu.memory_space<hbm>>
    tpu.enqueue_indirect_dma source(%dma_start3A_20 : memref<100000x4096xf32, #tpu.memory_space<hbm>>) target(%arg9 : memref<8x4096xf32, #tpu.memory_space<vmem>>) offsets(%arg7 : memref<8xi32, #tpu.memory_space<vmem>>) semaphore(%arg14 : memref<!tpu.dma_semaphore, #tpu.memory_space<semaphore_mem>>)
    %dma_wait3A = arith.constant 0 : i32
    %dma_wait3A_21 = arith.constant 0 : i32
    %dma_wait3A_22 = tpu.memref_slice %arg2[%dma_wait3A, %dma_wait3A_21] : memref<100000x4096xf32, #tpu.memory_space<hbm>> -> memref<100000x4096xf32, #tpu.memory_space<hbm>>
    tpu.wait_indirect_dma semaphore(%arg13 : memref<!tpu.dma_semaphore, #tpu.memory_space<semaphore_mem>>) src(%dma_wait3A_22 : memref<100000x4096xf32, #tpu.memory_space<hbm>>) dst(%arg8 : memref<8x4096xf32, #tpu.memory_space<vmem>>)
    %add3A_23 = arith.constant 0 : i32
    %add3A_24 = arith.addi %mul3A_2, %add3A_23 : i32
    %multiple_of3A_25 = tpu.assume_multiple %add3A_24, 8 : i32
    %get3A_26 = arith.constant 0 : i32
    %get3A_27 = arith.index_cast %get3A_26 : i32 to index
    %get3A_28 = arith.index_cast %multiple_of3A_25 : i32 to index
    %get3A_29 = tpu.vector_load %arg8[%get3A_27, %get3A_28] {strides = array<i32>} : memref<8x4096xf32, #tpu.memory_space<vmem>>, vector<1x16xf32>,
    %get3A_30 = vector.shape_cast %get3A_29 : vector<1x16xf32> to vector<16xf32>
    %eq3A = arith.constant 0 : i32
    %eq3A_31 = vector.broadcast %eq3A : i32 to vector<16xi32>
    %eq3A_32 = arith.cmpi eq, %iota3A, %eq3A_31 : vector<16xi32>
    %jit3A = arith.constant 0.000000e+00 : f32
    %broadcast_in_dim3A_33 = vector.broadcast %jit3A : f32 to vector<16xf32>
    %select_n3A = arith.select %eq3A_32, %get3A_30, %broadcast_in_dim3A_33 : vector<16xi1>, vector<16xf32>
    %add3A_34 = arith.addf %broadcast_in_dim3A_3, %select_n3A : vector<16xf32>
    %add3A_35 = arith.constant 0 : i32
    %add3A_36 = arith.addi %mul3A_2, %add3A_35 : i32
    %multiple_of3A_37 = tpu.assume_multiple %add3A_36, 8 : i32
    %get3A_38 = arith.constant 1 : i32
    %get3A_39 = arith.index_cast %get3A_38 : i32 to index
    %get3A_40 = arith.index_cast %multiple_of3A_37 : i32 to index
    %get3A_41 = tpu.vector_load %arg8[%get3A_39, %get3A_40] {strides = array<i32>} : memref<8x4096xf32, #tpu.memory_space<vmem>>, vector<1x16xf32>,
    %get3A_42 = vector.shape_cast %get3A_41 : vector<1x16xf32> to vector<16xf32>
    %eq3A_43 = arith.constant 1 : i32
    %eq3A_44 = vector.broadcast %eq3A_43 : i32 to vector<16xi32>
    %eq3A_45 = arith.cmpi eq, %iota3A, %eq3A_44 : vector<16xi32>
    %jit3A_46 = arith.constant 0.000000e+00 : f32
    %broadcast_in_dim3A_47 = vector.broadcast %jit3A_46 : f32 to vector<16xf32>
    %select_n3A_48 = arith.select %eq3A_45, %get3A_42, %broadcast_in_dim3A_47 : vector<16xi1>, vector<16xf32>
    %add3A_49 = arith.addf %add3A_34, %select_n3A_48 : vector<16xf32>
    %add3A_50 = arith.constant 0 : i32
    %add3A_51 = arith.addi %mul3A_2, %add3A_50 : i32
    %multiple_of3A_52 = tpu.assume_multiple %add3A_51, 8 : i32
    %get3A_53 = arith.constant 2 : i32
    %get3A_54 = arith.index_cast %get3A_53 : i32 to index
    %get3A_55 = arith.index_cast %multiple_of3A_52 : i32 to index
    %get3A_56 = tpu.vector_load %arg8[%get3A_54, %get3A_55] {strides = array<i32>} : memref<8x4096xf32, #tpu.memory_space<vmem>>, vector<1x16xf32>,
    %get3A_57 = vector.shape_cast %get3A_56 : vector<1x16xf32> to vector<16xf32>
    %eq3A_58 = arith.constant 2 : i32
    %eq3A_59 = vector.broadcast %eq3A_58 : i32 to vector<16xi32>
    %eq3A_60 = arith.cmpi eq, %iota3A, %eq3A_59 : vector<16xi32>
    %jit3A_61 = arith.constant 0.000000e+00 : f32
    %broadcast_in_dim3A_62 = vector.broadcast %jit3A_61 : f32 to vector<16xf32>
    %select_n3A_63 = arith.select %eq3A_60, %get3A_57, %broadcast_in_dim3A_62 : vector<16xi1>, vector<16xf32>
    %add3A_64 = arith.addf %add3A_49, %select_n3A_63 : vector<16xf32>
    %add3A_65 = arith.constant 0 : i32
    %add3A_66 = arith.addi %mul3A_2, %add3A_65 : i32
    %multiple_of3A_67 = tpu.assume_multiple %add3A_66, 8 : i32
    %get3A_68 = arith.constant 3 : i32
    %get3A_69 = arith.index_cast %get3A_68 : i32 to index
    %get3A_70 = arith.index_cast %multiple_of3A_67 : i32 to index
    %get3A_71 = tpu.vector_load %arg8[%get3A_69, %get3A_70] {strides = array<i32>} : memref<8x4096xf32, #tpu.memory_space<vmem>>, vector<1x16xf32>,
    %get3A_72 = vector.shape_cast %get3A_71 : vector<1x16xf32> to vector<16xf32>
    %eq3A_73 = arith.constant 3 : i32
    %eq3A_74 = vector.broadcast %eq3A_73 : i32 to vector<16xi32>
    %eq3A_75 = arith.cmpi eq, %iota3A, %eq3A_74 : vector<16xi32>
    %jit3A_76 = arith.constant 0.000000e+00 : f32
    %broadcast_in_dim3A_77 = vector.broadcast %jit3A_76 : f32 to vector<16xf32>
    %select_n3A_78 = arith.select %eq3A_75, %get3A_72, %broadcast_in_dim3A_77 : vector<16xi1>, vector<16xf32>
    %add3A_79 = arith.addf %add3A_64, %select_n3A_78 : vector<16xf32>
    %add3A_80 = arith.constant 0 : i32
    %add3A_81 = arith.addi %mul3A_2, %add3A_80 : i32
    %multiple_of3A_82 = tpu.assume_multiple %add3A_81, 8 : i32
    %get3A_83 = arith.constant 4 : i32
    %get3A_84 = arith.index_cast %get3A_83 : i32 to index
    %get3A_85 = arith.index_cast %multiple_of3A_82 : i32 to index
    %get3A_86 = tpu.vector_load %arg8[%get3A_84, %get3A_85] {strides = array<i32>} : memref<8x4096xf32, #tpu.memory_space<vmem>>, vector<1x16xf32>,
    %get3A_87 = vector.shape_cast %get3A_86 : vector<1x16xf32> to vector<16xf32>
    %eq3A_88 = arith.constant 4 : i32
    %eq3A_89 = vector.broadcast %eq3A_88 : i32 to vector<16xi32>
    %eq3A_90 = arith.cmpi eq, %iota3A, %eq3A_89 : vector<16xi32>
    %jit3A_91 = arith.constant 0.000000e+00 : f32
    %broadcast_in_dim3A_92 = vector.broadcast %jit3A_91 : f32 to vector<16xf32>
    %select_n3A_93 = arith.select %eq3A_90, %get3A_87, %broadcast_in_dim3A_92 : vector<16xi1>, vector<16xf32>
    %add3A_94 = arith.addf %add3A_79, %select_n3A_93 : vector<16xf32>
    %add3A_95 = arith.constant 0 : i32
    %add3A_96 = arith.addi %mul3A_2, %add3A_95 : i32
    %multiple_of3A_97 = tpu.assume_multiple %add3A_96, 8 : i32
    %get3A_98 = arith.constant 5 : i32
    %get3A_99 = arith.index_cast %get3A_98 : i32 to index
    %get3A_100 = arith.index_cast %multiple_of3A_97 : i32 to index
    %get3A_101 = tpu.vector_load %arg8[%get3A_99, %get3A_100] {strides = array<i32>} : memref<8x4096xf32, #tpu.memory_space<vmem>>, vector<1x16xf32>,
    %get3A_102 = vector.shape_cast %get3A_101 : vector<1x16xf32> to vector<16xf32>
    %eq3A_103 = arith.constant 5 : i32
    %eq3A_104 = vector.broadcast %eq3A_103 : i32 to vector<16xi32>
    %eq3A_105 = arith.cmpi eq, %iota3A, %eq3A_104 : vector<16xi32>
    %jit3A_106 = arith.constant 0.000000e+00 : f32
    %broadcast_in_dim3A_107 = vector.broadcast %jit3A_106 : f32 to vector<16xf32>
    %select_n3A_108 = arith.select %eq3A_105, %get3A_102, %broadcast_in_dim3A_107 : vector<16xi1>, vector<16xf32>
    %add3A_109 = arith.addf %add3A_94, %select_n3A_108 : vector<16xf32>
    %add3A_110 = arith.constant 0 : i32
    %add3A_111 = arith.addi %mul3A_2, %add3A_110 : i32
    %multiple_of3A_112 = tpu.assume_multiple %add3A_111, 8 : i32
    %get3A_113 = arith.constant 6 : i32
    %get3A_114 = arith.index_cast %get3A_113 : i32 to index
    %get3A_115 = arith.index_cast %multiple_of3A_112 : i32 to index
    %get3A_116 = tpu.vector_load %arg8[%get3A_114, %get3A_115] {strides = array<i32>} : memref<8x4096xf32, #tpu.memory_space<vmem>>, vector<1x16xf32>,
    %get3A_117 = vector.shape_cast %get3A_116 : vector<1x16xf32> to vector<16xf32>
    %eq3A_118 = arith.constant 6 : i32
    %eq3A_119 = vector.broadcast %eq3A_118 : i32 to vector<16xi32>
    %eq3A_120 = arith.cmpi eq, %iota3A, %eq3A_119 : vector<16xi32>
    %jit3A_121 = arith.constant 0.000000e+00 : f32
    %broadcast_in_dim3A_122 = vector.broadcast %jit3A_121 : f32 to vector<16xf32>
    %select_n3A_123 = arith.select %eq3A_120, %get3A_117, %broadcast_in_dim3A_122 : vector<16xi1>, vector<16xf32>
    %add3A_124 = arith.addf %add3A_109, %select_n3A_123 : vector<16xf32>
    %add3A_125 = arith.constant 0 : i32
    %add3A_126 = arith.addi %mul3A_2, %add3A_125 : i32
    %multiple_of3A_127 = tpu.assume_multiple %add3A_126, 8 : i32
    %get3A_128 = arith.constant 7 : i32
    %get3A_129 = arith.index_cast %get3A_128 : i32 to index
    %get3A_130 = arith.index_cast %multiple_of3A_127 : i32 to index
    %get3A_131 = tpu.vector_load %arg8[%get3A_129, %get3A_130] {strides = array<i32>} : memref<8x4096xf32, #tpu.memory_space<vmem>>, vector<1x16xf32>,
    %get3A_132 = vector.shape_cast %get3A_131 : vector<1x16xf32> to vector<16xf32>
    %eq3A_133 = arith.constant 7 : i32
    %eq3A_134 = vector.broadcast %eq3A_133 : i32 to vector<16xi32>
    %eq3A_135 = arith.cmpi eq, %iota3A, %eq3A_134 : vector<16xi32>
    %jit3A_136 = arith.constant 0.000000e+00 : f32
    %broadcast_in_dim3A_137 = vector.broadcast %jit3A_136 : f32 to vector<16xf32>
    %select_n3A_138 = arith.select %eq3A_135, %get3A_132, %broadcast_in_dim3A_137 : vector<16xi1>, vector<16xf32>
    %add3A_139 = arith.addf %add3A_124, %select_n3A_138 : vector<16xf32>
    %get3A_140 = arith.constant 16 : index
    %get3A_141 = tpu.vector_load %arg5[%get3A_140] {strides = array<i32>} : memref<128xi32, #tpu.memory_space<vmem>>, vector<8xi32>,
    %get3A_142 = vector.shape_cast %get3A_141 : vector<8xi32> to vector<8xi32>
    %swap3A_143 = arith.constant 0 : index
    %swap3A_144 = tpu.vector_load %arg6[%swap3A_143] {strides = array<i32>} : memref<8xi32, #tpu.memory_space<vmem>>, vector<8xi32>,
    %swap3A_145 = vector.shape_cast %swap3A_144 : vector<8xi32> to vector<8xi32>
    %swap3A_146 = vector.shape_cast %get3A_142 : vector<8xi32> to vector<8xi32>
    tpu.vector_store %arg6[%swap3A_143], %swap3A_146 {strides = array<i32>} : memref<8xi32, #tpu.memory_space<vmem>>, vector<8xi32>,
    %dma_start3A_147 = arith.constant 0 : i32
    %dma_start3A_148 = arith.constant 0 : i32
    %dma_start3A_149 = tpu.memref_slice %arg2[%dma_start3A_147, %dma_start3A_148] : memref<100000x4096xf32, #tpu.memory_space<hbm>> -> memref<100000x4096xf32, #tpu.memory_space<hbm>>
    tpu.enqueue_indirect_dma source(%dma_start3A_149 : memref<100000x4096xf32, #tpu.memory_space<hbm>>) target(%arg8 : memref<8x4096xf32, #tpu.memory_space<vmem>>) offsets(%arg6 : memref<8xi32, #tpu.memory_space<vmem>>) semaphore(%arg13 : memref<!tpu.dma_semaphore, #tpu.memory_space<semaphore_mem>>)
    %dma_wait3A_150 = arith.constant 0 : i32
    %dma_wait3A_151 = arith.constant 0 : i32
    %dma_wait3A_152 = tpu.memref_slice %arg2[%dma_wait3A_150, %dma_wait3A_151] : memref<100000x4096xf32, #tpu.memory_space<hbm>> -> memref<100000x4096xf32, #tpu.memory_space<hbm>>
    tpu.wait_indirect_dma semaphore(%arg14 : memref<!tpu.dma_semaphore, #tpu.memory_space<semaphore_mem>>) src(%dma_wait3A_152 : memref<100000x4096xf32, #tpu.memory_space<hbm>>) dst(%arg9 : memref<8x4096xf32, #tpu.memory_space<vmem>>)
    %add3A_153 = arith.constant 0 : i32
    %add3A_154 = arith.addi %mul3A_2, %add3A_153 : i32
    %multiple_of3A_155 = tpu.assume_multiple %add3A_154, 8 : i32
    %get3A_156 = arith.constant 0 : i32
    %get3A_157 = arith.index_cast %get3A_156 : i32 to index
    %get3A_158 = arith.index_cast %multiple_of3A_155 : i32 to index
    %get3A_159 = tpu.vector_load %arg9[%get3A_157, %get3A_158] {strides = array<i32>} : memref<8x4096xf32, #tpu.memory_space<vmem>>, vector<1x16xf32>,
    %get3A_160 = vector.shape_cast %get3A_159 : vector<1x16xf32> to vector<16xf32>
    %eq3A_161 = arith.constant 8 : i32
    %eq3A_162 = vector.broadcast %eq3A_161 : i32 to vector<16xi32>
    %eq3A_163 = arith.cmpi eq, %iota3A, %eq3A_162 : vector<16xi32>
    %jit3A_164 = arith.constant 0.000000e+00 : f32
    %broadcast_in_dim3A_165 = vector.broadcast %jit3A_164 : f32 to vector<16xf32>
    %select_n3A_166 = arith.select %eq3A_163, %get3A_160, %broadcast_in_dim3A_165 : vector<16xi1>, vector<16xf32>
    %add3A_167 = arith.addf %add3A_139, %select_n3A_166 : vector<16xf32>
    %add3A_168 = arith.constant 0 : i32
    %add3A_169 = arith.addi %mul3A_2, %add3A_168 : i32
    %multiple_of3A_170 = tpu.assume_multiple %add3A_169, 8 : i32
    %get3A_171 = arith.constant 1 : i32
    %get3A_172 = arith.index_cast %get3A_171 : i32 to index
    %get3A_173 = arith.index_cast %multiple_of3A_170 : i32 to index
    %get3A_174 = tpu.vector_load %arg9[%get3A_172, %get3A_173] {strides = array<i32>} : memref<8x4096xf32, #tpu.memory_space<vmem>>, vector<1x16xf32>,
    %get3A_175 = vector.shape_cast %get3A_174 : vector<1x16xf32> to vector<16xf32>
    %eq3A_176 = arith.constant 9 : i32
    %eq3A_177 = vector.broadcast %eq3A_176 : i32 to vector<16xi32>
    %eq3A_178 = arith.cmpi eq, %iota3A, %eq3A_177 : vector<16xi32>
    %jit3A_179 = arith.constant 0.000000e+00 : f32
    %broadcast_in_dim3A_180 = vector.broadcast %jit3A_179 : f32 to vector<16xf32>
    %select_n3A_181 = arith.select %eq3A_178, %get3A_175, %broadcast_in_dim3A_180 : vector<16xi1>, vector<16xf32>
    %add3A_182 = arith.addf %add3A_167, %select_n3A_181 : vector<16xf32>
    %add3A_183 = arith.constant 0 : i32
    %add3A_184 = arith.addi %mul3A_2, %add3A_183 : i32
    %multiple_of3A_185 = tpu.assume_multiple %add3A_184, 8 : i32
    %get3A_186 = arith.constant 2 : i32
    %get3A_187 = arith.index_cast %get3A_186 : i32 to index
    %get3A_188 = arith.index_cast %multiple_of3A_185 : i32 to index
    %get3A_189 = tpu.vector_load %arg9[%get3A_187, %get3A_188] {strides = array<i32>} : memref<8x4096xf32, #tpu.memory_space<vmem>>, vector<1x16xf32>,
    %get3A_190 = vector.shape_cast %get3A_189 : vector<1x16xf32> to vector<16xf32>
    %eq3A_191 = arith.constant 10 : i32
    %eq3A_192 = vector.broadcast %eq3A_191 : i32 to vector<16xi32>
    %eq3A_193 = arith.cmpi eq, %iota3A, %eq3A_192 : vector<16xi32>
    %jit3A_194 = arith.constant 0.000000e+00 : f32
    %broadcast_in_dim3A_195 = vector.broadcast %jit3A_194 : f32 to vector<16xf32>
    %select_n3A_196 = arith.select %eq3A_193, %get3A_190, %broadcast_in_dim3A_195 : vector<16xi1>, vector<16xf32>
    %add3A_197 = arith.addf %add3A_182, %select_n3A_196 : vector<16xf32>
    %add3A_198 = arith.constant 0 : i32
    %add3A_199 = arith.addi %mul3A_2, %add3A_198 : i32
    %multiple_of3A_200 = tpu.assume_multiple %add3A_199, 8 : i32
    %get3A_201 = arith.constant 3 : i32
    %get3A_202 = arith.index_cast %get3A_201 : i32 to index
    %get3A_203 = arith.index_cast %multiple_of3A_200 : i32 to index
    %get3A_204 = tpu.vector_load %arg9[%get3A_202, %get3A_203] {strides = array<i32>} : memref<8x4096xf32, #tpu.memory_space<vmem>>, vector<1x16xf32>,
    %get3A_205 = vector.shape_cast %get3A_204 : vector<1x16xf32> to vector<16xf32>
    %eq3A_206 = arith.constant 11 : i32
    %eq3A_207 = vector.broadcast %eq3A_206 : i32 to vector<16xi32>
    %eq3A_208 = arith.cmpi eq, %iota3A, %eq3A_207 : vector<16xi32>
    %jit3A_209 = arith.constant 0.000000e+00 : f32
    %broadcast_in_dim3A_210 = vector.broadcast %jit3A_209 : f32 to vector<16xf32>
    %select_n3A_211 = arith.select %eq3A_208, %get3A_205, %broadcast_in_dim3A_210 : vector<16xi1>, vector<16xf32>
    %add3A_212 = arith.addf %add3A_197, %select_n3A_211 : vector<16xf32>
    %add3A_213 = arith.constant 0 : i32
    %add3A_214 = arith.addi %mul3A_2, %add3A_213 : i32
    %multiple_of3A_215 = tpu.assume_multiple %add3A_214, 8 : i32
    %get3A_216 = arith.constant 4 : i32
    %get3A_217 = arith.index_cast %get3A_216 : i32 to index
    %get3A_218 = arith.index_cast %multiple_of3A_215 : i32 to index
    %get3A_219 = tpu.vector_load %arg9[%get3A_217, %get3A_218] {strides = array<i32>} : memref<8x4096xf32, #tpu.memory_space<vmem>>, vector<1x16xf32>,
    %get3A_220 = vector.shape_cast %get3A_219 : vector<1x16xf32> to vector<16xf32>
    %eq3A_221 = arith.constant 12 : i32
    %eq3A_222 = vector.broadcast %eq3A_221 : i32 to vector<16xi32>
    %eq3A_223 = arith.cmpi eq, %iota3A, %eq3A_222 : vector<16xi32>
    %jit3A_224 = arith.constant 0.000000e+00 : f32
    %broadcast_in_dim3A_225 = vector.broadcast %jit3A_224 : f32 to vector<16xf32>
    %select_n3A_226 = arith.select %eq3A_223, %get3A_220, %broadcast_in_dim3A_225 : vector<16xi1>, vector<16xf32>
    %add3A_227 = arith.addf %add3A_212, %select_n3A_226 : vector<16xf32>
    %add3A_228 = arith.constant 0 : i32
    %add3A_229 = arith.addi %mul3A_2, %add3A_228 : i32
    %multiple_of3A_230 = tpu.assume_multiple %add3A_229, 8 : i32
    %get3A_231 = arith.constant 5 : i32
    %get3A_232 = arith.index_cast %get3A_231 : i32 to index
    %get3A_233 = arith.index_cast %multiple_of3A_230 : i32 to index
    %get3A_234 = tpu.vector_load %arg9[%get3A_232, %get3A_233] {strides = array<i32>} : memref<8x4096xf32, #tpu.memory_space<vmem>>, vector<1x16xf32>,
    %get3A_235 = vector.shape_cast %get3A_234 : vector<1x16xf32> to vector<16xf32>
    %eq3A_236 = arith.constant 13 : i32
    %eq3A_237 = vector.broadcast %eq3A_236 : i32 to vector<16xi32>
    %eq3A_238 = arith.cmpi eq, %iota3A, %eq3A_237 : vector<16xi32>
    %jit3A_239 = arith.constant 0.000000e+00 : f32
    %broadcast_in_dim3A_240 = vector.broadcast %jit3A_239 : f32 to vector<16xf32>
    %select_n3A_241 = arith.select %eq3A_238, %get3A_235, %broadcast_in_dim3A_240 : vector<16xi1>, vector<16xf32>
    %add3A_242 = arith.addf %add3A_227, %select_n3A_241 : vector<16xf32>
    %add3A_243 = arith.constant 0 : i32
    %add3A_244 = arith.addi %mul3A_2, %add3A_243 : i32
    %multiple_of3A_245 = tpu.assume_multiple %add3A_244, 8 : i32
    %get3A_246 = arith.constant 6 : i32
    %get3A_247 = arith.index_cast %get3A_246 : i32 to index
    %get3A_248 = arith.index_cast %multiple_of3A_245 : i32 to index
    %get3A_249 = tpu.vector_load %arg9[%get3A_247, %get3A_248] {strides = array<i32>} : memref<8x4096xf32, #tpu.memory_space<vmem>>, vector<1x16xf32>,
    %get3A_250 = vector.shape_cast %get3A_249 : vector<1x16xf32> to vector<16xf32>
    %eq3A_251 = arith.constant 14 : i32
    %eq3A_252 = vector.broadcast %eq3A_251 : i32 to vector<16xi32>
    %eq3A_253 = arith.cmpi eq, %iota3A, %eq3A_252 : vector<16xi32>
    %jit3A_254 = arith.constant 0.000000e+00 : f32
    %broadcast_in_dim3A_255 = vector.broadcast %jit3A_254 : f32 to vector<16xf32>
    %select_n3A_256 = arith.select %eq3A_253, %get3A_250, %broadcast_in_dim3A_255 : vector<16xi1>, vector<16xf32>
    %add3A_257 = arith.addf %add3A_242, %select_n3A_256 : vector<16xf32>
    %add3A_258 = arith.constant 0 : i32
    %add3A_259 = arith.addi %mul3A_2, %add3A_258 : i32
    %multiple_of3A_260 = tpu.assume_multiple %add3A_259, 8 : i32
    %get3A_261 = arith.constant 7 : i32
    %get3A_262 = arith.index_cast %get3A_261 : i32 to index
    %get3A_263 = arith.index_cast %multiple_of3A_260 : i32 to index
    %get3A_264 = tpu.vector_load %arg9[%get3A_262, %get3A_263] {strides = array<i32>} : memref<8x4096xf32, #tpu.memory_space<vmem>>, vector<1x16xf32>,
    %get3A_265 = vector.shape_cast %get3A_264 : vector<1x16xf32> to vector<16xf32>
    %eq3A_266 = arith.constant 15 : i32
    %eq3A_267 = vector.broadcast %eq3A_266 : i32 to vector<16xi32>
    %eq3A_268 = arith.cmpi eq, %iota3A, %eq3A_267 : vector<16xi32>
    %jit3A_269 = arith.constant 0.000000e+00 : f32
    %broadcast_in_dim3A_270 = vector.broadcast %jit3A_269 : f32 to vector<16xf32>
    %select_n3A_271 = arith.select %eq3A_268, %get3A_265, %broadcast_in_dim3A_270 : vector<16xi1>, vector<16xf32>
    %add3A_272 = arith.addf %add3A_257, %select_n3A_271 : vector<16xf32>
    %get3A_273 = arith.constant 24 : index
    %get3A_274 = tpu.vector_load %arg5[%get3A_273] {strides = array<i32>} : memref<128xi32, #tpu.memory_space<vmem>>, vector<8xi32>,
    %get3A_275 = vector.shape_cast %get3A_274 : vector<8xi32> to vector<8xi32>
    %swap3A_276 = arith.constant 0 : index
    %swap3A_277 = tpu.vector_load %arg7[%swap3A_276] {strides = array<i32>} : memref<8xi32, #tpu.memory_space<vmem>>, vector<8xi32>,
    %swap3A_278 = vector.shape_cast %swap3A_277 : vector<8xi32> to vector<8xi32>
    %swap3A_279 = vector.shape_cast %get3A_275 : vector<8xi32> to vector<8xi32>
    tpu.vector_store %arg7[%swap3A_276], %swap3A_279 {strides = array<i32>} : memref<8xi32, #tpu.memory_space<vmem>>, vector<8xi32>,
    %dma_start3A_280 = arith.constant 0 : i32
    %dma_start3A_281 = arith.constant 0 : i32
    %dma_start3A_282 = tpu.memref_slice %arg2[%dma_start3A_280, %dma_start3A_281] : memref<100000x4096xf32, #tpu.memory_space<hbm>> -> memref<100000x4096xf32, #tpu.memory_space<hbm>>
    tpu.enqueue_indirect_dma source(%dma_start3A_282 : memref<100000x4096xf32, #tpu.memory_space<hbm>>) target(%arg9 : memref<8x4096xf32, #tpu.memory_space<vmem>>) offsets(%arg7 : memref<8xi32, #tpu.memory_space<vmem>>) semaphore(%arg14 : memref<!tpu.dma_semaphore, #tpu.memory_space<semaphore_mem>>)
    %dma_wait3A_283 = arith.constant 0 : i32
    %dma_wait3A_284 = arith.constant 0 : i32
    %dma_wait3A_285 = tpu.memref_slice %arg2[%dma_wait3A_283, %dma_wait3A_284] : memref<100000x4096xf32, #tpu.memory_space<hbm>> -> memref<100000x4096xf32, #tpu.memory_space<hbm>>
    tpu.wait_indirect_dma semaphore(%arg13 : memref<!tpu.dma_semaphore, #tpu.memory_space<semaphore_mem>>) src(%dma_wait3A_285 : memref<100000x4096xf32, #tpu.memory_space<hbm>>) dst(%arg8 : memref<8x4096xf32, #tpu.memory_space<vmem>>)
    %add3A_286 = arith.constant 16 : i32
    %add3A_287 = arith.addi %mul3A_2, %add3A_286 : i32
    %multiple_of3A_288 = tpu.assume_multiple %add3A_287, 8 : i32
    %get3A_289 = arith.constant 0 : i32
    %get3A_290 = arith.index_cast %get3A_289 : i32 to index
    %get3A_291 = arith.index_cast %multiple_of3A_288 : i32 to index
    %get3A_292 = tpu.vector_load %arg8[%get3A_290, %get3A_291] {strides = array<i32>} : memref<8x4096xf32, #tpu.memory_space<vmem>>, vector<1x16xf32>,
    %get3A_293 = vector.shape_cast %get3A_292 : vector<1x16xf32> to vector<16xf32>
    %eq3A_294 = arith.constant 0 : i32
    %eq3A_295 = vector.broadcast %eq3A_294 : i32 to vector<16xi32>
    %eq3A_296 = arith.cmpi eq, %iota3A, %eq3A_295 : vector<16xi32>
    %jit3A_297 = arith.constant 0.000000e+00 : f32
    %broadcast_in_dim3A_298 = vector.broadcast %jit3A_297 : f32 to vector<16xf32>
    %select_n3A_299 = arith.select %eq3A_296, %get3A_293, %broadcast_in_dim3A_298 : vector<16xi1>, vector<16xf32>
    %add3A_300 = arith.addf %add3A_272, %select_n3A_299 : vector<16xf32>
    %add3A_301 = arith.constant 16 : i32
    %add3A_302 = arith.addi %mul3A_2, %add3A_301 : i32
    %multiple_of3A_303 = tpu.assume_multiple %add3A_302, 8 : i32
    %get3A_304 = arith.constant 1 : i32
    %get3A_305 = arith.index_cast %get3A_304 : i32 to index
    %get3A_306 = arith.index_cast %multiple_of3A_303 : i32 to index
    %get3A_307 = tpu.vector_load %arg8[%get3A_305, %get3A_306] {strides = array<i32>} : memref<8x4096xf32, #tpu.memory_space<vmem>>, vector<1x16xf32>,
    %get3A_308 = vector.shape_cast %get3A_307 : vector<1x16xf32> to vector<16xf32>
    %eq3A_309 = arith.constant 1 : i32
    %eq3A_310 = vector.broadcast %eq3A_309 : i32 to vector<16xi32>
    %eq3A_311 = arith.cmpi eq, %iota3A, %eq3A_310 : vector<16xi32>
    %jit3A_312 = arith.constant 0.000000e+00 : f32
    %broadcast_in_dim3A_313 = vector.broadcast %jit3A_312 : f32 to vector<16xf32>
    %select_n3A_314 = arith.select %eq3A_311, %get3A_308, %broadcast_in_dim3A_313 : vector<16xi1>, vector<16xf32>
    %add3A_315 = arith.addf %add3A_300, %select_n3A_314 : vector<16xf32>
    %add3A_316 = arith.constant 16 : i32
    %add3A_317 = arith.addi %mul3A_2, %add3A_316 : i32
    %multiple_of3A_318 = tpu.assume_multiple %add3A_317, 8 : i32
    %get3A_319 = arith.constant 2 : i32
    %get3A_320 = arith.index_cast %get3A_319 : i32 to index
    %get3A_321 = arith.index_cast %multiple_of3A_318 : i32 to index
    %get3A_322 = tpu.vector_load %arg8[%get3A_320, %get3A_321] {strides = array<i32>} : memref<8x4096xf32, #tpu.memory_space<vmem>>, vector<1x16xf32>,
    %get3A_323 = vector.shape_cast %get3A_322 : vector<1x16xf32> to vector<16xf32>
    %eq3A_324 = arith.constant 2 : i32
    %eq3A_325 = vector.broadcast %eq3A_324 : i32 to vector<16xi32>
    %eq3A_326 = arith.cmpi eq, %iota3A, %eq3A_325 : vector<16xi32>
    %jit3A_327 = arith.constant 0.000000e+00 : f32
    %broadcast_in_dim3A_328 = vector.broadcast %jit3A_327 : f32 to vector<16xf32>
    %select_n3A_329 = arith.select %eq3A_326, %get3A_323, %broadcast_in_dim3A_328 : vector<16xi1>, vector<16xf32>
    %add3A_330 = arith.addf %add3A_315, %select_n3A_329 : vector<16xf32>
    %add3A_331 = arith.constant 16 : i32
    %add3A_332 = arith.addi %mul3A_2, %add3A_331 : i32
    %multiple_of3A_333 = tpu.assume_multiple %add3A_332, 8 : i32
    %get3A_334 = arith.constant 3 : i32
    %get3A_335 = arith.index_cast %get3A_334 : i32 to index
    %get3A_336 = arith.index_cast %multiple_of3A_333 : i32 to index
    %get3A_337 = tpu.vector_load %arg8[%get3A_335, %get3A_336] {strides = array<i32>} : memref<8x4096xf32, #tpu.memory_space<vmem>>, vector<1x16xf32>,
    %get3A_338 = vector.shape_cast %get3A_337 : vector<1x16xf32> to vector<16xf32>
    %eq3A_339 = arith.constant 3 : i32
    %eq3A_340 = vector.broadcast %eq3A_339 : i32 to vector<16xi32>
    %eq3A_341 = arith.cmpi eq, %iota3A, %eq3A_340 : vector<16xi32>
    %jit3A_342 = arith.constant 0.000000e+00 : f32
    %broadcast_in_dim3A_343 = vector.broadcast %jit3A_342 : f32 to vector<16xf32>
    %select_n3A_344 = arith.select %eq3A_341, %get3A_338, %broadcast_in_dim3A_343 : vector<16xi1>, vector<16xf32>
    %add3A_345 = arith.addf %add3A_330, %select_n3A_344 : vector<16xf32>
    %add3A_346 = arith.constant 16 : i32
    %add3A_347 = arith.addi %mul3A_2, %add3A_346 : i32
    %multiple_of3A_348 = tpu.assume_multiple %add3A_347, 8 : i32
    %get3A_349 = arith.constant 4 : i32
    %get3A_350 = arith.index_cast %get3A_349 : i32 to index
    %get3A_351 = arith.index_cast %multiple_of3A_348 : i32 to index
    %get3A_352 = tpu.vector_load %arg8[%get3A_350, %get3A_351] {strides = array<i32>} : memref<8x4096xf32, #tpu.memory_space<vmem>>, vector<1x16xf32>,
    %get3A_353 = vector.shape_cast %get3A_352 : vector<1x16xf32> to vector<16xf32>
    %eq3A_354 = arith.constant 4 : i32
    %eq3A_355 = vector.broadcast %eq3A_354 : i32 to vector<16xi32>
    %eq3A_356 = arith.cmpi eq, %iota3A, %eq3A_355 : vector<16xi32>
    %jit3A_357 = arith.constant 0.000000e+00 : f32
    %broadcast_in_dim3A_358 = vector.broadcast %jit3A_357 : f32 to vector<16xf32>
    %select_n3A_359 = arith.select %eq3A_356, %get3A_353, %broadcast_in_dim3A_358 : vector<16xi1>, vector<16xf32>
    %add3A_360 = arith.addf %add3A_345, %select_n3A_359 : vector<16xf32>
    %add3A_361 = arith.constant 16 : i32
    %add3A_362 = arith.addi %mul3A_2, %add3A_361 : i32
    %multiple_of3A_363 = tpu.assume_multiple %add3A_362, 8 : i32
    %get3A_364 = arith.constant 5 : i32
    %get3A_365 = arith.index_cast %get3A_364 : i32 to index
    %get3A_366 = arith.index_cast %multiple_of3A_363 : i32 to index
    %get3A_367 = tpu.vector_load %arg8[%get3A_365, %get3A_366] {strides = array<i32>} : memref<8x4096xf32, #tpu.memory_space<vmem>>, vector<1x16xf32>,
    %get3A_368 = vector.shape_cast %get3A_367 : vector<1x16xf32> to vector<16xf32>
    %eq3A_369 = arith.constant 5 : i32
    %eq3A_370 = vector.broadcast %eq3A_369 : i32 to vector<16xi32>
    %eq3A_371 = arith.cmpi eq, %iota3A, %eq3A_370 : vector<16xi32>
    %jit3A_372 = arith.constant 0.000000e+00 : f32
    %broadcast_in_dim3A_373 = vector.broadcast %jit3A_372 : f32 to vector<16xf32>
    %select_n3A_374 = arith.select %eq3A_371, %get3A_368, %broadcast_in_dim3A_373 : vector<16xi1>, vector<16xf32>
    %add3A_375 = arith.addf %add3A_360, %select_n3A_374 : vector<16xf32>
    %add3A_376 = arith.constant 16 : i32
    %add3A_377 = arith.addi %mul3A_2, %add3A_376 : i32
    %multiple_of3A_378 = tpu.assume_multiple %add3A_377, 8 : i32
    %get3A_379 = arith.constant 6 : i32
    %get3A_380 = arith.index_cast %get3A_379 : i32 to index
    %get3A_381 = arith.index_cast %multiple_of3A_378 : i32 to index
    %get3A_382 = tpu.vector_load %arg8[%get3A_380, %get3A_381] {strides = array<i32>} : memref<8x4096xf32, #tpu.memory_space<vmem>>, vector<1x16xf32>,
    %get3A_383 = vector.shape_cast %get3A_382 : vector<1x16xf32> to vector<16xf32>
    %eq3A_384 = arith.constant 6 : i32
    %eq3A_385 = vector.broadcast %eq3A_384 : i32 to vector<16xi32>
    %eq3A_386 = arith.cmpi eq, %iota3A, %eq3A_385 : vector<16xi32>
    %jit3A_387 = arith.constant 0.000000e+00 : f32
    %broadcast_in_dim3A_388 = vector.broadcast %jit3A_387 : f32 to vector<16xf32>
    %select_n3A_389 = arith.select %eq3A_386, %get3A_383, %broadcast_in_dim3A_388 : vector<16xi1>, vector<16xf32>
    %add3A_390 = arith.addf %add3A_375, %select_n3A_389 : vector<16xf32>
    %add3A_391 = arith.constant 16 : i32
    %add3A_392 = arith.addi %mul3A_2, %add3A_391 : i32
    %multiple_of3A_393 = tpu.assume_multiple %add3A_392, 8 : i32
    %get3A_394 = arith.constant 7 : i32
    %get3A_395 = arith.index_cast %get3A_394 : i32 to index
    %get3A_396 = arith.index_cast %multiple_of3A_393 : i32 to index
    %get3A_397 = tpu.vector_load %arg8[%get3A_395, %get3A_396] {strides = array<i32>} : memref<8x4096xf32, #tpu.memory_space<vmem>>, vector<1x16xf32>,
    %get3A_398 = vector.shape_cast %get3A_397 : vector<1x16xf32> to vector<16xf32>
    %eq3A_399 = arith.constant 7 : i32
    %eq3A_400 = vector.broadcast %eq3A_399 : i32 to vector<16xi32>
    %eq3A_401 = arith.cmpi eq, %iota3A, %eq3A_400 : vector<16xi32>
    %jit3A_402 = arith.constant 0.000000e+00 : f32
    %broadcast_in_dim3A_403 = vector.broadcast %jit3A_402 : f32 to vector<16xf32>
    %select_n3A_404 = arith.select %eq3A_401, %get3A_398, %broadcast_in_dim3A_403 : vector<16xi1>, vector<16xf32>
    %add3A_405 = arith.addf %add3A_390, %select_n3A_404 : vector<16xf32>
    %get3A_406 = arith.constant 32 : index
    %get3A_407 = tpu.vector_load %arg5[%get3A_406] {strides = array<i32>} : memref<128xi32, #tpu.memory_space<vmem>>, vector<8xi32>,
    %get3A_408 = vector.shape_cast %get3A_407 : vector<8xi32> to vector<8xi32>
    %swap3A_409 = arith.constant 0 : index
    %swap3A_410 = tpu.vector_load %arg6[%swap3A_409] {strides = array<i32>} : memref<8xi32, #tpu.memory_space<vmem>>, vector<8xi32>,
    %swap3A_411 = vector.shape_cast %swap3A_410 : vector<8xi32> to vector<8xi32>
    %swap3A_412 = vector.shape_cast %get3A_408 : vector<8xi32> to vector<8xi32>
    tpu.vector_store %arg6[%swap3A_409], %swap3A_412 {strides = array<i32>} : memref<8xi32, #tpu.memory_space<vmem>>, vector<8xi32>,
    %dma_start3A_413 = arith.constant 0 : i32
    %dma_start3A_414 = arith.constant 0 : i32
    %dma_start3A_415 = tpu.memref_slice %arg2[%dma_start3A_413, %dma_start3A_414] : memref<100000x4096xf32, #tpu.memory_space<hbm>> -> memref<100000x4096xf32, #tpu.memory_space<hbm>>
    tpu.enqueue_indirect_dma source(%dma_start3A_415 : memref<100000x4096xf32, #tpu.memory_space<hbm>>) target(%arg8 : memref<8x4096xf32, #tpu.memory_space<vmem>>) offsets(%arg6 : memref<8xi32, #tpu.memory_space<vmem>>) semaphore(%arg13 : memref<!tpu.dma_semaphore, #tpu.memory_space<semaphore_mem>>)
    %dma_wait3A_416 = arith.constant 0 : i32
    %dma_wait3A_417 = arith.constant 0 : i32
    %dma_wait3A_418 = tpu.memref_slice %arg2[%dma_wait3A_416, %dma_wait3A_417] : memref<100000x4096xf32, #tpu.memory_space<hbm>> -> memref<100000x4096xf32, #tpu.memory_space<hbm>>
    tpu.wait_indirect_dma semaphore(%arg14 : memref<!tpu.dma_semaphore, #tpu.memory_space<semaphore_mem>>) src(%dma_wait3A_418 : memref<100000x4096xf32, #tpu.memory_space<hbm>>) dst(%arg9 : memref<8x4096xf32, #tpu.memory_space<vmem>>)
    %add3A_419 = arith.constant 16 : i32
    %add3A_420 = arith.addi %mul3A_2, %add3A_419 : i32
    %multiple_of3A_421 = tpu.assume_multiple %add3A_420, 8 : i32
    %get3A_422 = arith.constant 0 : i32
    %get3A_423 = arith.index_cast %get3A_422 : i32 to index
    %get3A_424 = arith.index_cast %multiple_of3A_421 : i32 to index
    %get3A_425 = tpu.vector_load %arg9[%get3A_423, %get3A_424] {strides = array<i32>} : memref<8x4096xf32, #tpu.memory_space<vmem>>, vector<1x16xf32>,
    %get3A_426 = vector.shape_cast %get3A_425 : vector<1x16xf32> to vector<16xf32>
    %eq3A_427 = arith.constant 8 : i32
    %eq3A_428 = vector.broadcast %eq3A_427 : i32 to vector<16xi32>
    %eq3A_429 = arith.cmpi eq, %iota3A, %eq3A_428 : vector<16xi32>
    %jit3A_430 = arith.constant 0.000000e+00 : f32
    %broadcast_in_dim3A_431 = vector.broadcast %jit3A_430 : f32 to vector<16xf32>
    %select_n3A_432 = arith.select %eq3A_429, %get3A_426, %broadcast_in_dim3A_431 : vector<16xi1>, vector<16xf32>
    %add3A_433 = arith.addf %add3A_405, %select_n3A_432 : vector<16xf32>
    %add3A_434 = arith.constant 16 : i32
    %add3A_435 = arith.addi %mul3A_2, %add3A_434 : i32
    %multiple_of3A_436 = tpu.assume_multiple %add3A_435, 8 : i32
    %get3A_437 = arith.constant 1 : i32
    %get3A_438 = arith.index_cast %get3A_437 : i32 to index
    %get3A_439 = arith.index_cast %multiple_of3A_436 : i32 to index
    %get3A_440 = tpu.vector_load %arg9[%get3A_438, %get3A_439] {strides = array<i32>} : memref<8x4096xf32, #tpu.memory_space<vmem>>, vector<1x16xf32>,
    %get3A_441 = vector.shape_cast %get3A_440 : vector<1x16xf32> to vector<16xf32>
    %eq3A_442 = arith.constant 9 : i32
    %eq3A_443 = vector.broadcast %eq3A_442 : i32 to vector<16xi32>
    %eq3A_444 = arith.cmpi eq, %iota3A, %eq3A_443 : vector<16xi32>
    %jit3A_445 = arith.constant 0.000000e+00 : f32
    %broadcast_in_dim3A_446 = vector.broadcast %jit3A_445 : f32 to vector<16xf32>
    %select_n3A_447 = arith.select %eq3A_444, %get3A_441, %broadcast_in_dim3A_446 : vector<16xi1>, vector<16xf32>
    %add3A_448 = arith.addf %add3A_433, %select_n3A_447 : vector<16xf32>
    %add3A_449 = arith.constant 16 : i32
    %add3A_450 = arith.addi %mul3A_2, %add3A_449 : i32
    %multiple_of3A_451 = tpu.assume_multiple %add3A_450, 8 : i32
    %get3A_452 = arith.constant 2 : i32
    %get3A_453 = arith.index_cast %get3A_452 : i32 to index
    %get3A_454 = arith.index_cast %multiple_of3A_451 : i32 to index
    %get3A_455 = tpu.vector_load %arg9[%get3A_453, %get3A_454] {strides = array<i32>} : memref<8x4096xf32, #tpu.memory_space<vmem>>, vector<1x16xf32>,
    %get3A_456 = vector.shape_cast %get3A_455 : vector<1x16xf32> to vector<16xf32>
    %eq3A_457 = arith.constant 10 : i32
    %eq3A_458 = vector.broadcast %eq3A_457 : i32 to vector<16xi32>
    %eq3A_459 = arith.cmpi eq, %iota3A, %eq3A_458 : vector<16xi32>
    %jit3A_460 = arith.constant 0.000000e+00 : f32
    %broadcast_in_dim3A_461 = vector.broadcast %jit3A_460 : f32 to vector<16xf32>
    %select_n3A_462 = arith.select %eq3A_459, %get3A_456, %broadcast_in_dim3A_461 : vector<16xi1>, vector<16xf32>
    %add3A_463 = arith.addf %add3A_448, %select_n3A_462 : vector<16xf32>
    %add3A_464 = arith.constant 16 : i32
    %add3A_465 = arith.addi %mul3A_2, %add3A_464 : i32
    %multiple_of3A_466 = tpu.assume_multiple %add3A_465, 8 : i32
    %get3A_467 = arith.constant 3 : i32
    %get3A_468 = arith.index_cast %get3A_467 : i32 to index
    %get3A_469 = arith.index_cast %multiple_of3A_466 : i32 to index
    %get3A_470 = tpu.vector_load %arg9[%get3A_468, %get3A_469] {strides = array<i32>} : memref<8x4096xf32, #tpu.memory_space<vmem>>, vector<1x16xf32>,
    %get3A_471 = vector.shape_cast %get3A_470 : vector<1x16xf32> to vector<16xf32>
    %eq3A_472 = arith.constant 11 : i32
    %eq3A_473 = vector.broadcast %eq3A_472 : i32 to vector<16xi32>
    %eq3A_474 = arith.cmpi eq, %iota3A, %eq3A_473 : vector<16xi32>
    %jit3A_475 = arith.constant 0.000000e+00 : f32
    %broadcast_in_dim3A_476 = vector.broadcast %jit3A_475 : f32 to vector<16xf32>
    %select_n3A_477 = arith.select %eq3A_474, %get3A_471, %broadcast_in_dim3A_476 : vector<16xi1>, vector<16xf32>
    %add3A_478 = arith.addf %add3A_463, %select_n3A_477 : vector<16xf32>
    %add3A_479 = arith.constant 16 : i32
    %add3A_480 = arith.addi %mul3A_2, %add3A_479 : i32
    %multiple_of3A_481 = tpu.assume_multiple %add3A_480, 8 : i32
    %get3A_482 = arith.constant 4 : i32
    %get3A_483 = arith.index_cast %get3A_482 : i32 to index
    %get3A_484 = arith.index_cast %multiple_of3A_481 : i32 to index
    %get3A_485 = tpu.vector_load %arg9[%get3A_483, %get3A_484] {strides = array<i32>} : memref<8x4096xf32, #tpu.memory_space<vmem>>, vector<1x16xf32>,
    %get3A_486 = vector.shape_cast %get3A_485 : vector<1x16xf32> to vector<16xf32>
    %eq3A_487 = arith.constant 12 : i32
    %eq3A_488 = vector.broadcast %eq3A_487 : i32 to vector<16xi32>
    %eq3A_489 = arith.cmpi eq, %iota3A, %eq3A_488 : vector<16xi32>
    %jit3A_490 = arith.constant 0.000000e+00 : f32
    %broadcast_in_dim3A_491 = vector.broadcast %jit3A_490 : f32 to vector<16xf32>
    %select_n3A_492 = arith.select %eq3A_489, %get3A_486, %broadcast_in_dim3A_491 : vector<16xi1>, vector<16xf32>
    %add3A_493 = arith.addf %add3A_478, %select_n3A_492 : vector<16xf32>
    %add3A_494 = arith.constant 16 : i32
    %add3A_495 = arith.addi %mul3A_2, %add3A_494 : i32
    %multiple_of3A_496 = tpu.assume_multiple %add3A_495, 8 : i32
    %get3A_497 = arith.constant 5 : i32
    %get3A_498 = arith.index_cast %get3A_497 : i32 to index
    %get3A_499 = arith.index_cast %multiple_of3A_496 : i32 to index
    %get3A_500 = tpu.vector_load %arg9[%get3A_498, %get3A_499] {strides = array<i32>} : memref<8x4096xf32, #tpu.memory_space<vmem>>, vector<1x16xf32>,
    %get3A_501 = vector.shape_cast %get3A_500 : vector<1x16xf32> to vector<16xf32>
    %eq3A_502 = arith.constant 13 : i32
    %eq3A_503 = vector.broadcast %eq3A_502 : i32 to vector<16xi32>
    %eq3A_504 = arith.cmpi eq, %iota3A, %eq3A_503 : vector<16xi32>
    %jit3A_505 = arith.constant 0.000000e+00 : f32
    %broadcast_in_dim3A_506 = vector.broadcast %jit3A_505 : f32 to vector<16xf32>
    %select_n3A_507 = arith.select %eq3A_504, %get3A_501, %broadcast_in_dim3A_506 : vector<16xi1>, vector<16xf32>
    %add3A_508 = arith.addf %add3A_493, %select_n3A_507 : vector<16xf32>
    %add3A_509 = arith.constant 16 : i32
    %add3A_510 = arith.addi %mul3A_2, %add3A_509 : i32
    %multiple_of3A_511 = tpu.assume_multiple %add3A_510, 8 : i32
    %get3A_512 = arith.constant 6 : i32
    %get3A_513 = arith.index_cast %get3A_512 : i32 to index
    %get3A_514 = arith.index_cast %multiple_of3A_511 : i32 to index
    %get3A_515 = tpu.vector_load %arg9[%get3A_513, %get3A_514] {strides = array<i32>} : memref<8x4096xf32, #tpu.memory_space<vmem>>, vector<1x16xf32>,
    %get3A_516 = vector.shape_cast %get3A_515 : vector<1x16xf32> to vector<16xf32>
    %eq3A_517 = arith.constant 14 : i32
    %eq3A_518 = vector.broadcast %eq3A_517 : i32 to vector<16xi32>
    %eq3A_519 = arith.cmpi eq, %iota3A, %eq3A_518 : vector<16xi32>
    %jit3A_520 = arith.constant 0.000000e+00 : f32
    %broadcast_in_dim3A_521 = vector.broadcast %jit3A_520 : f32 to vector<16xf32>
    %select_n3A_522 = arith.select %eq3A_519, %get3A_516, %broadcast_in_dim3A_521 : vector<16xi1>, vector<16xf32>
    %add3A_523 = arith.addf %add3A_508, %select_n3A_522 : vector<16xf32>
    %add3A_524 = arith.constant 16 : i32
    %add3A_525 = arith.addi %mul3A_2, %add3A_524 : i32
    %multiple_of3A_526 = tpu.assume_multiple %add3A_525, 8 : i32
    %get3A_527 = arith.constant 7 : i32
    %get3A_528 = arith.index_cast %get3A_527 : i32 to index
    %get3A_529 = arith.index_cast %multiple_of3A_526 : i32 to index
    %get3A_530 = tpu.vector_load %arg9[%get3A_528, %get3A_529] {strides = array<i32>} : memref<8x4096xf32, #tpu.memory_space<vmem>>, vector<1x16xf32>,
    %get3A_531 = vector.shape_cast %get3A_530 : vector<1x16xf32> to vector<16xf32>
    %eq3A_532 = arith.constant 15 : i32
    %eq3A_533 = vector.broadcast %eq3A_532 : i32 to vector<16xi32>
    %eq3A_534 = arith.cmpi eq, %iota3A, %eq3A_533 : vector<16xi32>
    %jit3A_535 = arith.constant 0.000000e+00 : f32
    %broadcast_in_dim3A_536 = vector.broadcast %jit3A_535 : f32 to vector<16xf32>
    %select_n3A_537 = arith.select %eq3A_534, %get3A_531, %broadcast_in_dim3A_536 : vector<16xi1>, vector<16xf32>
    %add3A_538 = arith.addf %add3A_523, %select_n3A_537 : vector<16xf32>
    %get3A_539 = arith.constant 40 : index
    %get3A_540 = tpu.vector_load %arg5[%get3A_539] {strides = array<i32>} : memref<128xi32, #tpu.memory_space<vmem>>, vector<8xi32>,
    %get3A_541 = vector.shape_cast %get3A_540 : vector<8xi32> to vector<8xi32>
    %swap3A_542 = arith.constant 0 : index
    %swap3A_543 = tpu.vector_load %arg7[%swap3A_542] {strides = array<i32>} : memref<8xi32, #tpu.memory_space<vmem>>, vector<8xi32>,
    %swap3A_544 = vector.shape_cast %swap3A_543 : vector<8xi32> to vector<8xi32>
    %swap3A_545 = vector.shape_cast %get3A_541 : vector<8xi32> to vector<8xi32>
    tpu.vector_store %arg7[%swap3A_542], %swap3A_545 {strides = array<i32>} : memref<8xi32, #tpu.memory_space<vmem>>, vector<8xi32>,
    %dma_start3A_546 = arith.constant 0 : i32
    %dma_start3A_547 = arith.constant 0 : i32
    %dma_start3A_548 = tpu.memref_slice %arg2[%dma_start3A_546, %dma_start3A_547] : memref<100000x4096xf32, #tpu.memory_space<hbm>> -> memref<100000x4096xf32, #tpu.memory_space<hbm>>
    tpu.enqueue_indirect_dma source(%dma_start3A_548 : memref<100000x4096xf32, #tpu.memory_space<hbm>>) target(%arg9 : memref<8x4096xf32, #tpu.memory_space<vmem>>) offsets(%arg7 : memref<8xi32, #tpu.memory_space<vmem>>) semaphore(%arg14 : memref<!tpu.dma_semaphore, #tpu.memory_space<semaphore_mem>>)
    %dma_wait3A_549 = arith.constant 0 : i32
    %dma_wait3A_550 = arith.constant 0 : i32
    %dma_wait3A_551 = tpu.memref_slice %arg2[%dma_wait3A_549, %dma_wait3A_550] : memref<100000x4096xf32, #tpu.memory_space<hbm>> -> memref<100000x4096xf32, #tpu.memory_space<hbm>>
    tpu.wait_indirect_dma semaphore(%arg13 : memref<!tpu.dma_semaphore, #tpu.memory_space<semaphore_mem>>) src(%dma_wait3A_551 : memref<100000x4096xf32, #tpu.memory_space<hbm>>) dst(%arg8 : memref<8x4096xf32, #tpu.memory_space<vmem>>)
    %add3A_552 = arith.constant 32 : i32
    %add3A_553 = arith.addi %mul3A_2, %add3A_552 : i32
    %multiple_of3A_554 = tpu.assume_multiple %add3A_553, 8 : i32
    %get3A_555 = arith.constant 0 : i32
    %get3A_556 = arith.index_cast %get3A_555 : i32 to index
    %get3A_557 = arith.index_cast %multiple_of3A_554 : i32 to index
    %get3A_558 = tpu.vector_load %arg8[%get3A_556, %get3A_557] {strides = array<i32>} : memref<8x4096xf32, #tpu.memory_space<vmem>>, vector<1x16xf32>,
    %get3A_559 = vector.shape_cast %get3A_558 : vector<1x16xf32> to vector<16xf32>
    %eq3A_560 = arith.constant 0 : i32
    %eq3A_561 = vector.broadcast %eq3A_560 : i32 to vector<16xi32>
    %eq3A_562 = arith.cmpi eq, %iota3A, %eq3A_561 : vector<16xi32>
    %jit3A_563 = arith.constant 0.000000e+00 : f32
    %broadcast_in_dim3A_564 = vector.broadcast %jit3A_563 : f32 to vector<16xf32>
    %select_n3A_565 = arith.select %eq3A_562, %get3A_559, %broadcast_in_dim3A_564 : vector<16xi1>, vector<16xf32>
    %add3A_566 = arith.addf %add3A_538, %select_n3A_565 : vector<16xf32>
    %add3A_567 = arith.constant 32 : i32
    %add3A_568 = arith.addi %mul3A_2, %add3A_567 : i32
    %multiple_of3A_569 = tpu.assume_multiple %add3A_568, 8 : i32
    %get3A_570 = arith.constant 1 : i32
    %get3A_571 = arith.index_cast %get3A_570 : i32 to index
    %get3A_572 = arith.index_cast %multiple_of3A_569 : i32 to index
    %get3A_573 = tpu.vector_load %arg8[%get3A_571, %get3A_572] {strides = array<i32>} : memref<8x4096xf32, #tpu.memory_space<vmem>>, vector<1x16xf32>,
    %get3A_574 = vector.shape_cast %get3A_573 : vector<1x16xf32> to vector<16xf32>
    %eq3A_575 = arith.constant 1 : i32
    %eq3A_576 = vector.broadcast %eq3A_575 : i32 to vector<16xi32>
    %eq3A_577 = arith.cmpi eq, %iota3A, %eq3A_576 : vector<16xi32>
    %jit3A_578 = arith.constant 0.000000e+00 : f32
    %broadcast_in_dim3A_579 = vector.broadcast %jit3A_578 : f32 to vector<16xf32>
    %select_n3A_580 = arith.select %eq3A_577, %get3A_574, %broadcast_in_dim3A_579 : vector<16xi1>, vector<16xf32>
    %add3A_581 = arith.addf %add3A_566, %select_n3A_580 : vector<16xf32>
    %add3A_582 = arith.constant 32 : i32
    %add3A_583 = arith.addi %mul3A_2, %add3A_582 : i32
    %multiple_of3A_584 = tpu.assume_multiple %add3A_583, 8 : i32
    %get3A_585 = arith.constant 2 : i32
    %get3A_586 = arith.index_cast %get3A_585 : i32 to index
    %get3A_587 = arith.index_cast %multiple_of3A_584 : i32 to index
    %get3A_588 = tpu.vector_load %arg8[%get3A_586, %get3A_587] {strides = array<i32>} : memref<8x4096xf32, #tpu.memory_space<vmem>>, vector<1x16xf32>,
    %get3A_589 = vector.shape_cast %get3A_588 : vector<1x16xf32> to vector<16xf32>
    %eq3A_590 = arith.constant 2 : i32
    %eq3A_591 = vector.broadcast %eq3A_590 : i32 to vector<16xi32>
    %eq3A_592 = arith.cmpi eq, %iota3A, %eq3A_591 : vector<16xi32>
    %jit3A_593 = arith.constant 0.000000e+00 : f32
    %broadcast_in_dim3A_594 = vector.broadcast %jit3A_593 : f32 to vector<16xf32>
    %select_n3A_595 = arith.select %eq3A_592, %get3A_589, %broadcast_in_dim3A_594 : vector<16xi1>, vector<16xf32>
    %add3A_596 = arith.addf %add3A_581, %select_n3A_595 : vector<16xf32>
    %add3A_597 = arith.constant 32 : i32
    %add3A_598 = arith.addi %mul3A_2, %add3A_597 : i32
    %multiple_of3A_599 = tpu.assume_multiple %add3A_598, 8 : i32
    %get3A_600 = arith.constant 3 : i32
    %get3A_601 = arith.index_cast %get3A_600 : i32 to index
    %get3A_602 = arith.index_cast %multiple_of3A_599 : i32 to index
    %get3A_603 = tpu.vector_load %arg8[%get3A_601, %get3A_602] {strides = array<i32>} : memref<8x4096xf32, #tpu.memory_space<vmem>>, vector<1x16xf32>,
    %get3A_604 = vector.shape_cast %get3A_603 : vector<1x16xf32> to vector<16xf32>
    %eq3A_605 = arith.constant 3 : i32
    %eq3A_606 = vector.broadcast %eq3A_605 : i32 to vector<16xi32>
    %eq3A_607 = arith.cmpi eq, %iota3A, %eq3A_606 : vector<16xi32>
    %jit3A_608 = arith.constant 0.000000e+00 : f32
    %broadcast_in_dim3A_609 = vector.broadcast %jit3A_608 : f32 to vector<16xf32>
    %select_n3A_610 = arith.select %eq3A_607, %get3A_604, %broadcast_in_dim3A_609 : vector<16xi1>, vector<16xf32>
    %add3A_611 = arith.addf %add3A_596, %select_n3A_610 : vector<16xf32>
    %add3A_612 = arith.constant 32 : i32
    %add3A_613 = arith.addi %mul3A_2, %add3A_612 : i32
    %multiple_of3A_614 = tpu.assume_multiple %add3A_613, 8 : i32
    %get3A_615 = arith.constant 4 : i32
    %get3A_616 = arith.index_cast %get3A_615 : i32 to index
    %get3A_617 = arith.index_cast %multiple_of3A_614 : i32 to index
    %get3A_618 = tpu.vector_load %arg8[%get3A_616, %get3A_617] {strides = array<i32>} : memref<8x4096xf32, #tpu.memory_space<vmem>>, vector<1x16xf32>,
    %get3A_619 = vector.shape_cast %get3A_618 : vector<1x16xf32> to vector<16xf32>
    %eq3A_620 = arith.constant 4 : i32
    %eq3A_621 = vector.broadcast %eq3A_620 : i32 to vector<16xi32>
    %eq3A_622 = arith.cmpi eq, %iota3A, %eq3A_621 : vector<16xi32>
    %jit3A_623 = arith.constant 0.000000e+00 : f32
    %broadcast_in_dim3A_624 = vector.broadcast %jit3A_623 : f32 to vector<16xf32>
    %select_n3A_625 = arith.select %eq3A_622, %get3A_619, %broadcast_in_dim3A_624 : vector<16xi1>, vector<16xf32>
    %add3A_626 = arith.addf %add3A_611, %select_n3A_625 : vector<16xf32>
    %add3A_627 = arith.constant 32 : i32
    %add3A_628 = arith.addi %mul3A_2, %add3A_627 : i32
    %multiple_of3A_629 = tpu.assume_multiple %add3A_628, 8 : i32
    %get3A_630 = arith.constant 5 : i32
    %get3A_631 = arith.index_cast %get3A_630 : i32 to index
    %get3A_632 = arith.index_cast %multiple_of3A_629 : i32 to index
    %get3A_633 = tpu.vector_load %arg8[%get3A_631, %get3A_632] {strides = array<i32>} : memref<8x4096xf32, #tpu.memory_space<vmem>>, vector<1x16xf32>,
    %get3A_634 = vector.shape_cast %get3A_633 : vector<1x16xf32> to vector<16xf32>
    %eq3A_635 = arith.constant 5 : i32
    %eq3A_636 = vector.broadcast %eq3A_635 : i32 to vector<16xi32>
    %eq3A_637 = arith.cmpi eq, %iota3A, %eq3A_636 : vector<16xi32>
    %jit3A_638 = arith.constant 0.000000e+00 : f32
    %broadcast_in_dim3A_639 = vector.broadcast %jit3A_638 : f32 to vector<16xf32>
    %select_n3A_640 = arith.select %eq3A_637, %get3A_634, %broadcast_in_dim3A_639 : vector<16xi1>, vector<16xf32>
    %add3A_641 = arith.addf %add3A_626, %select_n3A_640 : vector<16xf32>
    %add3A_642 = arith.constant 32 : i32
    %add3A_643 = arith.addi %mul3A_2, %add3A_642 : i32
    %multiple_of3A_644 = tpu.assume_multiple %add3A_643, 8 : i32
    %get3A_645 = arith.constant 6 : i32
    %get3A_646 = arith.index_cast %get3A_645 : i32 to index
    %get3A_647 = arith.index_cast %multiple_of3A_644 : i32 to index
    %get3A_648 = tpu.vector_load %arg8[%get3A_646, %get3A_647] {strides = array<i32>} : memref<8x4096xf32, #tpu.memory_space<vmem>>, vector<1x16xf32>,
    %get3A_649 = vector.shape_cast %get3A_648 : vector<1x16xf32> to vector<16xf32>
    %eq3A_650 = arith.constant 6 : i32
    %eq3A_651 = vector.broadcast %eq3A_650 : i32 to vector<16xi32>
    %eq3A_652 = arith.cmpi eq, %iota3A, %eq3A_651 : vector<16xi32>
    %jit3A_653 = arith.constant 0.000000e+00 : f32
    %broadcast_in_dim3A_654 = vector.broadcast %jit3A_653 : f32 to vector<16xf32>
    %select_n3A_655 = arith.select %eq3A_652, %get3A_649, %broadcast_in_dim3A_654 : vector<16xi1>, vector<16xf32>
    %add3A_656 = arith.addf %add3A_641, %select_n3A_655 : vector<16xf32>
    %add3A_657 = arith.constant 32 : i32
    %add3A_658 = arith.addi %mul3A_2, %add3A_657 : i32
    %multiple_of3A_659 = tpu.assume_multiple %add3A_658, 8 : i32
    %get3A_660 = arith.constant 7 : i32
    %get3A_661 = arith.index_cast %get3A_660 : i32 to index
    %get3A_662 = arith.index_cast %multiple_of3A_659 : i32 to index
    %get3A_663 = tpu.vector_load %arg8[%get3A_661, %get3A_662] {strides = array<i32>} : memref<8x4096xf32, #tpu.memory_space<vmem>>, vector<1x16xf32>,
    %get3A_664 = vector.shape_cast %get3A_663 : vector<1x16xf32> to vector<16xf32>
    %eq3A_665 = arith.constant 7 : i32
    %eq3A_666 = vector.broadcast %eq3A_665 : i32 to vector<16xi32>
    %eq3A_667 = arith.cmpi eq, %iota3A, %eq3A_666 : vector<16xi32>
    %jit3A_668 = arith.constant 0.000000e+00 : f32
    %broadcast_in_dim3A_669 = vector.broadcast %jit3A_668 : f32 to vector<16xf32>
    %select_n3A_670 = arith.select %eq3A_667, %get3A_664, %broadcast_in_dim3A_669 : vector<16xi1>, vector<16xf32>
    %add3A_671 = arith.addf %add3A_656, %select_n3A_670 : vector<16xf32>
    %get3A_672 = arith.constant 48 : index
    %get3A_673 = tpu.vector_load %arg5[%get3A_672] {strides = array<i32>} : memref<128xi32, #tpu.memory_space<vmem>>, vector<8xi32>,
    %get3A_674 = vector.shape_cast %get3A_673 : vector<8xi32> to vector<8xi32>
    %swap3A_675 = arith.constant 0 : index
    %swap3A_676 = tpu.vector_load %arg6[%swap3A_675] {strides = array<i32>} : memref<8xi32, #tpu.memory_space<vmem>>, vector<8xi32>,
    %swap3A_677 = vector.shape_cast %swap3A_676 : vector<8xi32> to vector<8xi32>
    %swap3A_678 = vector.shape_cast %get3A_674 : vector<8xi32> to vector<8xi32>
    tpu.vector_store %arg6[%swap3A_675], %swap3A_678 {strides = array<i32>} : memref<8xi32, #tpu.memory_space<vmem>>, vector<8xi32>,
    %dma_start3A_679 = arith.constant 0 : i32
    %dma_start3A_680 = arith.constant 0 : i32
    %dma_start3A_681 = tpu.memref_slice %arg2[%dma_start3A_679, %dma_start3A_680] : memref<100000x4096xf32, #tpu.memory_space<hbm>> -> memref<100000x4096xf32, #tpu.memory_space<hbm>>
    tpu.enqueue_indirect_dma source(%dma_start3A_681 : memref<100000x4096xf32, #tpu.memory_space<hbm>>) target(%arg8 : memref<8x4096xf32, #tpu.memory_space<vmem>>) offsets(%arg6 : memref<8xi32, #tpu.memory_space<vmem>>) semaphore(%arg13 : memref<!tpu.dma_semaphore, #tpu.memory_space<semaphore_mem>>)
    %dma_wait3A_682 = arith.constant 0 : i32
    %dma_wait3A_683 = arith.constant 0 : i32
    %dma_wait3A_684 = tpu.memref_slice %arg2[%dma_wait3A_682, %dma_wait3A_683] : memref<100000x4096xf32, #tpu.memory_space<hbm>> -> memref<100000x4096xf32, #tpu.memory_space<hbm>>
    tpu.wait_indirect_dma semaphore(%arg14 : memref<!tpu.dma_semaphore, #tpu.memory_space<semaphore_mem>>) src(%dma_wait3A_684 : memref<100000x4096xf32, #tpu.memory_space<hbm>>) dst(%arg9 : memref<8x4096xf32, #tpu.memory_space<vmem>>)
    %add3A_685 = arith.constant 32 : i32
    %add3A_686 = arith.addi %mul3A_2, %add3A_685 : i32
    %multiple_of3A_687 = tpu.assume_multiple %add3A_686, 8 : i32
    %get3A_688 = arith.constant 0 : i32
    %get3A_689 = arith.index_cast %get3A_688 : i32 to index
    %get3A_690 = arith.index_cast %multiple_of3A_687 : i32 to index
    %get3A_691 = tpu.vector_load %arg9[%get3A_689, %get3A_690] {strides = array<i32>} : memref<8x4096xf32, #tpu.memory_space<vmem>>, vector<1x16xf32>,
    %get3A_692 = vector.shape_cast %get3A_691 : vector<1x16xf32> to vector<16xf32>
    %eq3A_693 = arith.constant 8 : i32
    %eq3A_694 = vector.broadcast %eq3A_693 : i32 to vector<16xi32>
    %eq3A_695 = arith.cmpi eq, %iota3A, %eq3A_694 : vector<16xi32>
    %jit3A_696 = arith.constant 0.000000e+00 : f32
    %broadcast_in_dim3A_697 = vector.broadcast %jit3A_696 : f32 to vector<16xf32>
    %select_n3A_698 = arith.select %eq3A_695, %get3A_692, %broadcast_in_dim3A_697 : vector<16xi1>, vector<16xf32>
    %add3A_699 = arith.addf %add3A_671, %select_n3A_698 : vector<16xf32>
    %add3A_700 = arith.constant 32 : i32
    %add3A_701 = arith.addi %mul3A_2, %add3A_700 : i32
    %multiple_of3A_702 = tpu.assume_multiple %add3A_701, 8 : i32
    %get3A_703 = arith.constant 1 : i32
    %get3A_704 = arith.index_cast %get3A_703 : i32 to index
    %get3A_705 = arith.index_cast %multiple_of3A_702 : i32 to index
    %get3A_706 = tpu.vector_load %arg9[%get3A_704, %get3A_705] {strides = array<i32>} : memref<8x4096xf32, #tpu.memory_space<vmem>>, vector<1x16xf32>,
    %get3A_707 = vector.shape_cast %get3A_706 : vector<1x16xf32> to vector<16xf32>
    %eq3A_708 = arith.constant 9 : i32
    %eq3A_709 = vector.broadcast %eq3A_708 : i32 to vector<16xi32>
    %eq3A_710 = arith.cmpi eq, %iota3A, %eq3A_709 : vector<16xi32>
    %jit3A_711 = arith.constant 0.000000e+00 : f32
    %broadcast_in_dim3A_712 = vector.broadcast %jit3A_711 : f32 to vector<16xf32>
    %select_n3A_713 = arith.select %eq3A_710, %get3A_707, %broadcast_in_dim3A_712 : vector<16xi1>, vector<16xf32>
    %add3A_714 = arith.addf %add3A_699, %select_n3A_713 : vector<16xf32>
    %add3A_715 = arith.constant 32 : i32
    %add3A_716 = arith.addi %mul3A_2, %add3A_715 : i32
    %multiple_of3A_717 = tpu.assume_multiple %add3A_716, 8 : i32
    %get3A_718 = arith.constant 2 : i32
    %get3A_719 = arith.index_cast %get3A_718 : i32 to index
    %get3A_720 = arith.index_cast %multiple_of3A_717 : i32 to index
    %get3A_721 = tpu.vector_load %arg9[%get3A_719, %get3A_720] {strides = array<i32>} : memref<8x4096xf32, #tpu.memory_space<vmem>>, vector<1x16xf32>,
    %get3A_722 = vector.shape_cast %get3A_721 : vector<1x16xf32> to vector<16xf32>
    %eq3A_723 = arith.constant 10 : i32
    %eq3A_724 = vector.broadcast %eq3A_723 : i32 to vector<16xi32>
    %eq3A_725 = arith.cmpi eq, %iota3A, %eq3A_724 : vector<16xi32>
    %jit3A_726 = arith.constant 0.000000e+00 : f32
    %broadcast_in_dim3A_727 = vector.broadcast %jit3A_726 : f32 to vector<16xf32>
    %select_n3A_728 = arith.select %eq3A_725, %get3A_722, %broadcast_in_dim3A_727 : vector<16xi1>, vector<16xf32>
    %add3A_729 = arith.addf %add3A_714, %select_n3A_728 : vector<16xf32>
    %add3A_730 = arith.constant 32 : i32
    %add3A_731 = arith.addi %mul3A_2, %add3A_730 : i32
    %multiple_of3A_732 = tpu.assume_multiple %add3A_731, 8 : i32
    %get3A_733 = arith.constant 3 : i32
    %get3A_734 = arith.index_cast %get3A_733 : i32 to index
    %get3A_735 = arith.index_cast %multiple_of3A_732 : i32 to index
    %get3A_736 = tpu.vector_load %arg9[%get3A_734, %get3A_735] {strides = array<i32>} : memref<8x4096xf32, #tpu.memory_space<vmem>>, vector<1x16xf32>,
    %get3A_737 = vector.shape_cast %get3A_736 : vector<1x16xf32> to vector<16xf32>
    %eq3A_738 = arith.constant 11 : i32
    %eq3A_739 = vector.broadcast %eq3A_738 : i32 to vector<16xi32>
    %eq3A_740 = arith.cmpi eq, %iota3A, %eq3A_739 : vector<16xi32>
    %jit3A_741 = arith.constant 0.000000e+00 : f32
    %broadcast_in_dim3A_742 = vector.broadcast %jit3A_741 : f32 to vector<16xf32>
    %select_n3A_743 = arith.select %eq3A_740, %get3A_737, %broadcast_in_dim3A_742 : vector<16xi1>, vector<16xf32>
    %add3A_744 = arith.addf %add3A_729, %select_n3A_743 : vector<16xf32>
    %add3A_745 = arith.constant 32 : i32
    %add3A_746 = arith.addi %mul3A_2, %add3A_745 : i32
    %multiple_of3A_747 = tpu.assume_multiple %add3A_746, 8 : i32
    %get3A_748 = arith.constant 4 : i32
    %get3A_749 = arith.index_cast %get3A_748 : i32 to index
    %get3A_750 = arith.index_cast %multiple_of3A_747 : i32 to index
    %get3A_751 = tpu.vector_load %arg9[%get3A_749, %get3A_750] {strides = array<i32>} : memref<8x4096xf32, #tpu.memory_space<vmem>>, vector<1x16xf32>,
    %get3A_752 = vector.shape_cast %get3A_751 : vector<1x16xf32> to vector<16xf32>
    %eq3A_753 = arith.constant 12 : i32
    %eq3A_754 = vector.broadcast %eq3A_753 : i32 to vector<16xi32>
    %eq3A_755 = arith.cmpi eq, %iota3A, %eq3A_754 : vector<16xi32>
    %jit3A_756 = arith.constant 0.000000e+00 : f32
    %broadcast_in_dim3A_757 = vector.broadcast %jit3A_756 : f32 to vector<16xf32>
    %select_n3A_758 = arith.select %eq3A_755, %get3A_752, %broadcast_in_dim3A_757 : vector<16xi1>, vector<16xf32>
    %add3A_759 = arith.addf %add3A_744, %select_n3A_758 : vector<16xf32>
    %add3A_760 = arith.constant 32 : i32
    %add3A_761 = arith.addi %mul3A_2, %add3A_760 : i32
    %multiple_of3A_762 = tpu.assume_multiple %add3A_761, 8 : i32
    %get3A_763 = arith.constant 5 : i32
    %get3A_764 = arith.index_cast %get3A_763 : i32 to index
    %get3A_765 = arith.index_cast %multiple_of3A_762 : i32 to index
    %get3A_766 = tpu.vector_load %arg9[%get3A_764, %get3A_765] {strides = array<i32>} : memref<8x4096xf32, #tpu.memory_space<vmem>>, vector<1x16xf32>,
    %get3A_767 = vector.shape_cast %get3A_766 : vector<1x16xf32> to vector<16xf32>
    %eq3A_768 = arith.constant 13 : i32
    %eq3A_769 = vector.broadcast %eq3A_768 : i32 to vector<16xi32>
    %eq3A_770 = arith.cmpi eq, %iota3A, %eq3A_769 : vector<16xi32>
    %jit3A_771 = arith.constant 0.000000e+00 : f32
    %broadcast_in_dim3A_772 = vector.broadcast %jit3A_771 : f32 to vector<16xf32>
    %select_n3A_773 = arith.select %eq3A_770, %get3A_767, %broadcast_in_dim3A_772 : vector<16xi1>, vector<16xf32>
    %add3A_774 = arith.addf %add3A_759, %select_n3A_773 : vector<16xf32>
    %add3A_775 = arith.constant 32 : i32
    %add3A_776 = arith.addi %mul3A_2, %add3A_775 : i32
    %multiple_of3A_777 = tpu.assume_multiple %add3A_776, 8 : i32
    %get3A_778 = arith.constant 6 : i32
    %get3A_779 = arith.index_cast %get3A_778 : i32 to index
    %get3A_780 = arith.index_cast %multiple_of3A_777 : i32 to index
    %get3A_781 = tpu.vector_load %arg9[%get3A_779, %get3A_780] {strides = array<i32>} : memref<8x4096xf32, #tpu.memory_space<vmem>>, vector<1x16xf32>,
    %get3A_782 = vector.shape_cast %get3A_781 : vector<1x16xf32> to vector<16xf32>
    %eq3A_783 = arith.constant 14 : i32
    %eq3A_784 = vector.broadcast %eq3A_783 : i32 to vector<16xi32>
    %eq3A_785 = arith.cmpi eq, %iota3A, %eq3A_784 : vector<16xi32>
    %jit3A_786 = arith.constant 0.000000e+00 : f32
    %broadcast_in_dim3A_787 = vector.broadcast %jit3A_786 : f32 to vector<16xf32>
    %select_n3A_788 = arith.select %eq3A_785, %get3A_782, %broadcast_in_dim3A_787 : vector<16xi1>, vector<16xf32>
    %add3A_789 = arith.addf %add3A_774, %select_n3A_788 : vector<16xf32>
    %add3A_790 = arith.constant 32 : i32
    %add3A_791 = arith.addi %mul3A_2, %add3A_790 : i32
    %multiple_of3A_792 = tpu.assume_multiple %add3A_791, 8 : i32
    %get3A_793 = arith.constant 7 : i32
    %get3A_794 = arith.index_cast %get3A_793 : i32 to index
    %get3A_795 = arith.index_cast %multiple_of3A_792 : i32 to index
    %get3A_796 = tpu.vector_load %arg9[%get3A_794, %get3A_795] {strides = array<i32>} : memref<8x4096xf32, #tpu.memory_space<vmem>>, vector<1x16xf32>,
    %get3A_797 = vector.shape_cast %get3A_796 : vector<1x16xf32> to vector<16xf32>
    %eq3A_798 = arith.constant 15 : i32
    %eq3A_799 = vector.broadcast %eq3A_798 : i32 to vector<16xi32>
    %eq3A_800 = arith.cmpi eq, %iota3A, %eq3A_799 : vector<16xi32>
    %jit3A_801 = arith.constant 0.000000e+00 : f32
    %broadcast_in_dim3A_802 = vector.broadcast %jit3A_801 : f32 to vector<16xf32>
    %select_n3A_803 = arith.select %eq3A_800, %get3A_797, %broadcast_in_dim3A_802 : vector<16xi1>, vector<16xf32>
    %add3A_804 = arith.addf %add3A_789, %select_n3A_803 : vector<16xf32>
    %get3A_805 = arith.constant 56 : index
    %get3A_806 = tpu.vector_load %arg5[%get3A_805] {strides = array<i32>} : memref<128xi32, #tpu.memory_space<vmem>>, vector<8xi32>,
    %get3A_807 = vector.shape_cast %get3A_806 : vector<8xi32> to vector<8xi32>
    %swap3A_808 = arith.constant 0 : index
    %swap3A_809 = tpu.vector_load %arg7[%swap3A_808] {strides = array<i32>} : memref<8xi32, #tpu.memory_space<vmem>>, vector<8xi32>,
    %swap3A_810 = vector.shape_cast %swap3A_809 : vector<8xi32> to vector<8xi32>
    %swap3A_811 = vector.shape_cast %get3A_807 : vector<8xi32> to vector<8xi32>
    tpu.vector_store %arg7[%swap3A_808], %swap3A_811 {strides = array<i32>} : memref<8xi32, #tpu.memory_space<vmem>>, vector<8xi32>,
    %dma_start3A_812 = arith.constant 0 : i32
    %dma_start3A_813 = arith.constant 0 : i32
    %dma_start3A_814 = tpu.memref_slice %arg2[%dma_start3A_812, %dma_start3A_813] : memref<100000x4096xf32, #tpu.memory_space<hbm>> -> memref<100000x4096xf32, #tpu.memory_space<hbm>>
    tpu.enqueue_indirect_dma source(%dma_start3A_814 : memref<100000x4096xf32, #tpu.memory_space<hbm>>) target(%arg9 : memref<8x4096xf32, #tpu.memory_space<vmem>>) offsets(%arg7 : memref<8xi32, #tpu.memory_space<vmem>>) semaphore(%arg14 : memref<!tpu.dma_semaphore, #tpu.memory_space<semaphore_mem>>)
    %dma_wait3A_815 = arith.constant 0 : i32
    %dma_wait3A_816 = arith.constant 0 : i32
    %dma_wait3A_817 = tpu.memref_slice %arg2[%dma_wait3A_815, %dma_wait3A_816] : memref<100000x4096xf32, #tpu.memory_space<hbm>> -> memref<100000x4096xf32, #tpu.memory_space<hbm>>
    tpu.wait_indirect_dma semaphore(%arg13 : memref<!tpu.dma_semaphore, #tpu.memory_space<semaphore_mem>>) src(%dma_wait3A_817 : memref<100000x4096xf32, #tpu.memory_space<hbm>>) dst(%arg8 : memref<8x4096xf32, #tpu.memory_space<vmem>>)
    %add3A_818 = arith.constant 48 : i32
    %add3A_819 = arith.addi %mul3A_2, %add3A_818 : i32
    %multiple_of3A_820 = tpu.assume_multiple %add3A_819, 8 : i32
    %get3A_821 = arith.constant 0 : i32
    %get3A_822 = arith.index_cast %get3A_821 : i32 to index
    %get3A_823 = arith.index_cast %multiple_of3A_820 : i32 to index
    %get3A_824 = tpu.vector_load %arg8[%get3A_822, %get3A_823] {strides = array<i32>} : memref<8x4096xf32, #tpu.memory_space<vmem>>, vector<1x16xf32>,
    %get3A_825 = vector.shape_cast %get3A_824 : vector<1x16xf32> to vector<16xf32>
    %eq3A_826 = arith.constant 0 : i32
    %eq3A_827 = vector.broadcast %eq3A_826 : i32 to vector<16xi32>
    %eq3A_828 = arith.cmpi eq, %iota3A, %eq3A_827 : vector<16xi32>
    %jit3A_829 = arith.constant 0.000000e+00 : f32
    %broadcast_in_dim3A_830 = vector.broadcast %jit3A_829 : f32 to vector<16xf32>
    %select_n3A_831 = arith.select %eq3A_828, %get3A_825, %broadcast_in_dim3A_830 : vector<16xi1>, vector<16xf32>
    %add3A_832 = arith.addf %add3A_804, %select_n3A_831 : vector<16xf32>
    %add3A_833 = arith.constant 48 : i32
    %add3A_834 = arith.addi %mul3A_2, %add3A_833 : i32
    %multiple_of3A_835 = tpu.assume_multiple %add3A_834, 8 : i32
    %get3A_836 = arith.constant 1 : i32
    %get3A_837 = arith.index_cast %get3A_836 : i32 to index
    %get3A_838 = arith.index_cast %multiple_of3A_835 : i32 to index
    %get3A_839 = tpu.vector_load %arg8[%get3A_837, %get3A_838] {strides = array<i32>} : memref<8x4096xf32, #tpu.memory_space<vmem>>, vector<1x16xf32>,
    %get3A_840 = vector.shape_cast %get3A_839 : vector<1x16xf32> to vector<16xf32>
    %eq3A_841 = arith.constant 1 : i32
    %eq3A_842 = vector.broadcast %eq3A_841 : i32 to vector<16xi32>
    %eq3A_843 = arith.cmpi eq, %iota3A, %eq3A_842 : vector<16xi32>
    %jit3A_844 = arith.constant 0.000000e+00 : f32
    %broadcast_in_dim3A_845 = vector.broadcast %jit3A_844 : f32 to vector<16xf32>
    %select_n3A_846 = arith.select %eq3A_843, %get3A_840, %broadcast_in_dim3A_845 : vector<16xi1>, vector<16xf32>
    %add3A_847 = arith.addf %add3A_832, %select_n3A_846 : vector<16xf32>
    %add3A_848 = arith.constant 48 : i32
    %add3A_849 = arith.addi %mul3A_2, %add3A_848 : i32
    %multiple_of3A_850 = tpu.assume_multiple %add3A_849, 8 : i32
    %get3A_851 = arith.constant 2 : i32
    %get3A_852 = arith.index_cast %get3A_851 : i32 to index
    %get3A_853 = arith.index_cast %multiple_of3A_850 : i32 to index
    %get3A_854 = tpu.vector_load %arg8[%get3A_852, %get3A_853] {strides = array<i32>} : memref<8x4096xf32, #tpu.memory_space<vmem>>, vector<1x16xf32>,
    %get3A_855 = vector.shape_cast %get3A_854 : vector<1x16xf32> to vector<16xf32>
    %eq3A_856 = arith.constant 2 : i32
    %eq3A_857 = vector.broadcast %eq3A_856 : i32 to vector<16xi32>
    %eq3A_858 = arith.cmpi eq, %iota3A, %eq3A_857 : vector<16xi32>
    %jit3A_859 = arith.constant 0.000000e+00 : f32
    %broadcast_in_dim3A_860 = vector.broadcast %jit3A_859 : f32 to vector<16xf32>
    %select_n3A_861 = arith.select %eq3A_858, %get3A_855, %broadcast_in_dim3A_860 : vector<16xi1>, vector<16xf32>
    %add3A_862 = arith.addf %add3A_847, %select_n3A_861 : vector<16xf32>
    %add3A_863 = arith.constant 48 : i32
    %add3A_864 = arith.addi %mul3A_2, %add3A_863 : i32
    %multiple_of3A_865 = tpu.assume_multiple %add3A_864, 8 : i32
    %get3A_866 = arith.constant 3 : i32
    %get3A_867 = arith.index_cast %get3A_866 : i32 to index
    %get3A_868 = arith.index_cast %multiple_of3A_865 : i32 to index
    %get3A_869 = tpu.vector_load %arg8[%get3A_867, %get3A_868] {strides = array<i32>} : memref<8x4096xf32, #tpu.memory_space<vmem>>, vector<1x16xf32>,
    %get3A_870 = vector.shape_cast %get3A_869 : vector<1x16xf32> to vector<16xf32>
    %eq3A_871 = arith.constant 3 : i32
    %eq3A_872 = vector.broadcast %eq3A_871 : i32 to vector<16xi32>
    %eq3A_873 = arith.cmpi eq, %iota3A, %eq3A_872 : vector<16xi32>
    %jit3A_874 = arith.constant 0.000000e+00 : f32
    %broadcast_in_dim3A_875 = vector.broadcast %jit3A_874 : f32 to vector<16xf32>
    %select_n3A_876 = arith.select %eq3A_873, %get3A_870, %broadcast_in_dim3A_875 : vector<16xi1>, vector<16xf32>
    %add3A_877 = arith.addf %add3A_862, %select_n3A_876 : vector<16xf32>
    %add3A_878 = arith.constant 48 : i32
    %add3A_879 = arith.addi %mul3A_2, %add3A_878 : i32
    %multiple_of3A_880 = tpu.assume_multiple %add3A_879, 8 : i32
    %get3A_881 = arith.constant 4 : i32
    %get3A_882 = arith.index_cast %get3A_881 : i32 to index
    %get3A_883 = arith.index_cast %multiple_of3A_880 : i32 to index
    %get3A_884 = tpu.vector_load %arg8[%get3A_882, %get3A_883] {strides = array<i32>} : memref<8x4096xf32, #tpu.memory_space<vmem>>, vector<1x16xf32>,
    %get3A_885 = vector.shape_cast %get3A_884 : vector<1x16xf32> to vector<16xf32>
    %eq3A_886 = arith.constant 4 : i32
    %eq3A_887 = vector.broadcast %eq3A_886 : i32 to vector<16xi32>
    %eq3A_888 = arith.cmpi eq, %iota3A, %eq3A_887 : vector<16xi32>
    %jit3A_889 = arith.constant 0.000000e+00 : f32
    %broadcast_in_dim3A_890 = vector.broadcast %jit3A_889 : f32 to vector<16xf32>
    %select_n3A_891 = arith.select %eq3A_888, %get3A_885, %broadcast_in_dim3A_890 : vector<16xi1>, vector<16xf32>
    %add3A_892 = arith.addf %add3A_877, %select_n3A_891 : vector<16xf32>
    %add3A_893 = arith.constant 48 : i32
    %add3A_894 = arith.addi %mul3A_2, %add3A_893 : i32
    %multiple_of3A_895 = tpu.assume_multiple %add3A_894, 8 : i32
    %get3A_896 = arith.constant 5 : i32
    %get3A_897 = arith.index_cast %get3A_896 : i32 to index
    %get3A_898 = arith.index_cast %multiple_of3A_895 : i32 to index
    %get3A_899 = tpu.vector_load %arg8[%get3A_897, %get3A_898] {strides = array<i32>} : memref<8x4096xf32, #tpu.memory_space<vmem>>, vector<1x16xf32>,
    %get3A_900 = vector.shape_cast %get3A_899 : vector<1x16xf32> to vector<16xf32>
    %eq3A_901 = arith.constant 5 : i32
    %eq3A_902 = vector.broadcast %eq3A_901 : i32 to vector<16xi32>
    %eq3A_903 = arith.cmpi eq, %iota3A, %eq3A_902 : vector<16xi32>
    %jit3A_904 = arith.constant 0.000000e+00 : f32
    %broadcast_in_dim3A_905 = vector.broadcast %jit3A_904 : f32 to vector<16xf32>
    %select_n3A_906 = arith.select %eq3A_903, %get3A_900, %broadcast_in_dim3A_905 : vector<16xi1>, vector<16xf32>
    %add3A_907 = arith.addf %add3A_892, %select_n3A_906 : vector<16xf32>
    %add3A_908 = arith.constant 48 : i32
    %add3A_909 = arith.addi %mul3A_2, %add3A_908 : i32
    %multiple_of3A_910 = tpu.assume_multiple %add3A_909, 8 : i32
    %get3A_911 = arith.constant 6 : i32
    %get3A_912 = arith.index_cast %get3A_911 : i32 to index
    %get3A_913 = arith.index_cast %multiple_of3A_910 : i32 to index
    %get3A_914 = tpu.vector_load %arg8[%get3A_912, %get3A_913] {strides = array<i32>} : memref<8x4096xf32, #tpu.memory_space<vmem>>, vector<1x16xf32>,
    %get3A_915 = vector.shape_cast %get3A_914 : vector<1x16xf32> to vector<16xf32>
    %eq3A_916 = arith.constant 6 : i32
    %eq3A_917 = vector.broadcast %eq3A_916 : i32 to vector<16xi32>
    %eq3A_918 = arith.cmpi eq, %iota3A, %eq3A_917 : vector<16xi32>
    %jit3A_919 = arith.constant 0.000000e+00 : f32
    %broadcast_in_dim3A_920 = vector.broadcast %jit3A_919 : f32 to vector<16xf32>
    %select_n3A_921 = arith.select %eq3A_918, %get3A_915, %broadcast_in_dim3A_920 : vector<16xi1>, vector<16xf32>
    %add3A_922 = arith.addf %add3A_907, %select_n3A_921 : vector<16xf32>
    %add3A_923 = arith.constant 48 : i32
    %add3A_924 = arith.addi %mul3A_2, %add3A_923 : i32
    %multiple_of3A_925 = tpu.assume_multiple %add3A_924, 8 : i32
    %get3A_926 = arith.constant 7 : i32
    %get3A_927 = arith.index_cast %get3A_926 : i32 to index
    %get3A_928 = arith.index_cast %multiple_of3A_925 : i32 to index
    %get3A_929 = tpu.vector_load %arg8[%get3A_927, %get3A_928] {strides = array<i32>} : memref<8x4096xf32, #tpu.memory_space<vmem>>, vector<1x16xf32>,
    %get3A_930 = vector.shape_cast %get3A_929 : vector<1x16xf32> to vector<16xf32>
    %eq3A_931 = arith.constant 7 : i32
    %eq3A_932 = vector.broadcast %eq3A_931 : i32 to vector<16xi32>
    %eq3A_933 = arith.cmpi eq, %iota3A, %eq3A_932 : vector<16xi32>
    %jit3A_934 = arith.constant 0.000000e+00 : f32
    %broadcast_in_dim3A_935 = vector.broadcast %jit3A_934 : f32 to vector<16xf32>
    %select_n3A_936 = arith.select %eq3A_933, %get3A_930, %broadcast_in_dim3A_935 : vector<16xi1>, vector<16xf32>
    %add3A_937 = arith.addf %add3A_922, %select_n3A_936 : vector<16xf32>
    %get3A_938 = arith.constant 64 : index
    %get3A_939 = tpu.vector_load %arg5[%get3A_938] {strides = array<i32>} : memref<128xi32, #tpu.memory_space<vmem>>, vector<8xi32>,
    %get3A_940 = vector.shape_cast %get3A_939 : vector<8xi32> to vector<8xi32>
    %swap3A_941 = arith.constant 0 : index
    %swap3A_942 = tpu.vector_load %arg6[%swap3A_941] {strides = array<i32>} : memref<8xi32, #tpu.memory_space<vmem>>, vector<8xi32>,
    %swap3A_943 = vector.shape_cast %swap3A_942 : vector<8xi32> to vector<8xi32>
    %swap3A_944 = vector.shape_cast %get3A_940 : vector<8xi32> to vector<8xi32>
    tpu.vector_store %arg6[%swap3A_941], %swap3A_944 {strides = array<i32>} : memref<8xi32, #tpu.memory_space<vmem>>, vector<8xi32>,
    %dma_start3A_945 = arith.constant 0 : i32
    %dma_start3A_946 = arith.constant 0 : i32
    %dma_start3A_947 = tpu.memref_slice %arg2[%dma_start3A_945, %dma_start3A_946] : memref<100000x4096xf32, #tpu.memory_space<hbm>> -> memref<100000x4096xf32, #tpu.memory_space<hbm>>
    tpu.enqueue_indirect_dma source(%dma_start3A_947 : memref<100000x4096xf32, #tpu.memory_space<hbm>>) target(%arg8 : memref<8x4096xf32, #tpu.memory_space<vmem>>) offsets(%arg6 : memref<8xi32, #tpu.memory_space<vmem>>) semaphore(%arg13 : memref<!tpu.dma_semaphore, #tpu.memory_space<semaphore_mem>>)
    %dma_wait3A_948 = arith.constant 0 : i32
    %dma_wait3A_949 = arith.constant 0 : i32
    %dma_wait3A_950 = tpu.memref_slice %arg2[%dma_wait3A_948, %dma_wait3A_949] : memref<100000x4096xf32, #tpu.memory_space<hbm>> -> memref<100000x4096xf32, #tpu.memory_space<hbm>>
    tpu.wait_indirect_dma semaphore(%arg14 : memref<!tpu.dma_semaphore, #tpu.memory_space<semaphore_mem>>) src(%dma_wait3A_950 : memref<100000x4096xf32, #tpu.memory_space<hbm>>) dst(%arg9 : memref<8x4096xf32, #tpu.memory_space<vmem>>)
    %add3A_951 = arith.constant 48 : i32
    %add3A_952 = arith.addi %mul3A_2, %add3A_951 : i32
    %multiple_of3A_953 = tpu.assume_multiple %add3A_952, 8 : i32
    %get3A_954 = arith.constant 0 : i32
    %get3A_955 = arith.index_cast %get3A_954 : i32 to index
    %get3A_956 = arith.index_cast %multiple_of3A_953 : i32 to index
    %get3A_957 = tpu.vector_load %arg9[%get3A_955, %get3A_956] {strides = array<i32>} : memref<8x4096xf32, #tpu.memory_space<vmem>>, vector<1x16xf32>,
    %get3A_958 = vector.shape_cast %get3A_957 : vector<1x16xf32> to vector<16xf32>
    %eq3A_959 = arith.constant 8 : i32
    %eq3A_960 = vector.broadcast %eq3A_959 : i32 to vector<16xi32>
    %eq3A_961 = arith.cmpi eq, %iota3A, %eq3A_960 : vector<16xi32>
    %jit3A_962 = arith.constant 0.000000e+00 : f32
    %broadcast_in_dim3A_963 = vector.broadcast %jit3A_962 : f32 to vector<16xf32>
    %select_n3A_964 = arith.select %eq3A_961, %get3A_958, %broadcast_in_dim3A_963 : vector<16xi1>, vector<16xf32>
    %add3A_965 = arith.addf %add3A_937, %select_n3A_964 : vector<16xf32>
    %add3A_966 = arith.constant 48 : i32
    %add3A_967 = arith.addi %mul3A_2, %add3A_966 : i32
    %multiple_of3A_968 = tpu.assume_multiple %add3A_967, 8 : i32
    %get3A_969 = arith.constant 1 : i32
    %get3A_970 = arith.index_cast %get3A_969 : i32 to index
    %get3A_971 = arith.index_cast %multiple_of3A_968 : i32 to index
    %get3A_972 = tpu.vector_load %arg9[%get3A_970, %get3A_971] {strides = array<i32>} : memref<8x4096xf32, #tpu.memory_space<vmem>>, vector<1x16xf32>,
    %get3A_973 = vector.shape_cast %get3A_972 : vector<1x16xf32> to vector<16xf32>
    %eq3A_974 = arith.constant 9 : i32
    %eq3A_975 = vector.broadcast %eq3A_974 : i32 to vector<16xi32>
    %eq3A_976 = arith.cmpi eq, %iota3A, %eq3A_975 : vector<16xi32>
    %jit3A_977 = arith.constant 0.000000e+00 : f32
    %broadcast_in_dim3A_978 = vector.broadcast %jit3A_977 : f32 to vector<16xf32>
    %select_n3A_979 = arith.select %eq3A_976, %get3A_973, %broadcast_in_dim3A_978 : vector<16xi1>, vector<16xf32>
    %add3A_980 = arith.addf %add3A_965, %select_n3A_979 : vector<16xf32>
    %add3A_981 = arith.constant 48 : i32
    %add3A_982 = arith.addi %mul3A_2, %add3A_981 : i32
    %multiple_of3A_983 = tpu.assume_multiple %add3A_982, 8 : i32
    %get3A_984 = arith.constant 2 : i32
    %get3A_985 = arith.index_cast %get3A_984 : i32 to index
    %get3A_986 = arith.index_cast %multiple_of3A_983 : i32 to index
    %get3A_987 = tpu.vector_load %arg9[%get3A_985, %get3A_986] {strides = array<i32>} : memref<8x4096xf32, #tpu.memory_space<vmem>>, vector<1x16xf32>,
    %get3A_988 = vector.shape_cast %get3A_987 : vector<1x16xf32> to vector<16xf32>
    %eq3A_989 = arith.constant 10 : i32
    %eq3A_990 = vector.broadcast %eq3A_989 : i32 to vector<16xi32>
    %eq3A_991 = arith.cmpi eq, %iota3A, %eq3A_990 : vector<16xi32>
    %jit3A_992 = arith.constant 0.000000e+00 : f32
    %broadcast_in_dim3A_993 = vector.broadcast %jit3A_992 : f32 to vector<16xf32>
    %select_n3A_994 = arith.select %eq3A_991, %get3A_988, %broadcast_in_dim3A_993 : vector<16xi1>, vector<16xf32>
    %add3A_995 = arith.addf %add3A_980, %select_n3A_994 : vector<16xf32>
    %add3A_996 = arith.constant 48 : i32
    %add3A_997 = arith.addi %mul3A_2, %add3A_996 : i32
    %multiple_of3A_998 = tpu.assume_multiple %add3A_997, 8 : i32
    %get3A_999 = arith.constant 3 : i32
    %get3A_1000 = arith.index_cast %get3A_999 : i32 to index
    %get3A_1001 = arith.index_cast %multiple_of3A_998 : i32 to index
    %get3A_1002 = tpu.vector_load %arg9[%get3A_1000, %get3A_1001] {strides = array<i32>} : memref<8x4096xf32, #tpu.memory_space<vmem>>, vector<1x16xf32>,
    %get3A_1003 = vector.shape_cast %get3A_1002 : vector<1x16xf32> to vector<16xf32>
    %eq3A_1004 = arith.constant 11 : i32
    %eq3A_1005 = vector.broadcast %eq3A_1004 : i32 to vector<16xi32>
    %eq3A_1006 = arith.cmpi eq, %iota3A, %eq3A_1005 : vector<16xi32>
    %jit3A_1007 = arith.constant 0.000000e+00 : f32
    %broadcast_in_dim3A_1008 = vector.broadcast %jit3A_1007 : f32 to vector<16xf32>
    %select_n3A_1009 = arith.select %eq3A_1006, %get3A_1003, %broadcast_in_dim3A_1008 : vector<16xi1>, vector<16xf32>
    %add3A_1010 = arith.addf %add3A_995, %select_n3A_1009 : vector<16xf32>
    %add3A_1011 = arith.constant 48 : i32
    %add3A_1012 = arith.addi %mul3A_2, %add3A_1011 : i32
    %multiple_of3A_1013 = tpu.assume_multiple %add3A_1012, 8 : i32
    %get3A_1014 = arith.constant 4 : i32
    %get3A_1015 = arith.index_cast %get3A_1014 : i32 to index
    %get3A_1016 = arith.index_cast %multiple_of3A_1013 : i32 to index
    %get3A_1017 = tpu.vector_load %arg9[%get3A_1015, %get3A_1016] {strides = array<i32>} : memref<8x4096xf32, #tpu.memory_space<vmem>>, vector<1x16xf32>,
    %get3A_1018 = vector.shape_cast %get3A_1017 : vector<1x16xf32> to vector<16xf32>
    %eq3A_1019 = arith.constant 12 : i32
    %eq3A_1020 = vector.broadcast %eq3A_1019 : i32 to vector<16xi32>
    %eq3A_1021 = arith.cmpi eq, %iota3A, %eq3A_1020 : vector<16xi32>
    %jit3A_1022 = arith.constant 0.000000e+00 : f32
    %broadcast_in_dim3A_1023 = vector.broadcast %jit3A_1022 : f32 to vector<16xf32>
    %select_n3A_1024 = arith.select %eq3A_1021, %get3A_1018, %broadcast_in_dim3A_1023 : vector<16xi1>, vector<16xf32>
    %add3A_1025 = arith.addf %add3A_1010, %select_n3A_1024 : vector<16xf32>
    %add3A_1026 = arith.constant 48 : i32
    %add3A_1027 = arith.addi %mul3A_2, %add3A_1026 : i32
    %multiple_of3A_1028 = tpu.assume_multiple %add3A_1027, 8 : i32
    %get3A_1029 = arith.constant 5 : i32
    %get3A_1030 = arith.index_cast %get3A_1029 : i32 to index
    %get3A_1031 = arith.index_cast %multiple_of3A_1028 : i32 to index
    %get3A_1032 = tpu.vector_load %arg9[%get3A_1030, %get3A_1031] {strides = array<i32>} : memref<8x4096xf32, #tpu.memory_space<vmem>>, vector<1x16xf32>,
    %get3A_1033 = vector.shape_cast %get3A_1032 : vector<1x16xf32> to vector<16xf32>
    %eq3A_1034 = arith.constant 13 : i32
    %eq3A_1035 = vector.broadcast %eq3A_1034 : i32 to vector<16xi32>
    %eq3A_1036 = arith.cmpi eq, %iota3A, %eq3A_1035 : vector<16xi32>
    %jit3A_1037 = arith.constant 0.000000e+00 : f32
    %broadcast_in_dim3A_1038 = vector.broadcast %jit3A_1037 : f32 to vector<16xf32>
    %select_n3A_1039 = arith.select %eq3A_1036, %get3A_1033, %broadcast_in_dim3A_1038 : vector<16xi1>, vector<16xf32>
    %add3A_1040 = arith.addf %add3A_1025, %select_n3A_1039 : vector<16xf32>
    %add3A_1041 = arith.constant 48 : i32
    %add3A_1042 = arith.addi %mul3A_2, %add3A_1041 : i32
    %multiple_of3A_1043 = tpu.assume_multiple %add3A_1042, 8 : i32
    %get3A_1044 = arith.constant 6 : i32
    %get3A_1045 = arith.index_cast %get3A_1044 : i32 to index
    %get3A_1046 = arith.index_cast %multiple_of3A_1043 : i32 to index
    %get3A_1047 = tpu.vector_load %arg9[%get3A_1045, %get3A_1046] {strides = array<i32>} : memref<8x4096xf32, #tpu.memory_space<vmem>>, vector<1x16xf32>,
    %get3A_1048 = vector.shape_cast %get3A_1047 : vector<1x16xf32> to vector<16xf32>
    %eq3A_1049 = arith.constant 14 : i32
    %eq3A_1050 = vector.broadcast %eq3A_1049 : i32 to vector<16xi32>
    %eq3A_1051 = arith.cmpi eq, %iota3A, %eq3A_1050 : vector<16xi32>
    %jit3A_1052 = arith.constant 0.000000e+00 : f32
    %broadcast_in_dim3A_1053 = vector.broadcast %jit3A_1052 : f32 to vector<16xf32>
    %select_n3A_1054 = arith.select %eq3A_1051, %get3A_1048, %broadcast_in_dim3A_1053 : vector<16xi1>, vector<16xf32>
    %add3A_1055 = arith.addf %add3A_1040, %select_n3A_1054 : vector<16xf32>
    %add3A_1056 = arith.constant 48 : i32
    %add3A_1057 = arith.addi %mul3A_2, %add3A_1056 : i32
    %multiple_of3A_1058 = tpu.assume_multiple %add3A_1057, 8 : i32
    %get3A_1059 = arith.constant 7 : i32
    %get3A_1060 = arith.index_cast %get3A_1059 : i32 to index
    %get3A_1061 = arith.index_cast %multiple_of3A_1058 : i32 to index
    %get3A_1062 = tpu.vector_load %arg9[%get3A_1060, %get3A_1061] {strides = array<i32>} : memref<8x4096xf32, #tpu.memory_space<vmem>>, vector<1x16xf32>,
    %get3A_1063 = vector.shape_cast %get3A_1062 : vector<1x16xf32> to vector<16xf32>
    %eq3A_1064 = arith.constant 15 : i32
    %eq3A_1065 = vector.broadcast %eq3A_1064 : i32 to vector<16xi32>
    %eq3A_1066 = arith.cmpi eq, %iota3A, %eq3A_1065 : vector<16xi32>
    %jit3A_1067 = arith.constant 0.000000e+00 : f32
    %broadcast_in_dim3A_1068 = vector.broadcast %jit3A_1067 : f32 to vector<16xf32>
    %select_n3A_1069 = arith.select %eq3A_1066, %get3A_1063, %broadcast_in_dim3A_1068 : vector<16xi1>, vector<16xf32>
    %add3A_1070 = arith.addf %add3A_1055, %select_n3A_1069 : vector<16xf32>
    %get3A_1071 = arith.constant 72 : index
    %get3A_1072 = tpu.vector_load %arg5[%get3A_1071] {strides = array<i32>} : memref<128xi32, #tpu.memory_space<vmem>>, vector<8xi32>,
    %get3A_1073 = vector.shape_cast %get3A_1072 : vector<8xi32> to vector<8xi32>
    %swap3A_1074 = arith.constant 0 : index
    %swap3A_1075 = tpu.vector_load %arg7[%swap3A_1074] {strides = array<i32>} : memref<8xi32, #tpu.memory_space<vmem>>, vector<8xi32>,
    %swap3A_1076 = vector.shape_cast %swap3A_1075 : vector<8xi32> to vector<8xi32>
    %swap3A_1077 = vector.shape_cast %get3A_1073 : vector<8xi32> to vector<8xi32>
    tpu.vector_store %arg7[%swap3A_1074], %swap3A_1077 {strides = array<i32>} : memref<8xi32, #tpu.memory_space<vmem>>, vector<8xi32>,
    %dma_start3A_1078 = arith.constant 0 : i32
    %dma_start3A_1079 = arith.constant 0 : i32
    %dma_start3A_1080 = tpu.memref_slice %arg2[%dma_start3A_1078, %dma_start3A_1079] : memref<100000x4096xf32, #tpu.memory_space<hbm>> -> memref<100000x4096xf32, #tpu.memory_space<hbm>>
    tpu.enqueue_indirect_dma source(%dma_start3A_1080 : memref<100000x4096xf32, #tpu.memory_space<hbm>>) target(%arg9 : memref<8x4096xf32, #tpu.memory_space<vmem>>) offsets(%arg7 : memref<8xi32, #tpu.memory_space<vmem>>) semaphore(%arg14 : memref<!tpu.dma_semaphore, #tpu.memory_space<semaphore_mem>>)
    %dma_wait3A_1081 = arith.constant 0 : i32
    %dma_wait3A_1082 = arith.constant 0 : i32
    %dma_wait3A_1083 = tpu.memref_slice %arg2[%dma_wait3A_1081, %dma_wait3A_1082] : memref<100000x4096xf32, #tpu.memory_space<hbm>> -> memref<100000x4096xf32, #tpu.memory_space<hbm>>
    tpu.wait_indirect_dma semaphore(%arg13 : memref<!tpu.dma_semaphore, #tpu.memory_space<semaphore_mem>>) src(%dma_wait3A_1083 : memref<100000x4096xf32, #tpu.memory_space<hbm>>) dst(%arg8 : memref<8x4096xf32, #tpu.memory_space<vmem>>)
    %add3A_1084 = arith.constant 64 : i32
    %add3A_1085 = arith.addi %mul3A_2, %add3A_1084 : i32
    %multiple_of3A_1086 = tpu.assume_multiple %add3A_1085, 8 : i32
    %get3A_1087 = arith.constant 0 : i32
    %get3A_1088 = arith.index_cast %get3A_1087 : i32 to index
    %get3A_1089 = arith.index_cast %multiple_of3A_1086 : i32 to index
    %get3A_1090 = tpu.vector_load %arg8[%get3A_1088, %get3A_1089] {strides = array<i32>} : memref<8x4096xf32, #tpu.memory_space<vmem>>, vector<1x16xf32>,
    %get3A_1091 = vector.shape_cast %get3A_1090 : vector<1x16xf32> to vector<16xf32>
    %eq3A_1092 = arith.constant 0 : i32
    %eq3A_1093 = vector.broadcast %eq3A_1092 : i32 to vector<16xi32>
    %eq3A_1094 = arith.cmpi eq, %iota3A, %eq3A_1093 : vector<16xi32>
    %jit3A_1095 = arith.constant 0.000000e+00 : f32
    %broadcast_in_dim3A_1096 = vector.broadcast %jit3A_1095 : f32 to vector<16xf32>
    %select_n3A_1097 = arith.select %eq3A_1094, %get3A_1091, %broadcast_in_dim3A_1096 : vector<16xi1>, vector<16xf32>
    %add3A_1098 = arith.addf %add3A_1070, %select_n3A_1097 : vector<16xf32>
    %add3A_1099 = arith.constant 64 : i32
    %add3A_1100 = arith.addi %mul3A_2, %add3A_1099 : i32
    %multiple_of3A_1101 = tpu.assume_multiple %add3A_1100, 8 : i32
    %get3A_1102 = arith.constant 1 : i32
    %get3A_1103 = arith.index_cast %get3A_1102 : i32 to index
    %get3A_1104 = arith.index_cast %multiple_of3A_1101 : i32 to index
    %get3A_1105 = tpu.vector_load %arg8[%get3A_1103, %get3A_1104] {strides = array<i32>} : memref<8x4096xf32, #tpu.memory_space<vmem>>, vector<1x16xf32>,
    %get3A_1106 = vector.shape_cast %get3A_1105 : vector<1x16xf32> to vector<16xf32>
    %eq3A_1107 = arith.constant 1 : i32
    %eq3A_1108 = vector.broadcast %eq3A_1107 : i32 to vector<16xi32>
    %eq3A_1109 = arith.cmpi eq, %iota3A, %eq3A_1108 : vector<16xi32>
    %jit3A_1110 = arith.constant 0.000000e+00 : f32
    %broadcast_in_dim3A_1111 = vector.broadcast %jit3A_1110 : f32 to vector<16xf32>
    %select_n3A_1112 = arith.select %eq3A_1109, %get3A_1106, %broadcast_in_dim3A_1111 : vector<16xi1>, vector<16xf32>
    %add3A_1113 = arith.addf %add3A_1098, %select_n3A_1112 : vector<16xf32>
    %add3A_1114 = arith.constant 64 : i32
    %add3A_1115 = arith.addi %mul3A_2, %add3A_1114 : i32
    %multiple_of3A_1116 = tpu.assume_multiple %add3A_1115, 8 : i32
    %get3A_1117 = arith.constant 2 : i32
    %get3A_1118 = arith.index_cast %get3A_1117 : i32 to index
    %get3A_1119 = arith.index_cast %multiple_of3A_1116 : i32 to index
    %get3A_1120 = tpu.vector_load %arg8[%get3A_1118, %get3A_1119] {strides = array<i32>} : memref<8x4096xf32, #tpu.memory_space<vmem>>, vector<1x16xf32>,
    %get3A_1121 = vector.shape_cast %get3A_1120 : vector<1x16xf32> to vector<16xf32>
    %eq3A_1122 = arith.constant 2 : i32
    %eq3A_1123 = vector.broadcast %eq3A_1122 : i32 to vector<16xi32>
    %eq3A_1124 = arith.cmpi eq, %iota3A, %eq3A_1123 : vector<16xi32>
    %jit3A_1125 = arith.constant 0.000000e+00 : f32
    %broadcast_in_dim3A_1126 = vector.broadcast %jit3A_1125 : f32 to vector<16xf32>
    %select_n3A_1127 = arith.select %eq3A_1124, %get3A_1121, %broadcast_in_dim3A_1126 : vector<16xi1>, vector<16xf32>
    %add3A_1128 = arith.addf %add3A_1113, %select_n3A_1127 : vector<16xf32>
    %add3A_1129 = arith.constant 64 : i32
    %add3A_1130 = arith.addi %mul3A_2, %add3A_1129 : i32
    %multiple_of3A_1131 = tpu.assume_multiple %add3A_1130, 8 : i32
    %get3A_1132 = arith.constant 3 : i32
    %get3A_1133 = arith.index_cast %get3A_1132 : i32 to index
    %get3A_1134 = arith.index_cast %multiple_of3A_1131 : i32 to index
    %get3A_1135 = tpu.vector_load %arg8[%get3A_1133, %get3A_1134] {strides = array<i32>} : memref<8x4096xf32, #tpu.memory_space<vmem>>, vector<1x16xf32>,
    %get3A_1136 = vector.shape_cast %get3A_1135 : vector<1x16xf32> to vector<16xf32>
    %eq3A_1137 = arith.constant 3 : i32
    %eq3A_1138 = vector.broadcast %eq3A_1137 : i32 to vector<16xi32>
    %eq3A_1139 = arith.cmpi eq, %iota3A, %eq3A_1138 : vector<16xi32>
    %jit3A_1140 = arith.constant 0.000000e+00 : f32
    %broadcast_in_dim3A_1141 = vector.broadcast %jit3A_1140 : f32 to vector<16xf32>
    %select_n3A_1142 = arith.select %eq3A_1139, %get3A_1136, %broadcast_in_dim3A_1141 : vector<16xi1>, vector<16xf32>
    %add3A_1143 = arith.addf %add3A_1128, %select_n3A_1142 : vector<16xf32>
    %add3A_1144 = arith.constant 64 : i32
    %add3A_1145 = arith.addi %mul3A_2, %add3A_1144 : i32
    %multiple_of3A_1146 = tpu.assume_multiple %add3A_1145, 8 : i32
    %get3A_1147 = arith.constant 4 : i32
    %get3A_1148 = arith.index_cast %get3A_1147 : i32 to index
    %get3A_1149 = arith.index_cast %multiple_of3A_1146 : i32 to index
    %get3A_1150 = tpu.vector_load %arg8[%get3A_1148, %get3A_1149] {strides = array<i32>} : memref<8x4096xf32, #tpu.memory_space<vmem>>, vector<1x16xf32>,
    %get3A_1151 = vector.shape_cast %get3A_1150 : vector<1x16xf32> to vector<16xf32>
    %eq3A_1152 = arith.constant 4 : i32
    %eq3A_1153 = vector.broadcast %eq3A_1152 : i32 to vector<16xi32>
    %eq3A_1154 = arith.cmpi eq, %iota3A, %eq3A_1153 : vector<16xi32>
    %jit3A_1155 = arith.constant 0.000000e+00 : f32
    %broadcast_in_dim3A_1156 = vector.broadcast %jit3A_1155 : f32 to vector<16xf32>
    %select_n3A_1157 = arith.select %eq3A_1154, %get3A_1151, %broadcast_in_dim3A_1156 : vector<16xi1>, vector<16xf32>
    %add3A_1158 = arith.addf %add3A_1143, %select_n3A_1157 : vector<16xf32>
    %add3A_1159 = arith.constant 64 : i32
    %add3A_1160 = arith.addi %mul3A_2, %add3A_1159 : i32
    %multiple_of3A_1161 = tpu.assume_multiple %add3A_1160, 8 : i32
    %get3A_1162 = arith.constant 5 : i32
    %get3A_1163 = arith.index_cast %get3A_1162 : i32 to index
    %get3A_1164 = arith.index_cast %multiple_of3A_1161 : i32 to index
    %get3A_1165 = tpu.vector_load %arg8[%get3A_1163, %get3A_1164] {strides = array<i32>} : memref<8x4096xf32, #tpu.memory_space<vmem>>, vector<1x16xf32>,
    %get3A_1166 = vector.shape_cast %get3A_1165 : vector<1x16xf32> to vector<16xf32>
    %eq3A_1167 = arith.constant 5 : i32
    %eq3A_1168 = vector.broadcast %eq3A_1167 : i32 to vector<16xi32>
    %eq3A_1169 = arith.cmpi eq, %iota3A, %eq3A_1168 : vector<16xi32>
    %jit3A_1170 = arith.constant 0.000000e+00 : f32
    %broadcast_in_dim3A_1171 = vector.broadcast %jit3A_1170 : f32 to vector<16xf32>
    %select_n3A_1172 = arith.select %eq3A_1169, %get3A_1166, %broadcast_in_dim3A_1171 : vector<16xi1>, vector<16xf32>
    %add3A_1173 = arith.addf %add3A_1158, %select_n3A_1172 : vector<16xf32>
    %add3A_1174 = arith.constant 64 : i32
    %add3A_1175 = arith.addi %mul3A_2, %add3A_1174 : i32
    %multiple_of3A_1176 = tpu.assume_multiple %add3A_1175, 8 : i32
    %get3A_1177 = arith.constant 6 : i32
    %get3A_1178 = arith.index_cast %get3A_1177 : i32 to index
    %get3A_1179 = arith.index_cast %multiple_of3A_1176 : i32 to index
    %get3A_1180 = tpu.vector_load %arg8[%get3A_1178, %get3A_1179] {strides = array<i32>} : memref<8x4096xf32, #tpu.memory_space<vmem>>, vector<1x16xf32>,
    %get3A_1181 = vector.shape_cast %get3A_1180 : vector<1x16xf32> to vector<16xf32>
    %eq3A_1182 = arith.constant 6 : i32
    %eq3A_1183 = vector.broadcast %eq3A_1182 : i32 to vector<16xi32>
    %eq3A_1184 = arith.cmpi eq, %iota3A, %eq3A_1183 : vector<16xi32>
    %jit3A_1185 = arith.constant 0.000000e+00 : f32
    %broadcast_in_dim3A_1186 = vector.broadcast %jit3A_1185 : f32 to vector<16xf32>
    %select_n3A_1187 = arith.select %eq3A_1184, %get3A_1181, %broadcast_in_dim3A_1186 : vector<16xi1>, vector<16xf32>
    %add3A_1188 = arith.addf %add3A_1173, %select_n3A_1187 : vector<16xf32>
    %add3A_1189 = arith.constant 64 : i32
    %add3A_1190 = arith.addi %mul3A_2, %add3A_1189 : i32
    %multiple_of3A_1191 = tpu.assume_multiple %add3A_1190, 8 : i32
    %get3A_1192 = arith.constant 7 : i32
    %get3A_1193 = arith.index_cast %get3A_1192 : i32 to index
    %get3A_1194 = arith.index_cast %multiple_of3A_1191 : i32 to index
    %get3A_1195 = tpu.vector_load %arg8[%get3A_1193, %get3A_1194] {strides = array<i32>} : memref<8x4096xf32, #tpu.memory_space<vmem>>, vector<1x16xf32>,
    %get3A_1196 = vector.shape_cast %get3A_1195 : vector<1x16xf32> to vector<16xf32>
    %eq3A_1197 = arith.constant 7 : i32
    %eq3A_1198 = vector.broadcast %eq3A_1197 : i32 to vector<16xi32>
    %eq3A_1199 = arith.cmpi eq, %iota3A, %eq3A_1198 : vector<16xi32>
    %jit3A_1200 = arith.constant 0.000000e+00 : f32
    %broadcast_in_dim3A_1201 = vector.broadcast %jit3A_1200 : f32 to vector<16xf32>
    %select_n3A_1202 = arith.select %eq3A_1199, %get3A_1196, %broadcast_in_dim3A_1201 : vector<16xi1>, vector<16xf32>
    %add3A_1203 = arith.addf %add3A_1188, %select_n3A_1202 : vector<16xf32>
    %get3A_1204 = arith.constant 80 : index
    %get3A_1205 = tpu.vector_load %arg5[%get3A_1204] {strides = array<i32>} : memref<128xi32, #tpu.memory_space<vmem>>, vector<8xi32>,
    %get3A_1206 = vector.shape_cast %get3A_1205 : vector<8xi32> to vector<8xi32>
    %swap3A_1207 = arith.constant 0 : index
    %swap3A_1208 = tpu.vector_load %arg6[%swap3A_1207] {strides = array<i32>} : memref<8xi32, #tpu.memory_space<vmem>>, vector<8xi32>,
    %swap3A_1209 = vector.shape_cast %swap3A_1208 : vector<8xi32> to vector<8xi32>
    %swap3A_1210 = vector.shape_cast %get3A_1206 : vector<8xi32> to vector<8xi32>
    tpu.vector_store %arg6[%swap3A_1207], %swap3A_1210 {strides = array<i32>} : memref<8xi32, #tpu.memory_space<vmem>>, vector<8xi32>,
    %dma_start3A_1211 = arith.constant 0 : i32
    %dma_start3A_1212 = arith.constant 0 : i32
    %dma_start3A_1213 = tpu.memref_slice %arg2[%dma_start3A_1211, %dma_start3A_1212] : memref<100000x4096xf32, #tpu.memory_space<hbm>> -> memref<100000x4096xf32, #tpu.memory_space<hbm>>
    tpu.enqueue_indirect_dma source(%dma_start3A_1213 : memref<100000x4096xf32, #tpu.memory_space<hbm>>) target(%arg8 : memref<8x4096xf32, #tpu.memory_space<vmem>>) offsets(%arg6 : memref<8xi32, #tpu.memory_space<vmem>>) semaphore(%arg13 : memref<!tpu.dma_semaphore, #tpu.memory_space<semaphore_mem>>)
    %dma_wait3A_1214 = arith.constant 0 : i32
    %dma_wait3A_1215 = arith.constant 0 : i32
    %dma_wait3A_1216 = tpu.memref_slice %arg2[%dma_wait3A_1214, %dma_wait3A_1215] : memref<100000x4096xf32, #tpu.memory_space<hbm>> -> memref<100000x4096xf32, #tpu.memory_space<hbm>>
    tpu.wait_indirect_dma semaphore(%arg14 : memref<!tpu.dma_semaphore, #tpu.memory_space<semaphore_mem>>) src(%dma_wait3A_1216 : memref<100000x4096xf32, #tpu.memory_space<hbm>>) dst(%arg9 : memref<8x4096xf32, #tpu.memory_space<vmem>>)
    %add3A_1217 = arith.constant 64 : i32
    %add3A_1218 = arith.addi %mul3A_2, %add3A_1217 : i32
    %multiple_of3A_1219 = tpu.assume_multiple %add3A_1218, 8 : i32
    %get3A_1220 = arith.constant 0 : i32
    %get3A_1221 = arith.index_cast %get3A_1220 : i32 to index
    %get3A_1222 = arith.index_cast %multiple_of3A_1219 : i32 to index
    %get3A_1223 = tpu.vector_load %arg9[%get3A_1221, %get3A_1222] {strides = array<i32>} : memref<8x4096xf32, #tpu.memory_space<vmem>>, vector<1x16xf32>,
    %get3A_1224 = vector.shape_cast %get3A_1223 : vector<1x16xf32> to vector<16xf32>
    %eq3A_1225 = arith.constant 8 : i32
    %eq3A_1226 = vector.broadcast %eq3A_1225 : i32 to vector<16xi32>
    %eq3A_1227 = arith.cmpi eq, %iota3A, %eq3A_1226 : vector<16xi32>
    %jit3A_1228 = arith.constant 0.000000e+00 : f32
    %broadcast_in_dim3A_1229 = vector.broadcast %jit3A_1228 : f32 to vector<16xf32>
    %select_n3A_1230 = arith.select %eq3A_1227, %get3A_1224, %broadcast_in_dim3A_1229 : vector<16xi1>, vector<16xf32>
    %add3A_1231 = arith.addf %add3A_1203, %select_n3A_1230 : vector<16xf32>
    %add3A_1232 = arith.constant 64 : i32
    %add3A_1233 = arith.addi %mul3A_2, %add3A_1232 : i32
    %multiple_of3A_1234 = tpu.assume_multiple %add3A_1233, 8 : i32
    %get3A_1235 = arith.constant 1 : i32
    %get3A_1236 = arith.index_cast %get3A_1235 : i32 to index
    %get3A_1237 = arith.index_cast %multiple_of3A_1234 : i32 to index
    %get3A_1238 = tpu.vector_load %arg9[%get3A_1236, %get3A_1237] {strides = array<i32>} : memref<8x4096xf32, #tpu.memory_space<vmem>>, vector<1x16xf32>,
    %get3A_1239 = vector.shape_cast %get3A_1238 : vector<1x16xf32> to vector<16xf32>
    %eq3A_1240 = arith.constant 9 : i32
    %eq3A_1241 = vector.broadcast %eq3A_1240 : i32 to vector<16xi32>
    %eq3A_1242 = arith.cmpi eq, %iota3A, %eq3A_1241 : vector<16xi32>
    %jit3A_1243 = arith.constant 0.000000e+00 : f32
    %broadcast_in_dim3A_1244 = vector.broadcast %jit3A_1243 : f32 to vector<16xf32>
    %select_n3A_1245 = arith.select %eq3A_1242, %get3A_1239, %broadcast_in_dim3A_1244 : vector<16xi1>, vector<16xf32>
    %add3A_1246 = arith.addf %add3A_1231, %select_n3A_1245 : vector<16xf32>
    %add3A_1247 = arith.constant 64 : i32
    %add3A_1248 = arith.addi %mul3A_2, %add3A_1247 : i32
    %multiple_of3A_1249 = tpu.assume_multiple %add3A_1248, 8 : i32
    %get3A_1250 = arith.constant 2 : i32
    %get3A_1251 = arith.index_cast %get3A_1250 : i32 to index
    %get3A_1252 = arith.index_cast %multiple_of3A_1249 : i32 to index
    %get3A_1253 = tpu.vector_load %arg9[%get3A_1251, %get3A_1252] {strides = array<i32>} : memref<8x4096xf32, #tpu.memory_space<vmem>>, vector<1x16xf32>,
    %get3A_1254 = vector.shape_cast %get3A_1253 : vector<1x16xf32> to vector<16xf32>
    %eq3A_1255 = arith.constant 10 : i32
    %eq3A_1256 = vector.broadcast %eq3A_1255 : i32 to vector<16xi32>
    %eq3A_1257 = arith.cmpi eq, %iota3A, %eq3A_1256 : vector<16xi32>
    %jit3A_1258 = arith.constant 0.000000e+00 : f32
    %broadcast_in_dim3A_1259 = vector.broadcast %jit3A_1258 : f32 to vector<16xf32>
    %select_n3A_1260 = arith.select %eq3A_1257, %get3A_1254, %broadcast_in_dim3A_1259 : vector<16xi1>, vector<16xf32>
    %add3A_1261 = arith.addf %add3A_1246, %select_n3A_1260 : vector<16xf32>
    %add3A_1262 = arith.constant 64 : i32
    %add3A_1263 = arith.addi %mul3A_2, %add3A_1262 : i32
    %multiple_of3A_1264 = tpu.assume_multiple %add3A_1263, 8 : i32
    %get3A_1265 = arith.constant 3 : i32
    %get3A_1266 = arith.index_cast %get3A_1265 : i32 to index
    %get3A_1267 = arith.index_cast %multiple_of3A_1264 : i32 to index
    %get3A_1268 = tpu.vector_load %arg9[%get3A_1266, %get3A_1267] {strides = array<i32>} : memref<8x4096xf32, #tpu.memory_space<vmem>>, vector<1x16xf32>,
    %get3A_1269 = vector.shape_cast %get3A_1268 : vector<1x16xf32> to vector<16xf32>
    %eq3A_1270 = arith.constant 11 : i32
    %eq3A_1271 = vector.broadcast %eq3A_1270 : i32 to vector<16xi32>
    %eq3A_1272 = arith.cmpi eq, %iota3A, %eq3A_1271 : vector<16xi32>
    %jit3A_1273 = arith.constant 0.000000e+00 : f32
    %broadcast_in_dim3A_1274 = vector.broadcast %jit3A_1273 : f32 to vector<16xf32>
    %select_n3A_1275 = arith.select %eq3A_1272, %get3A_1269, %broadcast_in_dim3A_1274 : vector<16xi1>, vector<16xf32>
    %add3A_1276 = arith.addf %add3A_1261, %select_n3A_1275 : vector<16xf32>
    %add3A_1277 = arith.constant 64 : i32
    %add3A_1278 = arith.addi %mul3A_2, %add3A_1277 : i32
    %multiple_of3A_1279 = tpu.assume_multiple %add3A_1278, 8 : i32
    %get3A_1280 = arith.constant 4 : i32
    %get3A_1281 = arith.index_cast %get3A_1280 : i32 to index
    %get3A_1282 = arith.index_cast %multiple_of3A_1279 : i32 to index
    %get3A_1283 = tpu.vector_load %arg9[%get3A_1281, %get3A_1282] {strides = array<i32>} : memref<8x4096xf32, #tpu.memory_space<vmem>>, vector<1x16xf32>,
    %get3A_1284 = vector.shape_cast %get3A_1283 : vector<1x16xf32> to vector<16xf32>
    %eq3A_1285 = arith.constant 12 : i32
    %eq3A_1286 = vector.broadcast %eq3A_1285 : i32 to vector<16xi32>
    %eq3A_1287 = arith.cmpi eq, %iota3A, %eq3A_1286 : vector<16xi32>
    %jit3A_1288 = arith.constant 0.000000e+00 : f32
    %broadcast_in_dim3A_1289 = vector.broadcast %jit3A_1288 : f32 to vector<16xf32>
    %select_n3A_1290 = arith.select %eq3A_1287, %get3A_1284, %broadcast_in_dim3A_1289 : vector<16xi1>, vector<16xf32>
    %add3A_1291 = arith.addf %add3A_1276, %select_n3A_1290 : vector<16xf32>
    %add3A_1292 = arith.constant 64 : i32
    %add3A_1293 = arith.addi %mul3A_2, %add3A_1292 : i32
    %multiple_of3A_1294 = tpu.assume_multiple %add3A_1293, 8 : i32
    %get3A_1295 = arith.constant 5 : i32
    %get3A_1296 = arith.index_cast %get3A_1295 : i32 to index
    %get3A_1297 = arith.index_cast %multiple_of3A_1294 : i32 to index
    %get3A_1298 = tpu.vector_load %arg9[%get3A_1296, %get3A_1297] {strides = array<i32>} : memref<8x4096xf32, #tpu.memory_space<vmem>>, vector<1x16xf32>,
    %get3A_1299 = vector.shape_cast %get3A_1298 : vector<1x16xf32> to vector<16xf32>
    %eq3A_1300 = arith.constant 13 : i32
    %eq3A_1301 = vector.broadcast %eq3A_1300 : i32 to vector<16xi32>
    %eq3A_1302 = arith.cmpi eq, %iota3A, %eq3A_1301 : vector<16xi32>
    %jit3A_1303 = arith.constant 0.000000e+00 : f32
    %broadcast_in_dim3A_1304 = vector.broadcast %jit3A_1303 : f32 to vector<16xf32>
    %select_n3A_1305 = arith.select %eq3A_1302, %get3A_1299, %broadcast_in_dim3A_1304 : vector<16xi1>, vector<16xf32>
    %add3A_1306 = arith.addf %add3A_1291, %select_n3A_1305 : vector<16xf32>
    %add3A_1307 = arith.constant 64 : i32
    %add3A_1308 = arith.addi %mul3A_2, %add3A_1307 : i32
    %multiple_of3A_1309 = tpu.assume_multiple %add3A_1308, 8 : i32
    %get3A_1310 = arith.constant 6 : i32
    %get3A_1311 = arith.index_cast %get3A_1310 : i32 to index
    %get3A_1312 = arith.index_cast %multiple_of3A_1309 : i32 to index
    %get3A_1313 = tpu.vector_load %arg9[%get3A_1311, %get3A_1312] {strides = array<i32>} : memref<8x4096xf32, #tpu.memory_space<vmem>>, vector<1x16xf32>,
    %get3A_1314 = vector.shape_cast %get3A_1313 : vector<1x16xf32> to vector<16xf32>
    %eq3A_1315 = arith.constant 14 : i32
    %eq3A_1316 = vector.broadcast %eq3A_1315 : i32 to vector<16xi32>
    %eq3A_1317 = arith.cmpi eq, %iota3A, %eq3A_1316 : vector<16xi32>
    %jit3A_1318 = arith.constant 0.000000e+00 : f32
    %broadcast_in_dim3A_1319 = vector.broadcast %jit3A_1318 : f32 to vector<16xf32>
    %select_n3A_1320 = arith.select %eq3A_1317, %get3A_1314, %broadcast_in_dim3A_1319 : vector<16xi1>, vector<16xf32>
    %add3A_1321 = arith.addf %add3A_1306, %select_n3A_1320 : vector<16xf32>
    %add3A_1322 = arith.constant 64 : i32
    %add3A_1323 = arith.addi %mul3A_2, %add3A_1322 : i32
    %multiple_of3A_1324 = tpu.assume_multiple %add3A_1323, 8 : i32
    %get3A_1325 = arith.constant 7 : i32
    %get3A_1326 = arith.index_cast %get3A_1325 : i32 to index
    %get3A_1327 = arith.index_cast %multiple_of3A_1324 : i32 to index
    %get3A_1328 = tpu.vector_load %arg9[%get3A_1326, %get3A_1327] {strides = array<i32>} : memref<8x4096xf32, #tpu.memory_space<vmem>>, vector<1x16xf32>,
    %get3A_1329 = vector.shape_cast %get3A_1328 : vector<1x16xf32> to vector<16xf32>
    %eq3A_1330 = arith.constant 15 : i32
    %eq3A_1331 = vector.broadcast %eq3A_1330 : i32 to vector<16xi32>
    %eq3A_1332 = arith.cmpi eq, %iota3A, %eq3A_1331 : vector<16xi32>
    %jit3A_1333 = arith.constant 0.000000e+00 : f32
    %broadcast_in_dim3A_1334 = vector.broadcast %jit3A_1333 : f32 to vector<16xf32>
    %select_n3A_1335 = arith.select %eq3A_1332, %get3A_1329, %broadcast_in_dim3A_1334 : vector<16xi1>, vector<16xf32>
    %add3A_1336 = arith.addf %add3A_1321, %select_n3A_1335 : vector<16xf32>
    %get3A_1337 = arith.constant 88 : index
    %get3A_1338 = tpu.vector_load %arg5[%get3A_1337] {strides = array<i32>} : memref<128xi32, #tpu.memory_space<vmem>>, vector<8xi32>,
    %get3A_1339 = vector.shape_cast %get3A_1338 : vector<8xi32> to vector<8xi32>
    %swap3A_1340 = arith.constant 0 : index
    %swap3A_1341 = tpu.vector_load %arg7[%swap3A_1340] {strides = array<i32>} : memref<8xi32, #tpu.memory_space<vmem>>, vector<8xi32>,
    %swap3A_1342 = vector.shape_cast %swap3A_1341 : vector<8xi32> to vector<8xi32>
    %swap3A_1343 = vector.shape_cast %get3A_1339 : vector<8xi32> to vector<8xi32>
    tpu.vector_store %arg7[%swap3A_1340], %swap3A_1343 {strides = array<i32>} : memref<8xi32, #tpu.memory_space<vmem>>, vector<8xi32>,
    %dma_start3A_1344 = arith.constant 0 : i32
    %dma_start3A_1345 = arith.constant 0 : i32
    %dma_start3A_1346 = tpu.memref_slice %arg2[%dma_start3A_1344, %dma_start3A_1345] : memref<100000x4096xf32, #tpu.memory_space<hbm>> -> memref<100000x4096xf32, #tpu.memory_space<hbm>>
    tpu.enqueue_indirect_dma source(%dma_start3A_1346 : memref<100000x4096xf32, #tpu.memory_space<hbm>>) target(%arg9 : memref<8x4096xf32, #tpu.memory_space<vmem>>) offsets(%arg7 : memref<8xi32, #tpu.memory_space<vmem>>) semaphore(%arg14 : memref<!tpu.dma_semaphore, #tpu.memory_space<semaphore_mem>>)
    %dma_wait3A_1347 = arith.constant 0 : i32
    %dma_wait3A_1348 = arith.constant 0 : i32
    %dma_wait3A_1349 = tpu.memref_slice %arg2[%dma_wait3A_1347, %dma_wait3A_1348] : memref<100000x4096xf32, #tpu.memory_space<hbm>> -> memref<100000x4096xf32, #tpu.memory_space<hbm>>
    tpu.wait_indirect_dma semaphore(%arg13 : memref<!tpu.dma_semaphore, #tpu.memory_space<semaphore_mem>>) src(%dma_wait3A_1349 : memref<100000x4096xf32, #tpu.memory_space<hbm>>) dst(%arg8 : memref<8x4096xf32, #tpu.memory_space<vmem>>)
    %add3A_1350 = arith.constant 80 : i32
    %add3A_1351 = arith.addi %mul3A_2, %add3A_1350 : i32
    %multiple_of3A_1352 = tpu.assume_multiple %add3A_1351, 8 : i32
    %get3A_1353 = arith.constant 0 : i32
    %get3A_1354 = arith.index_cast %get3A_1353 : i32 to index
    %get3A_1355 = arith.index_cast %multiple_of3A_1352 : i32 to index
    %get3A_1356 = tpu.vector_load %arg8[%get3A_1354, %get3A_1355] {strides = array<i32>} : memref<8x4096xf32, #tpu.memory_space<vmem>>, vector<1x16xf32>,
    %get3A_1357 = vector.shape_cast %get3A_1356 : vector<1x16xf32> to vector<16xf32>
    %eq3A_1358 = arith.constant 0 : i32
    %eq3A_1359 = vector.broadcast %eq3A_1358 : i32 to vector<16xi32>
    %eq3A_1360 = arith.cmpi eq, %iota3A, %eq3A_1359 : vector<16xi32>
    %jit3A_1361 = arith.constant 0.000000e+00 : f32
    %broadcast_in_dim3A_1362 = vector.broadcast %jit3A_1361 : f32 to vector<16xf32>
    %select_n3A_1363 = arith.select %eq3A_1360, %get3A_1357, %broadcast_in_dim3A_1362 : vector<16xi1>, vector<16xf32>
    %add3A_1364 = arith.addf %add3A_1336, %select_n3A_1363 : vector<16xf32>
    %add3A_1365 = arith.constant 80 : i32
    %add3A_1366 = arith.addi %mul3A_2, %add3A_1365 : i32
    %multiple_of3A_1367 = tpu.assume_multiple %add3A_1366, 8 : i32
    %get3A_1368 = arith.constant 1 : i32
    %get3A_1369 = arith.index_cast %get3A_1368 : i32 to index
    %get3A_1370 = arith.index_cast %multiple_of3A_1367 : i32 to index
    %get3A_1371 = tpu.vector_load %arg8[%get3A_1369, %get3A_1370] {strides = array<i32>} : memref<8x4096xf32, #tpu.memory_space<vmem>>, vector<1x16xf32>,
    %get3A_1372 = vector.shape_cast %get3A_1371 : vector<1x16xf32> to vector<16xf32>
    %eq3A_1373 = arith.constant 1 : i32
    %eq3A_1374 = vector.broadcast %eq3A_1373 : i32 to vector<16xi32>
    %eq3A_1375 = arith.cmpi eq, %iota3A, %eq3A_1374 : vector<16xi32>
    %jit3A_1376 = arith.constant 0.000000e+00 : f32
    %broadcast_in_dim3A_1377 = vector.broadcast %jit3A_1376 : f32 to vector<16xf32>
    %select_n3A_1378 = arith.select %eq3A_1375, %get3A_1372, %broadcast_in_dim3A_1377 : vector<16xi1>, vector<16xf32>
    %add3A_1379 = arith.addf %add3A_1364, %select_n3A_1378 : vector<16xf32>
    %add3A_1380 = arith.constant 80 : i32
    %add3A_1381 = arith.addi %mul3A_2, %add3A_1380 : i32
    %multiple_of3A_1382 = tpu.assume_multiple %add3A_1381, 8 : i32
    %get3A_1383 = arith.constant 2 : i32
    %get3A_1384 = arith.index_cast %get3A_1383 : i32 to index
    %get3A_1385 = arith.index_cast %multiple_of3A_1382 : i32 to index
    %get3A_1386 = tpu.vector_load %arg8[%get3A_1384, %get3A_1385] {strides = array<i32>} : memref<8x4096xf32, #tpu.memory_space<vmem>>, vector<1x16xf32>,
    %get3A_1387 = vector.shape_cast %get3A_1386 : vector<1x16xf32> to vector<16xf32>
    %eq3A_1388 = arith.constant 2 : i32
    %eq3A_1389 = vector.broadcast %eq3A_1388 : i32 to vector<16xi32>
    %eq3A_1390 = arith.cmpi eq, %iota3A, %eq3A_1389 : vector<16xi32>
    %jit3A_1391 = arith.constant 0.000000e+00 : f32
    %broadcast_in_dim3A_1392 = vector.broadcast %jit3A_1391 : f32 to vector<16xf32>
    %select_n3A_1393 = arith.select %eq3A_1390, %get3A_1387, %broadcast_in_dim3A_1392 : vector<16xi1>, vector<16xf32>
    %add3A_1394 = arith.addf %add3A_1379, %select_n3A_1393 : vector<16xf32>
    %add3A_1395 = arith.constant 80 : i32
    %add3A_1396 = arith.addi %mul3A_2, %add3A_1395 : i32
    %multiple_of3A_1397 = tpu.assume_multiple %add3A_1396, 8 : i32
    %get3A_1398 = arith.constant 3 : i32
    %get3A_1399 = arith.index_cast %get3A_1398 : i32 to index
    %get3A_1400 = arith.index_cast %multiple_of3A_1397 : i32 to index
    %get3A_1401 = tpu.vector_load %arg8[%get3A_1399, %get3A_1400] {strides = array<i32>} : memref<8x4096xf32, #tpu.memory_space<vmem>>, vector<1x16xf32>,
    %get3A_1402 = vector.shape_cast %get3A_1401 : vector<1x16xf32> to vector<16xf32>
    %eq3A_1403 = arith.constant 3 : i32
    %eq3A_1404 = vector.broadcast %eq3A_1403 : i32 to vector<16xi32>
    %eq3A_1405 = arith.cmpi eq, %iota3A, %eq3A_1404 : vector<16xi32>
    %jit3A_1406 = arith.constant 0.000000e+00 : f32
    %broadcast_in_dim3A_1407 = vector.broadcast %jit3A_1406 : f32 to vector<16xf32>
    %select_n3A_1408 = arith.select %eq3A_1405, %get3A_1402, %broadcast_in_dim3A_1407 : vector<16xi1>, vector<16xf32>
    %add3A_1409 = arith.addf %add3A_1394, %select_n3A_1408 : vector<16xf32>
    %add3A_1410 = arith.constant 80 : i32
    %add3A_1411 = arith.addi %mul3A_2, %add3A_1410 : i32
    %multiple_of3A_1412 = tpu.assume_multiple %add3A_1411, 8 : i32
    %get3A_1413 = arith.constant 4 : i32
    %get3A_1414 = arith.index_cast %get3A_1413 : i32 to index
    %get3A_1415 = arith.index_cast %multiple_of3A_1412 : i32 to index
    %get3A_1416 = tpu.vector_load %arg8[%get3A_1414, %get3A_1415] {strides = array<i32>} : memref<8x4096xf32, #tpu.memory_space<vmem>>, vector<1x16xf32>,
    %get3A_1417 = vector.shape_cast %get3A_1416 : vector<1x16xf32> to vector<16xf32>
    %eq3A_1418 = arith.constant 4 : i32
    %eq3A_1419 = vector.broadcast %eq3A_1418 : i32 to vector<16xi32>
    %eq3A_1420 = arith.cmpi eq, %iota3A, %eq3A_1419 : vector<16xi32>
    %jit3A_1421 = arith.constant 0.000000e+00 : f32
    %broadcast_in_dim3A_1422 = vector.broadcast %jit3A_1421 : f32 to vector<16xf32>
    %select_n3A_1423 = arith.select %eq3A_1420, %get3A_1417, %broadcast_in_dim3A_1422 : vector<16xi1>, vector<16xf32>
    %add3A_1424 = arith.addf %add3A_1409, %select_n3A_1423 : vector<16xf32>
    %add3A_1425 = arith.constant 80 : i32
    %add3A_1426 = arith.addi %mul3A_2, %add3A_1425 : i32
    %multiple_of3A_1427 = tpu.assume_multiple %add3A_1426, 8 : i32
    %get3A_1428 = arith.constant 5 : i32
    %get3A_1429 = arith.index_cast %get3A_1428 : i32 to index
    %get3A_1430 = arith.index_cast %multiple_of3A_1427 : i32 to index
    %get3A_1431 = tpu.vector_load %arg8[%get3A_1429, %get3A_1430] {strides = array<i32>} : memref<8x4096xf32, #tpu.memory_space<vmem>>, vector<1x16xf32>,
    %get3A_1432 = vector.shape_cast %get3A_1431 : vector<1x16xf32> to vector<16xf32>
    %eq3A_1433 = arith.constant 5 : i32
    %eq3A_1434 = vector.broadcast %eq3A_1433 : i32 to vector<16xi32>
    %eq3A_1435 = arith.cmpi eq, %iota3A, %eq3A_1434 : vector<16xi32>
    %jit3A_1436 = arith.constant 0.000000e+00 : f32
    %broadcast_in_dim3A_1437 = vector.broadcast %jit3A_1436 : f32 to vector<16xf32>
    %select_n3A_1438 = arith.select %eq3A_1435, %get3A_1432, %broadcast_in_dim3A_1437 : vector<16xi1>, vector<16xf32>
    %add3A_1439 = arith.addf %add3A_1424, %select_n3A_1438 : vector<16xf32>
    %add3A_1440 = arith.constant 80 : i32
    %add3A_1441 = arith.addi %mul3A_2, %add3A_1440 : i32
    %multiple_of3A_1442 = tpu.assume_multiple %add3A_1441, 8 : i32
    %get3A_1443 = arith.constant 6 : i32
    %get3A_1444 = arith.index_cast %get3A_1443 : i32 to index
    %get3A_1445 = arith.index_cast %multiple_of3A_1442 : i32 to index
    %get3A_1446 = tpu.vector_load %arg8[%get3A_1444, %get3A_1445] {strides = array<i32>} : memref<8x4096xf32, #tpu.memory_space<vmem>>, vector<1x16xf32>,
    %get3A_1447 = vector.shape_cast %get3A_1446 : vector<1x16xf32> to vector<16xf32>
    %eq3A_1448 = arith.constant 6 : i32
    %eq3A_1449 = vector.broadcast %eq3A_1448 : i32 to vector<16xi32>
    %eq3A_1450 = arith.cmpi eq, %iota3A, %eq3A_1449 : vector<16xi32>
    %jit3A_1451 = arith.constant 0.000000e+00 : f32
    %broadcast_in_dim3A_1452 = vector.broadcast %jit3A_1451 : f32 to vector<16xf32>
    %select_n3A_1453 = arith.select %eq3A_1450, %get3A_1447, %broadcast_in_dim3A_1452 : vector<16xi1>, vector<16xf32>
    %add3A_1454 = arith.addf %add3A_1439, %select_n3A_1453 : vector<16xf32>
    %add3A_1455 = arith.constant 80 : i32
    %add3A_1456 = arith.addi %mul3A_2, %add3A_1455 : i32
    %multiple_of3A_1457 = tpu.assume_multiple %add3A_1456, 8 : i32
    %get3A_1458 = arith.constant 7 : i32
    %get3A_1459 = arith.index_cast %get3A_1458 : i32 to index
    %get3A_1460 = arith.index_cast %multiple_of3A_1457 : i32 to index
    %get3A_1461 = tpu.vector_load %arg8[%get3A_1459, %get3A_1460] {strides = array<i32>} : memref<8x4096xf32, #tpu.memory_space<vmem>>, vector<1x16xf32>,
    %get3A_1462 = vector.shape_cast %get3A_1461 : vector<1x16xf32> to vector<16xf32>
    %eq3A_1463 = arith.constant 7 : i32
    %eq3A_1464 = vector.broadcast %eq3A_1463 : i32 to vector<16xi32>
    %eq3A_1465 = arith.cmpi eq, %iota3A, %eq3A_1464 : vector<16xi32>
    %jit3A_1466 = arith.constant 0.000000e+00 : f32
    %broadcast_in_dim3A_1467 = vector.broadcast %jit3A_1466 : f32 to vector<16xf32>
    %select_n3A_1468 = arith.select %eq3A_1465, %get3A_1462, %broadcast_in_dim3A_1467 : vector<16xi1>, vector<16xf32>
    %add3A_1469 = arith.addf %add3A_1454, %select_n3A_1468 : vector<16xf32>
    %get3A_1470 = arith.constant 96 : index
    %get3A_1471 = tpu.vector_load %arg5[%get3A_1470] {strides = array<i32>} : memref<128xi32, #tpu.memory_space<vmem>>, vector<8xi32>,
    %get3A_1472 = vector.shape_cast %get3A_1471 : vector<8xi32> to vector<8xi32>
    %swap3A_1473 = arith.constant 0 : index
    %swap3A_1474 = tpu.vector_load %arg6[%swap3A_1473] {strides = array<i32>} : memref<8xi32, #tpu.memory_space<vmem>>, vector<8xi32>,
    %swap3A_1475 = vector.shape_cast %swap3A_1474 : vector<8xi32> to vector<8xi32>
    %swap3A_1476 = vector.shape_cast %get3A_1472 : vector<8xi32> to vector<8xi32>
    tpu.vector_store %arg6[%swap3A_1473], %swap3A_1476 {strides = array<i32>} : memref<8xi32, #tpu.memory_space<vmem>>, vector<8xi32>,
    %dma_start3A_1477 = arith.constant 0 : i32
    %dma_start3A_1478 = arith.constant 0 : i32
    %dma_start3A_1479 = tpu.memref_slice %arg2[%dma_start3A_1477, %dma_start3A_1478] : memref<100000x4096xf32, #tpu.memory_space<hbm>> -> memref<100000x4096xf32, #tpu.memory_space<hbm>>
    tpu.enqueue_indirect_dma source(%dma_start3A_1479 : memref<100000x4096xf32, #tpu.memory_space<hbm>>) target(%arg8 : memref<8x4096xf32, #tpu.memory_space<vmem>>) offsets(%arg6 : memref<8xi32, #tpu.memory_space<vmem>>) semaphore(%arg13 : memref<!tpu.dma_semaphore, #tpu.memory_space<semaphore_mem>>)
    %dma_wait3A_1480 = arith.constant 0 : i32
    %dma_wait3A_1481 = arith.constant 0 : i32
    %dma_wait3A_1482 = tpu.memref_slice %arg2[%dma_wait3A_1480, %dma_wait3A_1481] : memref<100000x4096xf32, #tpu.memory_space<hbm>> -> memref<100000x4096xf32, #tpu.memory_space<hbm>>
    tpu.wait_indirect_dma semaphore(%arg14 : memref<!tpu.dma_semaphore, #tpu.memory_space<semaphore_mem>>) src(%dma_wait3A_1482 : memref<100000x4096xf32, #tpu.memory_space<hbm>>) dst(%arg9 : memref<8x4096xf32, #tpu.memory_space<vmem>>)
    %add3A_1483 = arith.constant 80 : i32
    %add3A_1484 = arith.addi %mul3A_2, %add3A_1483 : i32
    %multiple_of3A_1485 = tpu.assume_multiple %add3A_1484, 8 : i32
    %get3A_1486 = arith.constant 0 : i32
    %get3A_1487 = arith.index_cast %get3A_1486 : i32 to index
    %get3A_1488 = arith.index_cast %multiple_of3A_1485 : i32 to index
    %get3A_1489 = tpu.vector_load %arg9[%get3A_1487, %get3A_1488] {strides = array<i32>} : memref<8x4096xf32, #tpu.memory_space<vmem>>, vector<1x16xf32>,
    %get3A_1490 = vector.shape_cast %get3A_1489 : vector<1x16xf32> to vector<16xf32>
    %eq3A_1491 = arith.constant 8 : i32
    %eq3A_1492 = vector.broadcast %eq3A_1491 : i32 to vector<16xi32>
    %eq3A_1493 = arith.cmpi eq, %iota3A, %eq3A_1492 : vector<16xi32>
    %jit3A_1494 = arith.constant 0.000000e+00 : f32
    %broadcast_in_dim3A_1495 = vector.broadcast %jit3A_1494 : f32 to vector<16xf32>
    %select_n3A_1496 = arith.select %eq3A_1493, %get3A_1490, %broadcast_in_dim3A_1495 : vector<16xi1>, vector<16xf32>
    %add3A_1497 = arith.addf %add3A_1469, %select_n3A_1496 : vector<16xf32>
    %add3A_1498 = arith.constant 80 : i32
    %add3A_1499 = arith.addi %mul3A_2, %add3A_1498 : i32
    %multiple_of3A_1500 = tpu.assume_multiple %add3A_1499, 8 : i32
    %get3A_1501 = arith.constant 1 : i32
    %get3A_1502 = arith.index_cast %get3A_1501 : i32 to index
    %get3A_1503 = arith.index_cast %multiple_of3A_1500 : i32 to index
    %get3A_1504 = tpu.vector_load %arg9[%get3A_1502, %get3A_1503] {strides = array<i32>} : memref<8x4096xf32, #tpu.memory_space<vmem>>, vector<1x16xf32>,
    %get3A_1505 = vector.shape_cast %get3A_1504 : vector<1x16xf32> to vector<16xf32>
    %eq3A_1506 = arith.constant 9 : i32
    %eq3A_1507 = vector.broadcast %eq3A_1506 : i32 to vector<16xi32>
    %eq3A_1508 = arith.cmpi eq, %iota3A, %eq3A_1507 : vector<16xi32>
    %jit3A_1509 = arith.constant 0.000000e+00 : f32
    %broadcast_in_dim3A_1510 = vector.broadcast %jit3A_1509 : f32 to vector<16xf32>
    %select_n3A_1511 = arith.select %eq3A_1508, %get3A_1505, %broadcast_in_dim3A_1510 : vector<16xi1>, vector<16xf32>
    %add3A_1512 = arith.addf %add3A_1497, %select_n3A_1511 : vector<16xf32>
    %add3A_1513 = arith.constant 80 : i32
    %add3A_1514 = arith.addi %mul3A_2, %add3A_1513 : i32
    %multiple_of3A_1515 = tpu.assume_multiple %add3A_1514, 8 : i32
    %get3A_1516 = arith.constant 2 : i32
    %get3A_1517 = arith.index_cast %get3A_1516 : i32 to index
    %get3A_1518 = arith.index_cast %multiple_of3A_1515 : i32 to index
    %get3A_1519 = tpu.vector_load %arg9[%get3A_1517, %get3A_1518] {strides = array<i32>} : memref<8x4096xf32, #tpu.memory_space<vmem>>, vector<1x16xf32>,
    %get3A_1520 = vector.shape_cast %get3A_1519 : vector<1x16xf32> to vector<16xf32>
    %eq3A_1521 = arith.constant 10 : i32
    %eq3A_1522 = vector.broadcast %eq3A_1521 : i32 to vector<16xi32>
    %eq3A_1523 = arith.cmpi eq, %iota3A, %eq3A_1522 : vector<16xi32>
    %jit3A_1524 = arith.constant 0.000000e+00 : f32
    %broadcast_in_dim3A_1525 = vector.broadcast %jit3A_1524 : f32 to vector<16xf32>
    %select_n3A_1526 = arith.select %eq3A_1523, %get3A_1520, %broadcast_in_dim3A_1525 : vector<16xi1>, vector<16xf32>
    %add3A_1527 = arith.addf %add3A_1512, %select_n3A_1526 : vector<16xf32>
    %add3A_1528 = arith.constant 80 : i32
    %add3A_1529 = arith.addi %mul3A_2, %add3A_1528 : i32
    %multiple_of3A_1530 = tpu.assume_multiple %add3A_1529, 8 : i32
    %get3A_1531 = arith.constant 3 : i32
    %get3A_1532 = arith.index_cast %get3A_1531 : i32 to index
    %get3A_1533 = arith.index_cast %multiple_of3A_1530 : i32 to index
    %get3A_1534 = tpu.vector_load %arg9[%get3A_1532, %get3A_1533] {strides = array<i32>} : memref<8x4096xf32, #tpu.memory_space<vmem>>, vector<1x16xf32>,
    %get3A_1535 = vector.shape_cast %get3A_1534 : vector<1x16xf32> to vector<16xf32>
    %eq3A_1536 = arith.constant 11 : i32
    %eq3A_1537 = vector.broadcast %eq3A_1536 : i32 to vector<16xi32>
    %eq3A_1538 = arith.cmpi eq, %iota3A, %eq3A_1537 : vector<16xi32>
    %jit3A_1539 = arith.constant 0.000000e+00 : f32
    %broadcast_in_dim3A_1540 = vector.broadcast %jit3A_1539 : f32 to vector<16xf32>
    %select_n3A_1541 = arith.select %eq3A_1538, %get3A_1535, %broadcast_in_dim3A_1540 : vector<16xi1>, vector<16xf32>
    %add3A_1542 = arith.addf %add3A_1527, %select_n3A_1541 : vector<16xf32>
    %add3A_1543 = arith.constant 80 : i32
    %add3A_1544 = arith.addi %mul3A_2, %add3A_1543 : i32
    %multiple_of3A_1545 = tpu.assume_multiple %add3A_1544, 8 : i32
    %get3A_1546 = arith.constant 4 : i32
    %get3A_1547 = arith.index_cast %get3A_1546 : i32 to index
    %get3A_1548 = arith.index_cast %multiple_of3A_1545 : i32 to index
    %get3A_1549 = tpu.vector_load %arg9[%get3A_1547, %get3A_1548] {strides = array<i32>} : memref<8x4096xf32, #tpu.memory_space<vmem>>, vector<1x16xf32>,
    %get3A_1550 = vector.shape_cast %get3A_1549 : vector<1x16xf32> to vector<16xf32>
    %eq3A_1551 = arith.constant 12 : i32
    %eq3A_1552 = vector.broadcast %eq3A_1551 : i32 to vector<16xi32>
    %eq3A_1553 = arith.cmpi eq, %iota3A, %eq3A_1552 : vector<16xi32>
    %jit3A_1554 = arith.constant 0.000000e+00 : f32
    %broadcast_in_dim3A_1555 = vector.broadcast %jit3A_1554 : f32 to vector<16xf32>
    %select_n3A_1556 = arith.select %eq3A_1553, %get3A_1550, %broadcast_in_dim3A_1555 : vector<16xi1>, vector<16xf32>
    %add3A_1557 = arith.addf %add3A_1542, %select_n3A_1556 : vector<16xf32>
    %add3A_1558 = arith.constant 80 : i32
    %add3A_1559 = arith.addi %mul3A_2, %add3A_1558 : i32
    %multiple_of3A_1560 = tpu.assume_multiple %add3A_1559, 8 : i32
    %get3A_1561 = arith.constant 5 : i32
    %get3A_1562 = arith.index_cast %get3A_1561 : i32 to index
    %get3A_1563 = arith.index_cast %multiple_of3A_1560 : i32 to index
    %get3A_1564 = tpu.vector_load %arg9[%get3A_1562, %get3A_1563] {strides = array<i32>} : memref<8x4096xf32, #tpu.memory_space<vmem>>, vector<1x16xf32>,
    %get3A_1565 = vector.shape_cast %get3A_1564 : vector<1x16xf32> to vector<16xf32>
    %eq3A_1566 = arith.constant 13 : i32
    %eq3A_1567 = vector.broadcast %eq3A_1566 : i32 to vector<16xi32>
    %eq3A_1568 = arith.cmpi eq, %iota3A, %eq3A_1567 : vector<16xi32>
    %jit3A_1569 = arith.constant 0.000000e+00 : f32
    %broadcast_in_dim3A_1570 = vector.broadcast %jit3A_1569 : f32 to vector<16xf32>
    %select_n3A_1571 = arith.select %eq3A_1568, %get3A_1565, %broadcast_in_dim3A_1570 : vector<16xi1>, vector<16xf32>
    %add3A_1572 = arith.addf %add3A_1557, %select_n3A_1571 : vector<16xf32>
    %add3A_1573 = arith.constant 80 : i32
    %add3A_1574 = arith.addi %mul3A_2, %add3A_1573 : i32
    %multiple_of3A_1575 = tpu.assume_multiple %add3A_1574, 8 : i32
    %get3A_1576 = arith.constant 6 : i32
    %get3A_1577 = arith.index_cast %get3A_1576 : i32 to index
    %get3A_1578 = arith.index_cast %multiple_of3A_1575 : i32 to index
    %get3A_1579 = tpu.vector_load %arg9[%get3A_1577, %get3A_1578] {strides = array<i32>} : memref<8x4096xf32, #tpu.memory_space<vmem>>, vector<1x16xf32>,
    %get3A_1580 = vector.shape_cast %get3A_1579 : vector<1x16xf32> to vector<16xf32>
    %eq3A_1581 = arith.constant 14 : i32
    %eq3A_1582 = vector.broadcast %eq3A_1581 : i32 to vector<16xi32>
    %eq3A_1583 = arith.cmpi eq, %iota3A, %eq3A_1582 : vector<16xi32>
    %jit3A_1584 = arith.constant 0.000000e+00 : f32
    %broadcast_in_dim3A_1585 = vector.broadcast %jit3A_1584 : f32 to vector<16xf32>
    %select_n3A_1586 = arith.select %eq3A_1583, %get3A_1580, %broadcast_in_dim3A_1585 : vector<16xi1>, vector<16xf32>
    %add3A_1587 = arith.addf %add3A_1572, %select_n3A_1586 : vector<16xf32>
    %add3A_1588 = arith.constant 80 : i32
    %add3A_1589 = arith.addi %mul3A_2, %add3A_1588 : i32
    %multiple_of3A_1590 = tpu.assume_multiple %add3A_1589, 8 : i32
    %get3A_1591 = arith.constant 7 : i32
    %get3A_1592 = arith.index_cast %get3A_1591 : i32 to index
    %get3A_1593 = arith.index_cast %multiple_of3A_1590 : i32 to index
    %get3A_1594 = tpu.vector_load %arg9[%get3A_1592, %get3A_1593] {strides = array<i32>} : memref<8x4096xf32, #tpu.memory_space<vmem>>, vector<1x16xf32>,
    %get3A_1595 = vector.shape_cast %get3A_1594 : vector<1x16xf32> to vector<16xf32>
    %eq3A_1596 = arith.constant 15 : i32
    %eq3A_1597 = vector.broadcast %eq3A_1596 : i32 to vector<16xi32>
    %eq3A_1598 = arith.cmpi eq, %iota3A, %eq3A_1597 : vector<16xi32>
    %jit3A_1599 = arith.constant 0.000000e+00 : f32
    %broadcast_in_dim3A_1600 = vector.broadcast %jit3A_1599 : f32 to vector<16xf32>
    %select_n3A_1601 = arith.select %eq3A_1598, %get3A_1595, %broadcast_in_dim3A_1600 : vector<16xi1>, vector<16xf32>
    %add3A_1602 = arith.addf %add3A_1587, %select_n3A_1601 : vector<16xf32>
    %get3A_1603 = arith.constant 104 : index
    %get3A_1604 = tpu.vector_load %arg5[%get3A_1603] {strides = array<i32>} : memref<128xi32, #tpu.memory_space<vmem>>, vector<8xi32>,
    %get3A_1605 = vector.shape_cast %get3A_1604 : vector<8xi32> to vector<8xi32>
    %swap3A_1606 = arith.constant 0 : index
    %swap3A_1607 = tpu.vector_load %arg7[%swap3A_1606] {strides = array<i32>} : memref<8xi32, #tpu.memory_space<vmem>>, vector<8xi32>,
    %swap3A_1608 = vector.shape_cast %swap3A_1607 : vector<8xi32> to vector<8xi32>
    %swap3A_1609 = vector.shape_cast %get3A_1605 : vector<8xi32> to vector<8xi32>
    tpu.vector_store %arg7[%swap3A_1606], %swap3A_1609 {strides = array<i32>} : memref<8xi32, #tpu.memory_space<vmem>>, vector<8xi32>,
    %dma_start3A_1610 = arith.constant 0 : i32
    %dma_start3A_1611 = arith.constant 0 : i32
    %dma_start3A_1612 = tpu.memref_slice %arg2[%dma_start3A_1610, %dma_start3A_1611] : memref<100000x4096xf32, #tpu.memory_space<hbm>> -> memref<100000x4096xf32, #tpu.memory_space<hbm>>
    tpu.enqueue_indirect_dma source(%dma_start3A_1612 : memref<100000x4096xf32, #tpu.memory_space<hbm>>) target(%arg9 : memref<8x4096xf32, #tpu.memory_space<vmem>>) offsets(%arg7 : memref<8xi32, #tpu.memory_space<vmem>>) semaphore(%arg14 : memref<!tpu.dma_semaphore, #tpu.memory_space<semaphore_mem>>)
    %dma_wait3A_1613 = arith.constant 0 : i32
    %dma_wait3A_1614 = arith.constant 0 : i32
    %dma_wait3A_1615 = tpu.memref_slice %arg2[%dma_wait3A_1613, %dma_wait3A_1614] : memref<100000x4096xf32, #tpu.memory_space<hbm>> -> memref<100000x4096xf32, #tpu.memory_space<hbm>>
    tpu.wait_indirect_dma semaphore(%arg13 : memref<!tpu.dma_semaphore, #tpu.memory_space<semaphore_mem>>) src(%dma_wait3A_1615 : memref<100000x4096xf32, #tpu.memory_space<hbm>>) dst(%arg8 : memref<8x4096xf32, #tpu.memory_space<vmem>>)
    %add3A_1616 = arith.constant 96 : i32
    %add3A_1617 = arith.addi %mul3A_2, %add3A_1616 : i32
    %multiple_of3A_1618 = tpu.assume_multiple %add3A_1617, 8 : i32
    %get3A_1619 = arith.constant 0 : i32
    %get3A_1620 = arith.index_cast %get3A_1619 : i32 to index
    %get3A_1621 = arith.index_cast %multiple_of3A_1618 : i32 to index
    %get3A_1622 = tpu.vector_load %arg8[%get3A_1620, %get3A_1621] {strides = array<i32>} : memref<8x4096xf32, #tpu.memory_space<vmem>>, vector<1x16xf32>,
    %get3A_1623 = vector.shape_cast %get3A_1622 : vector<1x16xf32> to vector<16xf32>
    %eq3A_1624 = arith.constant 0 : i32
    %eq3A_1625 = vector.broadcast %eq3A_1624 : i32 to vector<16xi32>
    %eq3A_1626 = arith.cmpi eq, %iota3A, %eq3A_1625 : vector<16xi32>
    %jit3A_1627 = arith.constant 0.000000e+00 : f32
    %broadcast_in_dim3A_1628 = vector.broadcast %jit3A_1627 : f32 to vector<16xf32>
    %select_n3A_1629 = arith.select %eq3A_1626, %get3A_1623, %broadcast_in_dim3A_1628 : vector<16xi1>, vector<16xf32>
    %add3A_1630 = arith.addf %add3A_1602, %select_n3A_1629 : vector<16xf32>
    %add3A_1631 = arith.constant 96 : i32
    %add3A_1632 = arith.addi %mul3A_2, %add3A_1631 : i32
    %multiple_of3A_1633 = tpu.assume_multiple %add3A_1632, 8 : i32
    %get3A_1634 = arith.constant 1 : i32
    %get3A_1635 = arith.index_cast %get3A_1634 : i32 to index
    %get3A_1636 = arith.index_cast %multiple_of3A_1633 : i32 to index
    %get3A_1637 = tpu.vector_load %arg8[%get3A_1635, %get3A_1636] {strides = array<i32>} : memref<8x4096xf32, #tpu.memory_space<vmem>>, vector<1x16xf32>,
    %get3A_1638 = vector.shape_cast %get3A_1637 : vector<1x16xf32> to vector<16xf32>
    %eq3A_1639 = arith.constant 1 : i32
    %eq3A_1640 = vector.broadcast %eq3A_1639 : i32 to vector<16xi32>
    %eq3A_1641 = arith.cmpi eq, %iota3A, %eq3A_1640 : vector<16xi32>
    %jit3A_1642 = arith.constant 0.000000e+00 : f32
    %broadcast_in_dim3A_1643 = vector.broadcast %jit3A_1642 : f32 to vector<16xf32>
    %select_n3A_1644 = arith.select %eq3A_1641, %get3A_1638, %broadcast_in_dim3A_1643 : vector<16xi1>, vector<16xf32>
    %add3A_1645 = arith.addf %add3A_1630, %select_n3A_1644 : vector<16xf32>
    %add3A_1646 = arith.constant 96 : i32
    %add3A_1647 = arith.addi %mul3A_2, %add3A_1646 : i32
    %multiple_of3A_1648 = tpu.assume_multiple %add3A_1647, 8 : i32
    %get3A_1649 = arith.constant 2 : i32
    %get3A_1650 = arith.index_cast %get3A_1649 : i32 to index
    %get3A_1651 = arith.index_cast %multiple_of3A_1648 : i32 to index
    %get3A_1652 = tpu.vector_load %arg8[%get3A_1650, %get3A_1651] {strides = array<i32>} : memref<8x4096xf32, #tpu.memory_space<vmem>>, vector<1x16xf32>,
    %get3A_1653 = vector.shape_cast %get3A_1652 : vector<1x16xf32> to vector<16xf32>
    %eq3A_1654 = arith.constant 2 : i32
    %eq3A_1655 = vector.broadcast %eq3A_1654 : i32 to vector<16xi32>
    %eq3A_1656 = arith.cmpi eq, %iota3A, %eq3A_1655 : vector<16xi32>
    %jit3A_1657 = arith.constant 0.000000e+00 : f32
    %broadcast_in_dim3A_1658 = vector.broadcast %jit3A_1657 : f32 to vector<16xf32>
    %select_n3A_1659 = arith.select %eq3A_1656, %get3A_1653, %broadcast_in_dim3A_1658 : vector<16xi1>, vector<16xf32>
    %add3A_1660 = arith.addf %add3A_1645, %select_n3A_1659 : vector<16xf32>
    %add3A_1661 = arith.constant 96 : i32
    %add3A_1662 = arith.addi %mul3A_2, %add3A_1661 : i32
    %multiple_of3A_1663 = tpu.assume_multiple %add3A_1662, 8 : i32
    %get3A_1664 = arith.constant 3 : i32
    %get3A_1665 = arith.index_cast %get3A_1664 : i32 to index
    %get3A_1666 = arith.index_cast %multiple_of3A_1663 : i32 to index
    %get3A_1667 = tpu.vector_load %arg8[%get3A_1665, %get3A_1666] {strides = array<i32>} : memref<8x4096xf32, #tpu.memory_space<vmem>>, vector<1x16xf32>,
    %get3A_1668 = vector.shape_cast %get3A_1667 : vector<1x16xf32> to vector<16xf32>
    %eq3A_1669 = arith.constant 3 : i32
    %eq3A_1670 = vector.broadcast %eq3A_1669 : i32 to vector<16xi32>
    %eq3A_1671 = arith.cmpi eq, %iota3A, %eq3A_1670 : vector<16xi32>
    %jit3A_1672 = arith.constant 0.000000e+00 : f32
    %broadcast_in_dim3A_1673 = vector.broadcast %jit3A_1672 : f32 to vector<16xf32>
    %select_n3A_1674 = arith.select %eq3A_1671, %get3A_1668, %broadcast_in_dim3A_1673 : vector<16xi1>, vector<16xf32>
    %add3A_1675 = arith.addf %add3A_1660, %select_n3A_1674 : vector<16xf32>
    %add3A_1676 = arith.constant 96 : i32
    %add3A_1677 = arith.addi %mul3A_2, %add3A_1676 : i32
    %multiple_of3A_1678 = tpu.assume_multiple %add3A_1677, 8 : i32
    %get3A_1679 = arith.constant 4 : i32
    %get3A_1680 = arith.index_cast %get3A_1679 : i32 to index
    %get3A_1681 = arith.index_cast %multiple_of3A_1678 : i32 to index
    %get3A_1682 = tpu.vector_load %arg8[%get3A_1680, %get3A_1681] {strides = array<i32>} : memref<8x4096xf32, #tpu.memory_space<vmem>>, vector<1x16xf32>,
    %get3A_1683 = vector.shape_cast %get3A_1682 : vector<1x16xf32> to vector<16xf32>
    %eq3A_1684 = arith.constant 4 : i32
    %eq3A_1685 = vector.broadcast %eq3A_1684 : i32 to vector<16xi32>
    %eq3A_1686 = arith.cmpi eq, %iota3A, %eq3A_1685 : vector<16xi32>
    %jit3A_1687 = arith.constant 0.000000e+00 : f32
    %broadcast_in_dim3A_1688 = vector.broadcast %jit3A_1687 : f32 to vector<16xf32>
    %select_n3A_1689 = arith.select %eq3A_1686, %get3A_1683, %broadcast_in_dim3A_1688 : vector<16xi1>, vector<16xf32>
    %add3A_1690 = arith.addf %add3A_1675, %select_n3A_1689 : vector<16xf32>
    %add3A_1691 = arith.constant 96 : i32
    %add3A_1692 = arith.addi %mul3A_2, %add3A_1691 : i32
    %multiple_of3A_1693 = tpu.assume_multiple %add3A_1692, 8 : i32
    %get3A_1694 = arith.constant 5 : i32
    %get3A_1695 = arith.index_cast %get3A_1694 : i32 to index
    %get3A_1696 = arith.index_cast %multiple_of3A_1693 : i32 to index
    %get3A_1697 = tpu.vector_load %arg8[%get3A_1695, %get3A_1696] {strides = array<i32>} : memref<8x4096xf32, #tpu.memory_space<vmem>>, vector<1x16xf32>,
    %get3A_1698 = vector.shape_cast %get3A_1697 : vector<1x16xf32> to vector<16xf32>
    %eq3A_1699 = arith.constant 5 : i32
    %eq3A_1700 = vector.broadcast %eq3A_1699 : i32 to vector<16xi32>
    %eq3A_1701 = arith.cmpi eq, %iota3A, %eq3A_1700 : vector<16xi32>
    %jit3A_1702 = arith.constant 0.000000e+00 : f32
    %broadcast_in_dim3A_1703 = vector.broadcast %jit3A_1702 : f32 to vector<16xf32>
    %select_n3A_1704 = arith.select %eq3A_1701, %get3A_1698, %broadcast_in_dim3A_1703 : vector<16xi1>, vector<16xf32>
    %add3A_1705 = arith.addf %add3A_1690, %select_n3A_1704 : vector<16xf32>
    %add3A_1706 = arith.constant 96 : i32
    %add3A_1707 = arith.addi %mul3A_2, %add3A_1706 : i32
    %multiple_of3A_1708 = tpu.assume_multiple %add3A_1707, 8 : i32
    %get3A_1709 = arith.constant 6 : i32
    %get3A_1710 = arith.index_cast %get3A_1709 : i32 to index
    %get3A_1711 = arith.index_cast %multiple_of3A_1708 : i32 to index
    %get3A_1712 = tpu.vector_load %arg8[%get3A_1710, %get3A_1711] {strides = array<i32>} : memref<8x4096xf32, #tpu.memory_space<vmem>>, vector<1x16xf32>,
    %get3A_1713 = vector.shape_cast %get3A_1712 : vector<1x16xf32> to vector<16xf32>
    %eq3A_1714 = arith.constant 6 : i32
    %eq3A_1715 = vector.broadcast %eq3A_1714 : i32 to vector<16xi32>
    %eq3A_1716 = arith.cmpi eq, %iota3A, %eq3A_1715 : vector<16xi32>
    %jit3A_1717 = arith.constant 0.000000e+00 : f32
    %broadcast_in_dim3A_1718 = vector.broadcast %jit3A_1717 : f32 to vector<16xf32>
    %select_n3A_1719 = arith.select %eq3A_1716, %get3A_1713, %broadcast_in_dim3A_1718 : vector<16xi1>, vector<16xf32>
    %add3A_1720 = arith.addf %add3A_1705, %select_n3A_1719 : vector<16xf32>
    %add3A_1721 = arith.constant 96 : i32
    %add3A_1722 = arith.addi %mul3A_2, %add3A_1721 : i32
    %multiple_of3A_1723 = tpu.assume_multiple %add3A_1722, 8 : i32
    %get3A_1724 = arith.constant 7 : i32
    %get3A_1725 = arith.index_cast %get3A_1724 : i32 to index
    %get3A_1726 = arith.index_cast %multiple_of3A_1723 : i32 to index
    %get3A_1727 = tpu.vector_load %arg8[%get3A_1725, %get3A_1726] {strides = array<i32>} : memref<8x4096xf32, #tpu.memory_space<vmem>>, vector<1x16xf32>,
    %get3A_1728 = vector.shape_cast %get3A_1727 : vector<1x16xf32> to vector<16xf32>
    %eq3A_1729 = arith.constant 7 : i32
    %eq3A_1730 = vector.broadcast %eq3A_1729 : i32 to vector<16xi32>
    %eq3A_1731 = arith.cmpi eq, %iota3A, %eq3A_1730 : vector<16xi32>
    %jit3A_1732 = arith.constant 0.000000e+00 : f32
    %broadcast_in_dim3A_1733 = vector.broadcast %jit3A_1732 : f32 to vector<16xf32>
    %select_n3A_1734 = arith.select %eq3A_1731, %get3A_1728, %broadcast_in_dim3A_1733 : vector<16xi1>, vector<16xf32>
    %add3A_1735 = arith.addf %add3A_1720, %select_n3A_1734 : vector<16xf32>
    %get3A_1736 = arith.constant 112 : index
    %get3A_1737 = tpu.vector_load %arg5[%get3A_1736] {strides = array<i32>} : memref<128xi32, #tpu.memory_space<vmem>>, vector<8xi32>,
    %get3A_1738 = vector.shape_cast %get3A_1737 : vector<8xi32> to vector<8xi32>
    %swap3A_1739 = arith.constant 0 : index
    %swap3A_1740 = tpu.vector_load %arg6[%swap3A_1739] {strides = array<i32>} : memref<8xi32, #tpu.memory_space<vmem>>, vector<8xi32>,
    %swap3A_1741 = vector.shape_cast %swap3A_1740 : vector<8xi32> to vector<8xi32>
    %swap3A_1742 = vector.shape_cast %get3A_1738 : vector<8xi32> to vector<8xi32>
    tpu.vector_store %arg6[%swap3A_1739], %swap3A_1742 {strides = array<i32>} : memref<8xi32, #tpu.memory_space<vmem>>, vector<8xi32>,
    %dma_start3A_1743 = arith.constant 0 : i32
    %dma_start3A_1744 = arith.constant 0 : i32
    %dma_start3A_1745 = tpu.memref_slice %arg2[%dma_start3A_1743, %dma_start3A_1744] : memref<100000x4096xf32, #tpu.memory_space<hbm>> -> memref<100000x4096xf32, #tpu.memory_space<hbm>>
    tpu.enqueue_indirect_dma source(%dma_start3A_1745 : memref<100000x4096xf32, #tpu.memory_space<hbm>>) target(%arg8 : memref<8x4096xf32, #tpu.memory_space<vmem>>) offsets(%arg6 : memref<8xi32, #tpu.memory_space<vmem>>) semaphore(%arg13 : memref<!tpu.dma_semaphore, #tpu.memory_space<semaphore_mem>>)
    %dma_wait3A_1746 = arith.constant 0 : i32
    %dma_wait3A_1747 = arith.constant 0 : i32
    %dma_wait3A_1748 = tpu.memref_slice %arg2[%dma_wait3A_1746, %dma_wait3A_1747] : memref<100000x4096xf32, #tpu.memory_space<hbm>> -> memref<100000x4096xf32, #tpu.memory_space<hbm>>
    tpu.wait_indirect_dma semaphore(%arg14 : memref<!tpu.dma_semaphore, #tpu.memory_space<semaphore_mem>>) src(%dma_wait3A_1748 : memref<100000x4096xf32, #tpu.memory_space<hbm>>) dst(%arg9 : memref<8x4096xf32, #tpu.memory_space<vmem>>)
    %add3A_1749 = arith.constant 96 : i32
    %add3A_1750 = arith.addi %mul3A_2, %add3A_1749 : i32
    %multiple_of3A_1751 = tpu.assume_multiple %add3A_1750, 8 : i32
    %get3A_1752 = arith.constant 0 : i32
    %get3A_1753 = arith.index_cast %get3A_1752 : i32 to index
    %get3A_1754 = arith.index_cast %multiple_of3A_1751 : i32 to index
    %get3A_1755 = tpu.vector_load %arg9[%get3A_1753, %get3A_1754] {strides = array<i32>} : memref<8x4096xf32, #tpu.memory_space<vmem>>, vector<1x16xf32>,
    %get3A_1756 = vector.shape_cast %get3A_1755 : vector<1x16xf32> to vector<16xf32>
    %eq3A_1757 = arith.constant 8 : i32
    %eq3A_1758 = vector.broadcast %eq3A_1757 : i32 to vector<16xi32>
    %eq3A_1759 = arith.cmpi eq, %iota3A, %eq3A_1758 : vector<16xi32>
    %jit3A_1760 = arith.constant 0.000000e+00 : f32
    %broadcast_in_dim3A_1761 = vector.broadcast %jit3A_1760 : f32 to vector<16xf32>
    %select_n3A_1762 = arith.select %eq3A_1759, %get3A_1756, %broadcast_in_dim3A_1761 : vector<16xi1>, vector<16xf32>
    %add3A_1763 = arith.addf %add3A_1735, %select_n3A_1762 : vector<16xf32>
    %add3A_1764 = arith.constant 96 : i32
    %add3A_1765 = arith.addi %mul3A_2, %add3A_1764 : i32
    %multiple_of3A_1766 = tpu.assume_multiple %add3A_1765, 8 : i32
    %get3A_1767 = arith.constant 1 : i32
    %get3A_1768 = arith.index_cast %get3A_1767 : i32 to index
    %get3A_1769 = arith.index_cast %multiple_of3A_1766 : i32 to index
    %get3A_1770 = tpu.vector_load %arg9[%get3A_1768, %get3A_1769] {strides = array<i32>} : memref<8x4096xf32, #tpu.memory_space<vmem>>, vector<1x16xf32>,
    %get3A_1771 = vector.shape_cast %get3A_1770 : vector<1x16xf32> to vector<16xf32>
    %eq3A_1772 = arith.constant 9 : i32
    %eq3A_1773 = vector.broadcast %eq3A_1772 : i32 to vector<16xi32>
    %eq3A_1774 = arith.cmpi eq, %iota3A, %eq3A_1773 : vector<16xi32>
    %jit3A_1775 = arith.constant 0.000000e+00 : f32
    %broadcast_in_dim3A_1776 = vector.broadcast %jit3A_1775 : f32 to vector<16xf32>
    %select_n3A_1777 = arith.select %eq3A_1774, %get3A_1771, %broadcast_in_dim3A_1776 : vector<16xi1>, vector<16xf32>
    %add3A_1778 = arith.addf %add3A_1763, %select_n3A_1777 : vector<16xf32>
    %add3A_1779 = arith.constant 96 : i32
    %add3A_1780 = arith.addi %mul3A_2, %add3A_1779 : i32
    %multiple_of3A_1781 = tpu.assume_multiple %add3A_1780, 8 : i32
    %get3A_1782 = arith.constant 2 : i32
    %get3A_1783 = arith.index_cast %get3A_1782 : i32 to index
    %get3A_1784 = arith.index_cast %multiple_of3A_1781 : i32 to index
    %get3A_1785 = tpu.vector_load %arg9[%get3A_1783, %get3A_1784] {strides = array<i32>} : memref<8x4096xf32, #tpu.memory_space<vmem>>, vector<1x16xf32>,
    %get3A_1786 = vector.shape_cast %get3A_1785 : vector<1x16xf32> to vector<16xf32>
    %eq3A_1787 = arith.constant 10 : i32
    %eq3A_1788 = vector.broadcast %eq3A_1787 : i32 to vector<16xi32>
    %eq3A_1789 = arith.cmpi eq, %iota3A, %eq3A_1788 : vector<16xi32>
    %jit3A_1790 = arith.constant 0.000000e+00 : f32
    %broadcast_in_dim3A_1791 = vector.broadcast %jit3A_1790 : f32 to vector<16xf32>
    %select_n3A_1792 = arith.select %eq3A_1789, %get3A_1786, %broadcast_in_dim3A_1791 : vector<16xi1>, vector<16xf32>
    %add3A_1793 = arith.addf %add3A_1778, %select_n3A_1792 : vector<16xf32>
    %add3A_1794 = arith.constant 96 : i32
    %add3A_1795 = arith.addi %mul3A_2, %add3A_1794 : i32
    %multiple_of3A_1796 = tpu.assume_multiple %add3A_1795, 8 : i32
    %get3A_1797 = arith.constant 3 : i32
    %get3A_1798 = arith.index_cast %get3A_1797 : i32 to index
    %get3A_1799 = arith.index_cast %multiple_of3A_1796 : i32 to index
    %get3A_1800 = tpu.vector_load %arg9[%get3A_1798, %get3A_1799] {strides = array<i32>} : memref<8x4096xf32, #tpu.memory_space<vmem>>, vector<1x16xf32>,
    %get3A_1801 = vector.shape_cast %get3A_1800 : vector<1x16xf32> to vector<16xf32>
    %eq3A_1802 = arith.constant 11 : i32
    %eq3A_1803 = vector.broadcast %eq3A_1802 : i32 to vector<16xi32>
    %eq3A_1804 = arith.cmpi eq, %iota3A, %eq3A_1803 : vector<16xi32>
    %jit3A_1805 = arith.constant 0.000000e+00 : f32
    %broadcast_in_dim3A_1806 = vector.broadcast %jit3A_1805 : f32 to vector<16xf32>
    %select_n3A_1807 = arith.select %eq3A_1804, %get3A_1801, %broadcast_in_dim3A_1806 : vector<16xi1>, vector<16xf32>
    %add3A_1808 = arith.addf %add3A_1793, %select_n3A_1807 : vector<16xf32>
    %add3A_1809 = arith.constant 96 : i32
    %add3A_1810 = arith.addi %mul3A_2, %add3A_1809 : i32
    %multiple_of3A_1811 = tpu.assume_multiple %add3A_1810, 8 : i32
    %get3A_1812 = arith.constant 4 : i32
    %get3A_1813 = arith.index_cast %get3A_1812 : i32 to index
    %get3A_1814 = arith.index_cast %multiple_of3A_1811 : i32 to index
    %get3A_1815 = tpu.vector_load %arg9[%get3A_1813, %get3A_1814] {strides = array<i32>} : memref<8x4096xf32, #tpu.memory_space<vmem>>, vector<1x16xf32>,
    %get3A_1816 = vector.shape_cast %get3A_1815 : vector<1x16xf32> to vector<16xf32>
    %eq3A_1817 = arith.constant 12 : i32
    %eq3A_1818 = vector.broadcast %eq3A_1817 : i32 to vector<16xi32>
    %eq3A_1819 = arith.cmpi eq, %iota3A, %eq3A_1818 : vector<16xi32>
    %jit3A_1820 = arith.constant 0.000000e+00 : f32
    %broadcast_in_dim3A_1821 = vector.broadcast %jit3A_1820 : f32 to vector<16xf32>
    %select_n3A_1822 = arith.select %eq3A_1819, %get3A_1816, %broadcast_in_dim3A_1821 : vector<16xi1>, vector<16xf32>
    %add3A_1823 = arith.addf %add3A_1808, %select_n3A_1822 : vector<16xf32>
    %add3A_1824 = arith.constant 96 : i32
    %add3A_1825 = arith.addi %mul3A_2, %add3A_1824 : i32
    %multiple_of3A_1826 = tpu.assume_multiple %add3A_1825, 8 : i32
    %get3A_1827 = arith.constant 5 : i32
    %get3A_1828 = arith.index_cast %get3A_1827 : i32 to index
    %get3A_1829 = arith.index_cast %multiple_of3A_1826 : i32 to index
    %get3A_1830 = tpu.vector_load %arg9[%get3A_1828, %get3A_1829] {strides = array<i32>} : memref<8x4096xf32, #tpu.memory_space<vmem>>, vector<1x16xf32>,
    %get3A_1831 = vector.shape_cast %get3A_1830 : vector<1x16xf32> to vector<16xf32>
    %eq3A_1832 = arith.constant 13 : i32
    %eq3A_1833 = vector.broadcast %eq3A_1832 : i32 to vector<16xi32>
    %eq3A_1834 = arith.cmpi eq, %iota3A, %eq3A_1833 : vector<16xi32>
    %jit3A_1835 = arith.constant 0.000000e+00 : f32
    %broadcast_in_dim3A_1836 = vector.broadcast %jit3A_1835 : f32 to vector<16xf32>
    %select_n3A_1837 = arith.select %eq3A_1834, %get3A_1831, %broadcast_in_dim3A_1836 : vector<16xi1>, vector<16xf32>
    %add3A_1838 = arith.addf %add3A_1823, %select_n3A_1837 : vector<16xf32>
    %add3A_1839 = arith.constant 96 : i32
    %add3A_1840 = arith.addi %mul3A_2, %add3A_1839 : i32
    %multiple_of3A_1841 = tpu.assume_multiple %add3A_1840, 8 : i32
    %get3A_1842 = arith.constant 6 : i32
    %get3A_1843 = arith.index_cast %get3A_1842 : i32 to index
    %get3A_1844 = arith.index_cast %multiple_of3A_1841 : i32 to index
    %get3A_1845 = tpu.vector_load %arg9[%get3A_1843, %get3A_1844] {strides = array<i32>} : memref<8x4096xf32, #tpu.memory_space<vmem>>, vector<1x16xf32>,
    %get3A_1846 = vector.shape_cast %get3A_1845 : vector<1x16xf32> to vector<16xf32>
    %eq3A_1847 = arith.constant 14 : i32
    %eq3A_1848 = vector.broadcast %eq3A_1847 : i32 to vector<16xi32>
    %eq3A_1849 = arith.cmpi eq, %iota3A, %eq3A_1848 : vector<16xi32>
    %jit3A_1850 = arith.constant 0.000000e+00 : f32
    %broadcast_in_dim3A_1851 = vector.broadcast %jit3A_1850 : f32 to vector<16xf32>
    %select_n3A_1852 = arith.select %eq3A_1849, %get3A_1846, %broadcast_in_dim3A_1851 : vector<16xi1>, vector<16xf32>
    %add3A_1853 = arith.addf %add3A_1838, %select_n3A_1852 : vector<16xf32>
    %add3A_1854 = arith.constant 96 : i32
    %add3A_1855 = arith.addi %mul3A_2, %add3A_1854 : i32
    %multiple_of3A_1856 = tpu.assume_multiple %add3A_1855, 8 : i32
    %get3A_1857 = arith.constant 7 : i32
    %get3A_1858 = arith.index_cast %get3A_1857 : i32 to index
    %get3A_1859 = arith.index_cast %multiple_of3A_1856 : i32 to index
    %get3A_1860 = tpu.vector_load %arg9[%get3A_1858, %get3A_1859] {strides = array<i32>} : memref<8x4096xf32, #tpu.memory_space<vmem>>, vector<1x16xf32>,
    %get3A_1861 = vector.shape_cast %get3A_1860 : vector<1x16xf32> to vector<16xf32>
    %eq3A_1862 = arith.constant 15 : i32
    %eq3A_1863 = vector.broadcast %eq3A_1862 : i32 to vector<16xi32>
    %eq3A_1864 = arith.cmpi eq, %iota3A, %eq3A_1863 : vector<16xi32>
    %jit3A_1865 = arith.constant 0.000000e+00 : f32
    %broadcast_in_dim3A_1866 = vector.broadcast %jit3A_1865 : f32 to vector<16xf32>
    %select_n3A_1867 = arith.select %eq3A_1864, %get3A_1861, %broadcast_in_dim3A_1866 : vector<16xi1>, vector<16xf32>
    %add3A_1868 = arith.addf %add3A_1853, %select_n3A_1867 : vector<16xf32>
    %get3A_1869 = arith.constant 120 : index
    %get3A_1870 = tpu.vector_load %arg5[%get3A_1869] {strides = array<i32>} : memref<128xi32, #tpu.memory_space<vmem>>, vector<8xi32>,
    %get3A_1871 = vector.shape_cast %get3A_1870 : vector<8xi32> to vector<8xi32>
    %swap3A_1872 = arith.constant 0 : index
    %swap3A_1873 = tpu.vector_load %arg7[%swap3A_1872] {strides = array<i32>} : memref<8xi32, #tpu.memory_space<vmem>>, vector<8xi32>,
    %swap3A_1874 = vector.shape_cast %swap3A_1873 : vector<8xi32> to vector<8xi32>
    %swap3A_1875 = vector.shape_cast %get3A_1871 : vector<8xi32> to vector<8xi32>
    tpu.vector_store %arg7[%swap3A_1872], %swap3A_1875 {strides = array<i32>} : memref<8xi32, #tpu.memory_space<vmem>>, vector<8xi32>,
    %dma_start3A_1876 = arith.constant 0 : i32
    %dma_start3A_1877 = arith.constant 0 : i32
    %dma_start3A_1878 = tpu.memref_slice %arg2[%dma_start3A_1876, %dma_start3A_1877] : memref<100000x4096xf32, #tpu.memory_space<hbm>> -> memref<100000x4096xf32, #tpu.memory_space<hbm>>
    tpu.enqueue_indirect_dma source(%dma_start3A_1878 : memref<100000x4096xf32, #tpu.memory_space<hbm>>) target(%arg9 : memref<8x4096xf32, #tpu.memory_space<vmem>>) offsets(%arg7 : memref<8xi32, #tpu.memory_space<vmem>>) semaphore(%arg14 : memref<!tpu.dma_semaphore, #tpu.memory_space<semaphore_mem>>)
    %dma_wait3A_1879 = arith.constant 0 : i32
    %dma_wait3A_1880 = arith.constant 0 : i32
    %dma_wait3A_1881 = tpu.memref_slice %arg2[%dma_wait3A_1879, %dma_wait3A_1880] : memref<100000x4096xf32, #tpu.memory_space<hbm>> -> memref<100000x4096xf32, #tpu.memory_space<hbm>>
    tpu.wait_indirect_dma semaphore(%arg13 : memref<!tpu.dma_semaphore, #tpu.memory_space<semaphore_mem>>) src(%dma_wait3A_1881 : memref<100000x4096xf32, #tpu.memory_space<hbm>>) dst(%arg8 : memref<8x4096xf32, #tpu.memory_space<vmem>>)
    %add3A_1882 = arith.constant 112 : i32
    %add3A_1883 = arith.addi %mul3A_2, %add3A_1882 : i32
    %multiple_of3A_1884 = tpu.assume_multiple %add3A_1883, 8 : i32
    %get3A_1885 = arith.constant 0 : i32
    %get3A_1886 = arith.index_cast %get3A_1885 : i32 to index
    %get3A_1887 = arith.index_cast %multiple_of3A_1884 : i32 to index
    %get3A_1888 = tpu.vector_load %arg8[%get3A_1886, %get3A_1887] {strides = array<i32>} : memref<8x4096xf32, #tpu.memory_space<vmem>>, vector<1x16xf32>,
    %get3A_1889 = vector.shape_cast %get3A_1888 : vector<1x16xf32> to vector<16xf32>
    %eq3A_1890 = arith.constant 0 : i32
    %eq3A_1891 = vector.broadcast %eq3A_1890 : i32 to vector<16xi32>
    %eq3A_1892 = arith.cmpi eq, %iota3A, %eq3A_1891 : vector<16xi32>
    %jit3A_1893 = arith.constant 0.000000e+00 : f32
    %broadcast_in_dim3A_1894 = vector.broadcast %jit3A_1893 : f32 to vector<16xf32>
    %select_n3A_1895 = arith.select %eq3A_1892, %get3A_1889, %broadcast_in_dim3A_1894 : vector<16xi1>, vector<16xf32>
    %add3A_1896 = arith.addf %add3A_1868, %select_n3A_1895 : vector<16xf32>
    %add3A_1897 = arith.constant 112 : i32
    %add3A_1898 = arith.addi %mul3A_2, %add3A_1897 : i32
    %multiple_of3A_1899 = tpu.assume_multiple %add3A_1898, 8 : i32
    %get3A_1900 = arith.constant 1 : i32
    %get3A_1901 = arith.index_cast %get3A_1900 : i32 to index
    %get3A_1902 = arith.index_cast %multiple_of3A_1899 : i32 to index
    %get3A_1903 = tpu.vector_load %arg8[%get3A_1901, %get3A_1902] {strides = array<i32>} : memref<8x4096xf32, #tpu.memory_space<vmem>>, vector<1x16xf32>,
    %get3A_1904 = vector.shape_cast %get3A_1903 : vector<1x16xf32> to vector<16xf32>
    %eq3A_1905 = arith.constant 1 : i32
    %eq3A_1906 = vector.broadcast %eq3A_1905 : i32 to vector<16xi32>
    %eq3A_1907 = arith.cmpi eq, %iota3A, %eq3A_1906 : vector<16xi32>
    %jit3A_1908 = arith.constant 0.000000e+00 : f32
    %broadcast_in_dim3A_1909 = vector.broadcast %jit3A_1908 : f32 to vector<16xf32>
    %select_n3A_1910 = arith.select %eq3A_1907, %get3A_1904, %broadcast_in_dim3A_1909 : vector<16xi1>, vector<16xf32>
    %add3A_1911 = arith.addf %add3A_1896, %select_n3A_1910 : vector<16xf32>
    %add3A_1912 = arith.constant 112 : i32
    %add3A_1913 = arith.addi %mul3A_2, %add3A_1912 : i32
    %multiple_of3A_1914 = tpu.assume_multiple %add3A_1913, 8 : i32
    %get3A_1915 = arith.constant 2 : i32
    %get3A_1916 = arith.index_cast %get3A_1915 : i32 to index
    %get3A_1917 = arith.index_cast %multiple_of3A_1914 : i32 to index
    %get3A_1918 = tpu.vector_load %arg8[%get3A_1916, %get3A_1917] {strides = array<i32>} : memref<8x4096xf32, #tpu.memory_space<vmem>>, vector<1x16xf32>,
    %get3A_1919 = vector.shape_cast %get3A_1918 : vector<1x16xf32> to vector<16xf32>
    %eq3A_1920 = arith.constant 2 : i32
    %eq3A_1921 = vector.broadcast %eq3A_1920 : i32 to vector<16xi32>
    %eq3A_1922 = arith.cmpi eq, %iota3A, %eq3A_1921 : vector<16xi32>
    %jit3A_1923 = arith.constant 0.000000e+00 : f32
    %broadcast_in_dim3A_1924 = vector.broadcast %jit3A_1923 : f32 to vector<16xf32>
    %select_n3A_1925 = arith.select %eq3A_1922, %get3A_1919, %broadcast_in_dim3A_1924 : vector<16xi1>, vector<16xf32>
    %add3A_1926 = arith.addf %add3A_1911, %select_n3A_1925 : vector<16xf32>
    %add3A_1927 = arith.constant 112 : i32
    %add3A_1928 = arith.addi %mul3A_2, %add3A_1927 : i32
    %multiple_of3A_1929 = tpu.assume_multiple %add3A_1928, 8 : i32
    %get3A_1930 = arith.constant 3 : i32
    %get3A_1931 = arith.index_cast %get3A_1930 : i32 to index
    %get3A_1932 = arith.index_cast %multiple_of3A_1929 : i32 to index
    %get3A_1933 = tpu.vector_load %arg8[%get3A_1931, %get3A_1932] {strides = array<i32>} : memref<8x4096xf32, #tpu.memory_space<vmem>>, vector<1x16xf32>,
    %get3A_1934 = vector.shape_cast %get3A_1933 : vector<1x16xf32> to vector<16xf32>
    %eq3A_1935 = arith.constant 3 : i32
    %eq3A_1936 = vector.broadcast %eq3A_1935 : i32 to vector<16xi32>
    %eq3A_1937 = arith.cmpi eq, %iota3A, %eq3A_1936 : vector<16xi32>
    %jit3A_1938 = arith.constant 0.000000e+00 : f32
    %broadcast_in_dim3A_1939 = vector.broadcast %jit3A_1938 : f32 to vector<16xf32>
    %select_n3A_1940 = arith.select %eq3A_1937, %get3A_1934, %broadcast_in_dim3A_1939 : vector<16xi1>, vector<16xf32>
    %add3A_1941 = arith.addf %add3A_1926, %select_n3A_1940 : vector<16xf32>
    %add3A_1942 = arith.constant 112 : i32
    %add3A_1943 = arith.addi %mul3A_2, %add3A_1942 : i32
    %multiple_of3A_1944 = tpu.assume_multiple %add3A_1943, 8 : i32
    %get3A_1945 = arith.constant 4 : i32
    %get3A_1946 = arith.index_cast %get3A_1945 : i32 to index
    %get3A_1947 = arith.index_cast %multiple_of3A_1944 : i32 to index
    %get3A_1948 = tpu.vector_load %arg8[%get3A_1946, %get3A_1947] {strides = array<i32>} : memref<8x4096xf32, #tpu.memory_space<vmem>>, vector<1x16xf32>,
    %get3A_1949 = vector.shape_cast %get3A_1948 : vector<1x16xf32> to vector<16xf32>
    %eq3A_1950 = arith.constant 4 : i32
    %eq3A_1951 = vector.broadcast %eq3A_1950 : i32 to vector<16xi32>
    %eq3A_1952 = arith.cmpi eq, %iota3A, %eq3A_1951 : vector<16xi32>
    %jit3A_1953 = arith.constant 0.000000e+00 : f32
    %broadcast_in_dim3A_1954 = vector.broadcast %jit3A_1953 : f32 to vector<16xf32>
    %select_n3A_1955 = arith.select %eq3A_1952, %get3A_1949, %broadcast_in_dim3A_1954 : vector<16xi1>, vector<16xf32>
    %add3A_1956 = arith.addf %add3A_1941, %select_n3A_1955 : vector<16xf32>
    %add3A_1957 = arith.constant 112 : i32
    %add3A_1958 = arith.addi %mul3A_2, %add3A_1957 : i32
    %multiple_of3A_1959 = tpu.assume_multiple %add3A_1958, 8 : i32
    %get3A_1960 = arith.constant 5 : i32
    %get3A_1961 = arith.index_cast %get3A_1960 : i32 to index
    %get3A_1962 = arith.index_cast %multiple_of3A_1959 : i32 to index
    %get3A_1963 = tpu.vector_load %arg8[%get3A_1961, %get3A_1962] {strides = array<i32>} : memref<8x4096xf32, #tpu.memory_space<vmem>>, vector<1x16xf32>,
    %get3A_1964 = vector.shape_cast %get3A_1963 : vector<1x16xf32> to vector<16xf32>
    %eq3A_1965 = arith.constant 5 : i32
    %eq3A_1966 = vector.broadcast %eq3A_1965 : i32 to vector<16xi32>
    %eq3A_1967 = arith.cmpi eq, %iota3A, %eq3A_1966 : vector<16xi32>
    %jit3A_1968 = arith.constant 0.000000e+00 : f32
    %broadcast_in_dim3A_1969 = vector.broadcast %jit3A_1968 : f32 to vector<16xf32>
    %select_n3A_1970 = arith.select %eq3A_1967, %get3A_1964, %broadcast_in_dim3A_1969 : vector<16xi1>, vector<16xf32>
    %add3A_1971 = arith.addf %add3A_1956, %select_n3A_1970 : vector<16xf32>
    %add3A_1972 = arith.constant 112 : i32
    %add3A_1973 = arith.addi %mul3A_2, %add3A_1972 : i32
    %multiple_of3A_1974 = tpu.assume_multiple %add3A_1973, 8 : i32
    %get3A_1975 = arith.constant 6 : i32
    %get3A_1976 = arith.index_cast %get3A_1975 : i32 to index
    %get3A_1977 = arith.index_cast %multiple_of3A_1974 : i32 to index
    %get3A_1978 = tpu.vector_load %arg8[%get3A_1976, %get3A_1977] {strides = array<i32>} : memref<8x4096xf32, #tpu.memory_space<vmem>>, vector<1x16xf32>,
    %get3A_1979 = vector.shape_cast %get3A_1978 : vector<1x16xf32> to vector<16xf32>
    %eq3A_1980 = arith.constant 6 : i32
    %eq3A_1981 = vector.broadcast %eq3A_1980 : i32 to vector<16xi32>
    %eq3A_1982 = arith.cmpi eq, %iota3A, %eq3A_1981 : vector<16xi32>
    %jit3A_1983 = arith.constant 0.000000e+00 : f32
    %broadcast_in_dim3A_1984 = vector.broadcast %jit3A_1983 : f32 to vector<16xf32>
    %select_n3A_1985 = arith.select %eq3A_1982, %get3A_1979, %broadcast_in_dim3A_1984 : vector<16xi1>, vector<16xf32>
    %add3A_1986 = arith.addf %add3A_1971, %select_n3A_1985 : vector<16xf32>
    %add3A_1987 = arith.constant 112 : i32
    %add3A_1988 = arith.addi %mul3A_2, %add3A_1987 : i32
    %multiple_of3A_1989 = tpu.assume_multiple %add3A_1988, 8 : i32
    %get3A_1990 = arith.constant 7 : i32
    %get3A_1991 = arith.index_cast %get3A_1990 : i32 to index
    %get3A_1992 = arith.index_cast %multiple_of3A_1989 : i32 to index
    %get3A_1993 = tpu.vector_load %arg8[%get3A_1991, %get3A_1992] {strides = array<i32>} : memref<8x4096xf32, #tpu.memory_space<vmem>>, vector<1x16xf32>,
    %get3A_1994 = vector.shape_cast %get3A_1993 : vector<1x16xf32> to vector<16xf32>
    %eq3A_1995 = arith.constant 7 : i32
    %eq3A_1996 = vector.broadcast %eq3A_1995 : i32 to vector<16xi32>
    %eq3A_1997 = arith.cmpi eq, %iota3A, %eq3A_1996 : vector<16xi32>
    %jit3A_1998 = arith.constant 0.000000e+00 : f32
    %broadcast_in_dim3A_1999 = vector.broadcast %jit3A_1998 : f32 to vector<16xf32>
    %select_n3A_2000 = arith.select %eq3A_1997, %get3A_1994, %broadcast_in_dim3A_1999 : vector<16xi1>, vector<16xf32>
    %add3A_2001 = arith.addf %add3A_1986, %select_n3A_2000 : vector<16xf32>
    %dma_wait3A_2002 = arith.constant 0 : i32
    %dma_wait3A_2003 = arith.constant 0 : i32
    %dma_wait3A_2004 = tpu.memref_slice %arg2[%dma_wait3A_2002, %dma_wait3A_2003] : memref<100000x4096xf32, #tpu.memory_space<hbm>> -> memref<100000x4096xf32, #tpu.memory_space<hbm>>
    tpu.wait_indirect_dma semaphore(%arg14 : memref<!tpu.dma_semaphore, #tpu.memory_space<semaphore_mem>>) src(%dma_wait3A_2004 : memref<100000x4096xf32, #tpu.memory_space<hbm>>) dst(%arg9 : memref<8x4096xf32, #tpu.memory_space<vmem>>)
    %add3A_2005 = arith.constant 112 : i32
    %add3A_2006 = arith.addi %mul3A_2, %add3A_2005 : i32
    %multiple_of3A_2007 = tpu.assume_multiple %add3A_2006, 8 : i32
    %get3A_2008 = arith.constant 0 : i32
    %get3A_2009 = arith.index_cast %get3A_2008 : i32 to index
    %get3A_2010 = arith.index_cast %multiple_of3A_2007 : i32 to index
    %get3A_2011 = tpu.vector_load %arg9[%get3A_2009, %get3A_2010] {strides = array<i32>} : memref<8x4096xf32, #tpu.memory_space<vmem>>, vector<1x16xf32>,
    %get3A_2012 = vector.shape_cast %get3A_2011 : vector<1x16xf32> to vector<16xf32>
    %eq3A_2013 = arith.constant 8 : i32
    %eq3A_2014 = vector.broadcast %eq3A_2013 : i32 to vector<16xi32>
    %eq3A_2015 = arith.cmpi eq, %iota3A, %eq3A_2014 : vector<16xi32>
    %jit3A_2016 = arith.constant 0.000000e+00 : f32
    %broadcast_in_dim3A_2017 = vector.broadcast %jit3A_2016 : f32 to vector<16xf32>
    %select_n3A_2018 = arith.select %eq3A_2015, %get3A_2012, %broadcast_in_dim3A_2017 : vector<16xi1>, vector<16xf32>
    %add3A_2019 = arith.addf %add3A_2001, %select_n3A_2018 : vector<16xf32>
    %add3A_2020 = arith.constant 112 : i32
    %add3A_2021 = arith.addi %mul3A_2, %add3A_2020 : i32
    %multiple_of3A_2022 = tpu.assume_multiple %add3A_2021, 8 : i32
    %get3A_2023 = arith.constant 1 : i32
    %get3A_2024 = arith.index_cast %get3A_2023 : i32 to index
    %get3A_2025 = arith.index_cast %multiple_of3A_2022 : i32 to index
    %get3A_2026 = tpu.vector_load %arg9[%get3A_2024, %get3A_2025] {strides = array<i32>} : memref<8x4096xf32, #tpu.memory_space<vmem>>, vector<1x16xf32>,
    %get3A_2027 = vector.shape_cast %get3A_2026 : vector<1x16xf32> to vector<16xf32>
    %eq3A_2028 = arith.constant 9 : i32
    %eq3A_2029 = vector.broadcast %eq3A_2028 : i32 to vector<16xi32>
    %eq3A_2030 = arith.cmpi eq, %iota3A, %eq3A_2029 : vector<16xi32>
    %jit3A_2031 = arith.constant 0.000000e+00 : f32
    %broadcast_in_dim3A_2032 = vector.broadcast %jit3A_2031 : f32 to vector<16xf32>
    %select_n3A_2033 = arith.select %eq3A_2030, %get3A_2027, %broadcast_in_dim3A_2032 : vector<16xi1>, vector<16xf32>
    %add3A_2034 = arith.addf %add3A_2019, %select_n3A_2033 : vector<16xf32>
    %add3A_2035 = arith.constant 112 : i32
    %add3A_2036 = arith.addi %mul3A_2, %add3A_2035 : i32
    %multiple_of3A_2037 = tpu.assume_multiple %add3A_2036, 8 : i32
    %get3A_2038 = arith.constant 2 : i32
    %get3A_2039 = arith.index_cast %get3A_2038 : i32 to index
    %get3A_2040 = arith.index_cast %multiple_of3A_2037 : i32 to index
    %get3A_2041 = tpu.vector_load %arg9[%get3A_2039, %get3A_2040] {strides = array<i32>} : memref<8x4096xf32, #tpu.memory_space<vmem>>, vector<1x16xf32>,
    %get3A_2042 = vector.shape_cast %get3A_2041 : vector<1x16xf32> to vector<16xf32>
    %eq3A_2043 = arith.constant 10 : i32
    %eq3A_2044 = vector.broadcast %eq3A_2043 : i32 to vector<16xi32>
    %eq3A_2045 = arith.cmpi eq, %iota3A, %eq3A_2044 : vector<16xi32>
    %jit3A_2046 = arith.constant 0.000000e+00 : f32
    %broadcast_in_dim3A_2047 = vector.broadcast %jit3A_2046 : f32 to vector<16xf32>
    %select_n3A_2048 = arith.select %eq3A_2045, %get3A_2042, %broadcast_in_dim3A_2047 : vector<16xi1>, vector<16xf32>
    %add3A_2049 = arith.addf %add3A_2034, %select_n3A_2048 : vector<16xf32>
    %add3A_2050 = arith.constant 112 : i32
    %add3A_2051 = arith.addi %mul3A_2, %add3A_2050 : i32
    %multiple_of3A_2052 = tpu.assume_multiple %add3A_2051, 8 : i32
    %get3A_2053 = arith.constant 3 : i32
    %get3A_2054 = arith.index_cast %get3A_2053 : i32 to index
    %get3A_2055 = arith.index_cast %multiple_of3A_2052 : i32 to index
    %get3A_2056 = tpu.vector_load %arg9[%get3A_2054, %get3A_2055] {strides = array<i32>} : memref<8x4096xf32, #tpu.memory_space<vmem>>, vector<1x16xf32>,
    %get3A_2057 = vector.shape_cast %get3A_2056 : vector<1x16xf32> to vector<16xf32>
    %eq3A_2058 = arith.constant 11 : i32
    %eq3A_2059 = vector.broadcast %eq3A_2058 : i32 to vector<16xi32>
    %eq3A_2060 = arith.cmpi eq, %iota3A, %eq3A_2059 : vector<16xi32>
    %jit3A_2061 = arith.constant 0.000000e+00 : f32
    %broadcast_in_dim3A_2062 = vector.broadcast %jit3A_2061 : f32 to vector<16xf32>
    %select_n3A_2063 = arith.select %eq3A_2060, %get3A_2057, %broadcast_in_dim3A_2062 : vector<16xi1>, vector<16xf32>
    %add3A_2064 = arith.addf %add3A_2049, %select_n3A_2063 : vector<16xf32>
    %add3A_2065 = arith.constant 112 : i32
    %add3A_2066 = arith.addi %mul3A_2, %add3A_2065 : i32
    %multiple_of3A_2067 = tpu.assume_multiple %add3A_2066, 8 : i32
    %get3A_2068 = arith.constant 4 : i32
    %get3A_2069 = arith.index_cast %get3A_2068 : i32 to index
    %get3A_2070 = arith.index_cast %multiple_of3A_2067 : i32 to index
    %get3A_2071 = tpu.vector_load %arg9[%get3A_2069, %get3A_2070] {strides = array<i32>} : memref<8x4096xf32, #tpu.memory_space<vmem>>, vector<1x16xf32>,
    %get3A_2072 = vector.shape_cast %get3A_2071 : vector<1x16xf32> to vector<16xf32>
    %eq3A_2073 = arith.constant 12 : i32
    %eq3A_2074 = vector.broadcast %eq3A_2073 : i32 to vector<16xi32>
    %eq3A_2075 = arith.cmpi eq, %iota3A, %eq3A_2074 : vector<16xi32>
    %jit3A_2076 = arith.constant 0.000000e+00 : f32
    %broadcast_in_dim3A_2077 = vector.broadcast %jit3A_2076 : f32 to vector<16xf32>
    %select_n3A_2078 = arith.select %eq3A_2075, %get3A_2072, %broadcast_in_dim3A_2077 : vector<16xi1>, vector<16xf32>
    %add3A_2079 = arith.addf %add3A_2064, %select_n3A_2078 : vector<16xf32>
    %add3A_2080 = arith.constant 112 : i32
    %add3A_2081 = arith.addi %mul3A_2, %add3A_2080 : i32
    %multiple_of3A_2082 = tpu.assume_multiple %add3A_2081, 8 : i32
    %get3A_2083 = arith.constant 5 : i32
    %get3A_2084 = arith.index_cast %get3A_2083 : i32 to index
    %get3A_2085 = arith.index_cast %multiple_of3A_2082 : i32 to index
    %get3A_2086 = tpu.vector_load %arg9[%get3A_2084, %get3A_2085] {strides = array<i32>} : memref<8x4096xf32, #tpu.memory_space<vmem>>, vector<1x16xf32>,
    %get3A_2087 = vector.shape_cast %get3A_2086 : vector<1x16xf32> to vector<16xf32>
    %eq3A_2088 = arith.constant 13 : i32
    %eq3A_2089 = vector.broadcast %eq3A_2088 : i32 to vector<16xi32>
    %eq3A_2090 = arith.cmpi eq, %iota3A, %eq3A_2089 : vector<16xi32>
    %jit3A_2091 = arith.constant 0.000000e+00 : f32
    %broadcast_in_dim3A_2092 = vector.broadcast %jit3A_2091 : f32 to vector<16xf32>
    %select_n3A_2093 = arith.select %eq3A_2090, %get3A_2087, %broadcast_in_dim3A_2092 : vector<16xi1>, vector<16xf32>
    %add3A_2094 = arith.addf %add3A_2079, %select_n3A_2093 : vector<16xf32>
    %add3A_2095 = arith.constant 112 : i32
    %add3A_2096 = arith.addi %mul3A_2, %add3A_2095 : i32
    %multiple_of3A_2097 = tpu.assume_multiple %add3A_2096, 8 : i32
    %get3A_2098 = arith.constant 6 : i32
    %get3A_2099 = arith.index_cast %get3A_2098 : i32 to index
    %get3A_2100 = arith.index_cast %multiple_of3A_2097 : i32 to index
    %get3A_2101 = tpu.vector_load %arg9[%get3A_2099, %get3A_2100] {strides = array<i32>} : memref<8x4096xf32, #tpu.memory_space<vmem>>, vector<1x16xf32>,
    %get3A_2102 = vector.shape_cast %get3A_2101 : vector<1x16xf32> to vector<16xf32>
    %eq3A_2103 = arith.constant 14 : i32
    %eq3A_2104 = vector.broadcast %eq3A_2103 : i32 to vector<16xi32>
    %eq3A_2105 = arith.cmpi eq, %iota3A, %eq3A_2104 : vector<16xi32>
    %jit3A_2106 = arith.constant 0.000000e+00 : f32
    %broadcast_in_dim3A_2107 = vector.broadcast %jit3A_2106 : f32 to vector<16xf32>
    %select_n3A_2108 = arith.select %eq3A_2105, %get3A_2102, %broadcast_in_dim3A_2107 : vector<16xi1>, vector<16xf32>
    %add3A_2109 = arith.addf %add3A_2094, %select_n3A_2108 : vector<16xf32>
    %add3A_2110 = arith.constant 112 : i32
    %add3A_2111 = arith.addi %mul3A_2, %add3A_2110 : i32
    %multiple_of3A_2112 = tpu.assume_multiple %add3A_2111, 8 : i32
    %get3A_2113 = arith.constant 7 : i32
    %get3A_2114 = arith.index_cast %get3A_2113 : i32 to index
    %get3A_2115 = arith.index_cast %multiple_of3A_2112 : i32 to index
    %get3A_2116 = tpu.vector_load %arg9[%get3A_2114, %get3A_2115] {strides = array<i32>} : memref<8x4096xf32, #tpu.memory_space<vmem>>, vector<1x16xf32>,
    %get3A_2117 = vector.shape_cast %get3A_2116 : vector<1x16xf32> to vector<16xf32>
    %eq3A_2118 = arith.constant 15 : i32
    %eq3A_2119 = vector.broadcast %eq3A_2118 : i32 to vector<16xi32>
    %eq3A_2120 = arith.cmpi eq, %iota3A, %eq3A_2119 : vector<16xi32>
    %jit3A_2121 = arith.constant 0.000000e+00 : f32
    %broadcast_in_dim3A_2122 = vector.broadcast %jit3A_2121 : f32 to vector<16xf32>
    %select_n3A_2123 = arith.select %eq3A_2120, %get3A_2117, %broadcast_in_dim3A_2122 : vector<16xi1>, vector<16xf32>
    %add3A_2124 = arith.addf %add3A_2109, %select_n3A_2123 : vector<16xf32>
    %swap3A_2125 = arith.constant 0 : index
    %swap3A_2126 = tpu.vector_load %arg10[%swap3A_2125] {strides = array<i32>} : memref<16xf32, #tpu.memory_space<vmem>>, vector<16xf32>,
    %swap3A_2127 = vector.shape_cast %swap3A_2126 : vector<16xf32> to vector<16xf32>
    %swap3A_2128 = vector.shape_cast %add3A_2124 : vector<16xf32> to vector<16xf32>
    tpu.vector_store %arg10[%swap3A_2125], %swap3A_2128 {strides = array<i32>} : memref<16xf32, #tpu.memory_space<vmem>>, vector<16xf32>,
    %mul3A_2129 = arith.constant 16 : i32
    %mul3A_2130 = arith.muli %arg1, %mul3A_2129 : i32
    %multiple_of3A_2131 = tpu.assume_multiple %mul3A_2130, 8 : i32
    "tpu.region"() ({
      %run_scoped3A = tpu.sem_alloc : memref<!tpu.dma_semaphore, #tpu.memory_space<semaphore_mem>>
      %dma_start3A_2135 = tpu.memref_slice %arg11[%multiple_of3A_2131] : memref<256xf32, #tpu.memory_space<vmem_shared>> -> memref<16xf32, #tpu.memory_space<vmem_shared>>
      %dma_start3A_2136 = tpu.memref_slice %arg11[%multiple_of3A_2131] : memref<256xf32, #tpu.memory_space<vmem_shared>> -> memref<16xf32, #tpu.memory_space<vmem_shared>>
      tpu.enqueue_dma source(%arg10 : memref<16xf32, #tpu.memory_space<vmem>>) target(%dma_start3A_2136 : memref<16xf32, #tpu.memory_space<vmem_shared>>) target_semaphore(%run_scoped3A : memref<!tpu.dma_semaphore, #tpu.memory_space<semaphore_mem>>)
      %dma_wait3A_2137 = tpu.memref_slice %arg11[%multiple_of3A_2131] : memref<256xf32, #tpu.memory_space<vmem_shared>> -> memref<16xf32, #tpu.memory_space<vmem_shared>>
      %dma_wait3A_2138 = tpu.memref_slice %arg11[%multiple_of3A_2131] : memref<256xf32, #tpu.memory_space<vmem_shared>> -> memref<16xf32, #tpu.memory_space<vmem_shared>>
      tpu.wait_dma2 semaphore(%run_scoped3A : memref<!tpu.dma_semaphore, #tpu.memory_space<semaphore_mem>>) src(%arg10 : memref<16xf32, #tpu.memory_space<vmem>>) dst(%dma_wait3A_2138 : memref<16xf32, #tpu.memory_space<vmem_shared>>)
      tpu.yield
    }) : () -> ()
    %barrier3A = arith.constant 0 : index
    tpu.barrier barrier_id(%barrier3A)
    %eq3A_2132 = arith.constant 0 : i32
    %eq3A_2133 = arith.cmpi eq, %arg1, %eq3A_2132 : i32
    %convert_element_type3A = arith.extui %eq3A_2133 : i1 to i32
    %cond3A = arith.constant 0 : i32
    %cond3A_2134 = arith.cmpi ne, %convert_element_type3A, %cond3A : i32
    scf.if %cond3A_2134 {
      "tpu.region"() ({
        %run_scoped3A = tpu.sem_alloc : memref<!tpu.dma_semaphore, #tpu.memory_space<semaphore_mem>>
        tpu.enqueue_dma source(%arg11 : memref<256xf32, #tpu.memory_space<vmem_shared>>) target(%arg12 : memref<256xf32, #tpu.memory_space<vmem>>) target_semaphore(%run_scoped3A : memref<!tpu.dma_semaphore, #tpu.memory_space<semaphore_mem>>)
        tpu.wait_dma2 semaphore(%run_scoped3A : memref<!tpu.dma_semaphore, #tpu.memory_space<semaphore_mem>>) src(%arg11 : memref<256xf32, #tpu.memory_space<vmem_shared>>) dst(%arg12 : memref<256xf32, #tpu.memory_space<vmem>>)
        tpu.yield
      }) : () -> ()
      %broadcast_in_dim3A_2135 = arith.constant 0.000000e+00 : f32
      %broadcast_in_dim3A_2136 = vector.broadcast %broadcast_in_dim3A_2135 : f32 to vector<16xf32>
      %get3A_2137 = arith.constant 0 : index
      %get3A_2138 = tpu.vector_load %arg12[%get3A_2137] {strides = array<i32>} : memref<256xf32, #tpu.memory_space<vmem>>, vector<16xf32>,
      %get3A_2139 = vector.shape_cast %get3A_2138 : vector<16xf32> to vector<16xf32>
      %add3A_2140 = arith.addf %broadcast_in_dim3A_2136, %get3A_2139 : vector<16xf32>
      %get3A_2141 = arith.constant 16 : index
      %get3A_2142 = tpu.vector_load %arg12[%get3A_2141] {strides = array<i32>} : memref<256xf32, #tpu.memory_space<vmem>>, vector<16xf32>,
      %get3A_2143 = vector.shape_cast %get3A_2142 : vector<16xf32> to vector<16xf32>
      %add3A_2144 = arith.addf %add3A_2140, %get3A_2143 : vector<16xf32>
      %get3A_2145 = arith.constant 32 : index
      %get3A_2146 = tpu.vector_load %arg12[%get3A_2145] {strides = array<i32>} : memref<256xf32, #tpu.memory_space<vmem>>, vector<16xf32>,
      %get3A_2147 = vector.shape_cast %get3A_2146 : vector<16xf32> to vector<16xf32>
      %add3A_2148 = arith.addf %add3A_2144, %get3A_2147 : vector<16xf32>
      %get3A_2149 = arith.constant 48 : index
      %get3A_2150 = tpu.vector_load %arg12[%get3A_2149] {strides = array<i32>} : memref<256xf32, #tpu.memory_space<vmem>>, vector<16xf32>,
      %get3A_2151 = vector.shape_cast %get3A_2150 : vector<16xf32> to vector<16xf32>
      %add3A_2152 = arith.addf %add3A_2148, %get3A_2151 : vector<16xf32>
      %get3A_2153 = arith.constant 64 : index
      %get3A_2154 = tpu.vector_load %arg12[%get3A_2153] {strides = array<i32>} : memref<256xf32, #tpu.memory_space<vmem>>, vector<16xf32>,
      %get3A_2155 = vector.shape_cast %get3A_2154 : vector<16xf32> to vector<16xf32>
      %add3A_2156 = arith.addf %add3A_2152, %get3A_2155 : vector<16xf32>
      %get3A_2157 = arith.constant 80 : index
      %get3A_2158 = tpu.vector_load %arg12[%get3A_2157] {strides = array<i32>} : memref<256xf32, #tpu.memory_space<vmem>>, vector<16xf32>,
      %get3A_2159 = vector.shape_cast %get3A_2158 : vector<16xf32> to vector<16xf32>
      %add3A_2160 = arith.addf %add3A_2156, %get3A_2159 : vector<16xf32>
      %get3A_2161 = arith.constant 96 : index
      %get3A_2162 = tpu.vector_load %arg12[%get3A_2161] {strides = array<i32>} : memref<256xf32, #tpu.memory_space<vmem>>, vector<16xf32>,
      %get3A_2163 = vector.shape_cast %get3A_2162 : vector<16xf32> to vector<16xf32>
      %add3A_2164 = arith.addf %add3A_2160, %get3A_2163 : vector<16xf32>
      %get3A_2165 = arith.constant 112 : index
      %get3A_2166 = tpu.vector_load %arg12[%get3A_2165] {strides = array<i32>} : memref<256xf32, #tpu.memory_space<vmem>>, vector<16xf32>,
      %get3A_2167 = vector.shape_cast %get3A_2166 : vector<16xf32> to vector<16xf32>
      %add3A_2168 = arith.addf %add3A_2164, %get3A_2167 : vector<16xf32>
      %get3A_2169 = arith.constant 128 : index
      %get3A_2170 = tpu.vector_load %arg12[%get3A_2169] {strides = array<i32>} : memref<256xf32, #tpu.memory_space<vmem>>, vector<16xf32>,
      %get3A_2171 = vector.shape_cast %get3A_2170 : vector<16xf32> to vector<16xf32>
      %add3A_2172 = arith.addf %add3A_2168, %get3A_2171 : vector<16xf32>
      %get3A_2173 = arith.constant 144 : index
      %get3A_2174 = tpu.vector_load %arg12[%get3A_2173] {strides = array<i32>} : memref<256xf32, #tpu.memory_space<vmem>>, vector<16xf32>,
      %get3A_2175 = vector.shape_cast %get3A_2174 : vector<16xf32> to vector<16xf32>
      %add3A_2176 = arith.addf %add3A_2172, %get3A_2175 : vector<16xf32>
      %get3A_2177 = arith.constant 160 : index
      %get3A_2178 = tpu.vector_load %arg12[%get3A_2177] {strides = array<i32>} : memref<256xf32, #tpu.memory_space<vmem>>, vector<16xf32>,
      %get3A_2179 = vector.shape_cast %get3A_2178 : vector<16xf32> to vector<16xf32>
      %add3A_2180 = arith.addf %add3A_2176, %get3A_2179 : vector<16xf32>
      %get3A_2181 = arith.constant 176 : index
      %get3A_2182 = tpu.vector_load %arg12[%get3A_2181] {strides = array<i32>} : memref<256xf32, #tpu.memory_space<vmem>>, vector<16xf32>,
      %get3A_2183 = vector.shape_cast %get3A_2182 : vector<16xf32> to vector<16xf32>
      %add3A_2184 = arith.addf %add3A_2180, %get3A_2183 : vector<16xf32>
      %get3A_2185 = arith.constant 192 : index
      %get3A_2186 = tpu.vector_load %arg12[%get3A_2185] {strides = array<i32>} : memref<256xf32, #tpu.memory_space<vmem>>, vector<16xf32>,
      %get3A_2187 = vector.shape_cast %get3A_2186 : vector<16xf32> to vector<16xf32>
      %add3A_2188 = arith.addf %add3A_2184, %get3A_2187 : vector<16xf32>
      %get3A_2189 = arith.constant 208 : index
      %get3A_2190 = tpu.vector_load %arg12[%get3A_2189] {strides = array<i32>} : memref<256xf32, #tpu.memory_space<vmem>>, vector<16xf32>,
      %get3A_2191 = vector.shape_cast %get3A_2190 : vector<16xf32> to vector<16xf32>
      %add3A_2192 = arith.addf %add3A_2188, %get3A_2191 : vector<16xf32>
      %get3A_2193 = arith.constant 224 : index
      %get3A_2194 = tpu.vector_load %arg12[%get3A_2193] {strides = array<i32>} : memref<256xf32, #tpu.memory_space<vmem>>, vector<16xf32>,
      %get3A_2195 = vector.shape_cast %get3A_2194 : vector<16xf32> to vector<16xf32>
      %add3A_2196 = arith.addf %add3A_2192, %get3A_2195 : vector<16xf32>
      %get3A_2197 = arith.constant 240 : index
      %get3A_2198 = tpu.vector_load %arg12[%get3A_2197] {strides = array<i32>} : memref<256xf32, #tpu.memory_space<vmem>>, vector<16xf32>,
      %get3A_2199 = vector.shape_cast %get3A_2198 : vector<16xf32> to vector<16xf32>
      %add3A_2200 = arith.addf %add3A_2196, %get3A_2199 : vector<16xf32>
      %xor3A = arith.constant 8 : i32
      %xor3A_2201 = vector.broadcast %xor3A : i32 to vector<16xi32>
      %xor3A_2202 = arith.xori %iota3A, %xor3A_2201 : vector<16xi32>
      %broadcast_in_dim3A_2203 = vector.shape_cast %xor3A_2202 : vector<16xi32> to vector<16x1xi32>
      %gather3A = vector.shape_cast %broadcast_in_dim3A_2203 : vector<16x1xi32> to vector<16xi32>
      %gather3A_2204 = tpu.dynamic_gather %add3A_2200[%gather3A] in [0] : vector<16xf32>, vector<16xi32> -> vector<16xf32>
      %add3A_2205 = arith.addf %add3A_2200, %gather3A_2204 : vector<16xf32>
      %xor3A_2206 = arith.constant 4 : i32
      %xor3A_2207 = vector.broadcast %xor3A_2206 : i32 to vector<16xi32>
      %xor3A_2208 = arith.xori %iota3A, %xor3A_2207 : vector<16xi32>
      %broadcast_in_dim3A_2209 = vector.shape_cast %xor3A_2208 : vector<16xi32> to vector<16x1xi32>
      %gather3A_2210 = vector.shape_cast %broadcast_in_dim3A_2209 : vector<16x1xi32> to vector<16xi32>
      %gather3A_2211 = tpu.dynamic_gather %add3A_2205[%gather3A_2210] in [0] : vector<16xf32>, vector<16xi32> -> vector<16xf32>
      %add3A_2212 = arith.addf %add3A_2205, %gather3A_2211 : vector<16xf32>
      %xor3A_2213 = arith.constant 2 : i32
      %xor3A_2214 = vector.broadcast %xor3A_2213 : i32 to vector<16xi32>
      %xor3A_2215 = arith.xori %iota3A, %xor3A_2214 : vector<16xi32>
      %broadcast_in_dim3A_2216 = vector.shape_cast %xor3A_2215 : vector<16xi32> to vector<16x1xi32>
      %gather3A_2217 = vector.shape_cast %broadcast_in_dim3A_2216 : vector<16x1xi32> to vector<16xi32>
      %gather3A_2218 = tpu.dynamic_gather %add3A_2212[%gather3A_2217] in [0] : vector<16xf32>, vector<16xi32> -> vector<16xf32>
      %add3A_2219 = arith.addf %add3A_2212, %gather3A_2218 : vector<16xf32>
      %xor3A_2220 = arith.constant 1 : i32
      %xor3A_2221 = vector.broadcast %xor3A_2220 : i32 to vector<16xi32>
      %xor3A_2222 = arith.xori %iota3A, %xor3A_2221 : vector<16xi32>
      %broadcast_in_dim3A_2223 = vector.shape_cast %xor3A_2222 : vector<16xi32> to vector<16x1xi32>
      %gather3A_2224 = vector.shape_cast %broadcast_in_dim3A_2223 : vector<16x1xi32> to vector<16xi32>
      %gather3A_2225 = tpu.dynamic_gather %add3A_2219[%gather3A_2224] in [0] : vector<16xf32>, vector<16xi32> -> vector<16xf32>
      %add3A_2226 = arith.addf %add3A_2219, %gather3A_2225 : vector<16xf32>
      %mul3A_2227 = arith.constant 2.44140625E-4 : f32
      %mul3A_2228 = vector.broadcast %mul3A_2227 : f32 to vector<16xf32>
      %mul3A_2229 = arith.mulf %add3A_2226, %mul3A_2228 : vector<16xf32>
      %swap3A_2230 = arith.constant 0 : index
      %swap3A_2231 = tpu.vector_load %arg10[%swap3A_2230] {strides = array<i32>} : memref<16xf32, #tpu.memory_space<vmem>>, vector<16xf32>,
      %swap3A_2232 = vector.shape_cast %swap3A_2231 : vector<16xf32> to vector<16xf32>
      %swap3A_2233 = vector.shape_cast %mul3A_2229 : vector<16xf32> to vector<16xf32>
      tpu.vector_store %arg10[%swap3A_2230], %swap3A_2233 {strides = array<i32>} : memref<16xf32, #tpu.memory_space<vmem>>, vector<16xf32>,
      %mul3A_2234 = arith.constant 16 : i32
      %mul3A_2235 = arith.muli %arg0, %mul3A_2234 : i32
      %multiple_of3A_2236 = tpu.assume_multiple %mul3A_2235, 8 : i32
      "tpu.region"() ({
        %run_scoped3A = tpu.sem_alloc : memref<!tpu.dma_semaphore, #tpu.memory_space<semaphore_mem>>
        %dma_start3A_2237 = tpu.memref_slice %arg4[%multiple_of3A_2236] : memref<32xf32, #tpu.memory_space<hbm>> -> memref<16xf32, #tpu.memory_space<hbm>>
        %dma_start3A_2238 = tpu.memref_slice %arg4[%multiple_of3A_2236] : memref<32xf32, #tpu.memory_space<hbm>> -> memref<16xf32, #tpu.memory_space<hbm>>
        tpu.enqueue_dma source(%arg10 : memref<16xf32, #tpu.memory_space<vmem>>) target(%dma_start3A_2238 : memref<16xf32, #tpu.memory_space<hbm>>) target_semaphore(%run_scoped3A : memref<!tpu.dma_semaphore, #tpu.memory_space<semaphore_mem>>)
        %dma_wait3A_2239 = tpu.memref_slice %arg4[%multiple_of3A_2236] : memref<32xf32, #tpu.memory_space<hbm>> -> memref<16xf32, #tpu.memory_space<hbm>>
        %dma_wait3A_2240 = tpu.memref_slice %arg4[%multiple_of3A_2236] : memref<32xf32, #tpu.memory_space<hbm>> -> memref<16xf32, #tpu.memory_space<hbm>>
        tpu.wait_dma2 semaphore(%run_scoped3A : memref<!tpu.dma_semaphore, #tpu.memory_space<semaphore_mem>>) src(%arg10 : memref<16xf32, #tpu.memory_space<vmem>>) dst(%dma_wait3A_2240 : memref<16xf32, #tpu.memory_space<hbm>>)
        tpu.yield
      }) : () -> ()
    } else {
    }
    return
  }
}

</mosaic_0001>

<sc_bundles>
// kernel: _sc_loss.3.cloned.1.call-start
scs
__scs_entry_jumppad:
0x0: {  	(pc) =	sbr.rel $0x88, $3  }
0x1: {  	(tag) =	ssettag $0x0;
	lr =	simm.s32 $0x1  }
0x2: {  	[smem:$0x3F9F] =	sst lr;
	_ =	strace $0xD0000000  }
0x3: {  	_ = 	snop  }
0x4: {  	_ = 	snop  }
0x5: {  	_ = 	snop  }
0x6: {  	_ = 	snop  }
0x7: {  	_ = 	snop  }
__scs_overlays_trampoline_lowered:
0x8: {  	[smem:$0x3FAE] =	sst s0  }
0x9: {  	[smem:$0x3FAF] =	sst s1  }
0xa: {  	[smem:$0x3FB0] =	sst s2  }
0xb: {  	[smem:$0x3FB1] =	sst s3  }
0xc: {  	[smem:$0x3FB2] =	sst s4  }
0xd: {  	[smem:$0x3FB3] =	sst s5  }
0xe: {  	[smem:$0x3FB4] =	sst s6  }
0xf: {  	[smem:$0x3FB5] =	sst s7  }
0x10: {  	[smem:$0x3FB6] =	sst s8  }
0x11: {  	[smem:$0x3FB7] =	sst s9;
	s0 =	simm.s32 @!p0 $0x0  }
0x12: {  	s1 =	sld [smem:$0x3F9D];
	s0 =	simm.s32 @p0 $0x1  }
0x13: {  	[smem:$0x3FB8] =	sst s0;
	s0 =	simm.s32 @!p1 $0x0  }
0x14: {  	s2 =	sld [smem:$0x3F9C];
	s0 =	simm.s32 @p1 $0x1  }
0x15: {  	[smem:$0x3FB9] =	sst s0;
	s0 =	simm.s32 @!p2 $0x0  }
0x16: {  	s3 =	sld [smem:$0x3FDB];
	s0 =	simm.s32 @p2 $0x1  }
0x17: {  	s4 =	simm.s32 $0x1BF5;
	[smem:$0x3FBB] =	sst s0  }
0x18: {  	s0 =	sld [smem:$0x3F9E];
	_ =	swait.ge [sflag:s4], $0x0  }
0x19: {  	s7 =	sld [smem:$0x3F9F]  }
0x1a: {  	s8 =	sadd.s32 $0xFFFFE003, lr  }
0x1b: {  	s9 =	sadd.s32 $0xFFFFFEF7, lr;
	s5 =	simm.s32 $0xFFFFFFFF;
	p2 =	slt.u32 s8, $0xFFFFF086  }
0x1c: {  	p1 =	slt.u32 s9, $0xF7A;
	s5 =	simm.s32 @!p2 $0x0  }
0x1d: {  	s5 =	simm.s32 @p1 $0x1;
	p0 =	seq.s32 s7, s2  }
0x1e: {  	s7 =	smul.u32 @!p0 $0xF7A, s2;
	p2 =	seq.s32 @!p0 s5, $0x0  }
0x1f: {  	s9 =	smul.u32 $0xF7A, s1;
	s8 =	simm.s32 @!p0 $0x1BF5;
	p2 =	por !p2, p0  }
0x20: {  	[sflag:s8] =	ssyncset.s32 @!p0 $0xFFFFF086;
	s6 =	sadd.s32 @!p0 s3, s7;
	s7 =	simm.s32 @!p0 $0x108  }
0x21: {  	s3 =	sadd.s32 s3, s9;
	s6 =	sadd.s32 @!p0 $0x88, s6;
	s7 =	simm.s32 @p2 $0x1082  }
0x22: {  	[simem:s7], [sflag:s8] =	dma.local @!p0 [hbm:s6], $0xF7A  }
0x23: {  	s9 =	sor.u32 $0xD0000000, s2;
	s6 =	simm.s32 $0x108;
	_ =	swait.ge @!p0 [sflag:s8], $0x0  }
0x24: {  	s3 =	sadd.s32 $0x88, s3;
	s6 =	simm.s32 @!p1 $0x1082;
	[sflag:s4] =	ssyncset.s32 $0xFFFFF086  }
0x25: {  	[simem:s6], [sflag:s4] =	dma.local [hbm:s3], $0xF7A  }
0x26: {  	[smem:$0x3F9F] =	sst s1;
	(tag) =	ssettag s2;
	_ =	strace s9  }
0x27: {  	s1 =	sld [smem:$0x3FAF]  }
0x28: {  	s2 =	sld [smem:$0x3FB0]  }
0x29: {  	s4 =	sld [smem:$0x3FB2]  }
0x2a: {  	p0 =	seq.s32 s5, $0x0;
	s5 =	sld [smem:$0x3FB3]  }
0x2b: {  	s6 =	sld [smem:$0x3FB4]  }
0x2c: {  	s7 =	sld [smem:$0x3FB5]  }
0x2d: {  	s3 =	simm.s32 $0x108;
	s8 =	sld [smem:$0x3FB6]  }
0x2e: {  	s3 =	simm.s32 @!p0 $0x1082;
	s9 =	sld [smem:$0x3FB7]  }
0x2f: {  	lr =	sadd.s32 s0, s3;
	s0 =	sld [smem:$0x3FAE]  }
0x30: {  	s3 =	sld [smem:$0x3FB1]  }
0x31: {  	[smem:$0x3FBA] =	sst s10  }
0x32: {  	s10 =	sld [smem:$0x3FB8];
	_ =	sdelay $0x3  }
0x33: {  	p0 =	seq.s32 s10, $0x1;
	s10 =	sld [smem:$0x3FBA];
	_ =	sdelay $0x3  }
0x34: {  	[smem:$0x3FBA] =	sst s10  }
0x35: {  	s10 =	sld [smem:$0x3FB9];
	_ =	sdelay $0x3  }
0x36: {  	p1 =	seq.s32 s10, $0x1;
	s10 =	sld [smem:$0x3FBA];
	_ =	sdelay $0x3  }
0x37: {  	[smem:$0x3FBA] =	sst s10  }
0x38: {  	s10 =	sld [smem:$0x3FBB]  }
0x39: {  	_ = 	snop;
	(pc) =	sbr.ind lr, $3  }
0x3a: {  	_ = 	snop  }
0x3b: {  	_ = 	snop  }
0x3c: {  	p2 =	seq.s32 s10, $0x1;
	s10 =	sld [smem:$0x3FBA]  }
0x3d: {  	_ =	shalt  }
0x3e: {  	_ =	shalt  }
0x3f: {  	_ =	shalt  }
0x40: {  	_ =	shalt  }
0x41: {  	_ =	shalt  }
0x42: {  	_ =	shalt  }
0x43: {  	_ =	shalt  }
0x44: {  	_ =	shalt  }
0x45: {  	_ =	shalt  }
0x46: {  	_ =	shalt  }
0x47: {  	_ =	shalt  }
0x48: {  	_ =	shalt  }
0x49: {  	_ =	shalt  }
0x4a: {  	_ =	shalt  }
0x4b: {  	_ =	shalt  }
0x4c: {  	_ =	shalt  }
0x4d: {  	_ =	shalt  }
0x4e: {  	_ =	shalt  }
0x4f: {  	_ =	shalt  }
0x50: {  	_ =	shalt  }
0x51: {  	_ =	shalt  }
0x52: {  	_ =	shalt  }
0x53: {  	_ =	shalt  }
0x54: {  	_ =	shalt  }
0x55: {  	_ =	shalt  }
0x56: {  	_ =	shalt  }
0x57: {  	_ =	shalt  }
0x58: {  	_ =	shalt  }
0x59: {  	_ =	shalt  }
0x5a: {  	_ =	shalt  }
0x5b: {  	_ =	shalt  }
0x5c: {  	_ =	shalt  }
0x5d: {  	_ =	shalt  }
0x5e: {  	_ =	shalt  }
0x5f: {  	_ =	shalt  }
0x60: {  	_ =	shalt  }
0x61: {  	_ =	shalt  }
0x62: {  	_ =	shalt  }
0x63: {  	_ =	shalt  }
0x64: {  	_ =	shalt  }
0x65: {  	_ =	shalt  }
0x66: {  	_ =	shalt  }
0x67: {  	_ =	shalt  }
0x68: {  	_ =	shalt  }
0x69: {  	_ =	shalt  }
0x6a: {  	_ =	shalt  }
0x6b: {  	_ =	shalt  }
0x6c: {  	_ =	shalt  }
0x6d: {  	_ =	shalt  }
0x6e: {  	_ =	shalt  }
0x6f: {  	_ =	shalt  }
0x70: {  	_ =	shalt  }
0x71: {  	_ =	shalt  }
0x72: {  	_ =	shalt  }
0x73: {  	_ =	shalt  }
0x74: {  	_ =	shalt  }
0x75: {  	_ =	shalt  }
0x76: {  	_ =	shalt  }
0x77: {  	_ =	shalt  }
0x78: {  	_ =	shalt  }
0x79: {  	_ =	shalt  }
0x7a: {  	_ =	shalt  }
0x7b: {  	_ =	shalt  }
0x7c: {  	_ =	shalt  }
0x7d: {  	_ =	shalt  }
0x7e: {  	_ =	shalt  }
0x7f: {  	_ =	shalt  }
0x80: {  	_ =	shalt  }
0x81: {  	_ =	shalt  }
0x82: {  	_ =	shalt  }
0x83: {  	_ =	shalt  }
0x84: {  	_ =	shalt  }
0x85: {  	_ =	shalt  }
0x86: {  	_ =	shalt  }
0x87: {  	_ =	shalt  }
.Lfunc_end0:
.L_simem_size_0:
called_computation_lowered:
.L_overlay_start_0:
0x88: {  	s2 =	sld [smem:$0x3FD9]  }
0x89: {  	s3 =	sld [smem:$0x3FFE];
	_ =	sdelay $0x1  }
0x8a: {  	s1 =	srdreg.scid  }
0x8b: {  	s0 =	sand.u32 $0x1, s1  }
0x8c: {  	s18 =	sshll.u32 s0, $0xA;
	s2 =	sadd.s32 s3, s2  }
0x8d: {  	s2 =	sadd.s32 s2, s18  }
0x8e: {  	[smem:$0x3FC6] =	sst s2  }
0x8f: {  	_ = 	snop  }
0x90: {  	s2 =	sld [smem:$0x3FC9]  }
0x91: {  	s19 =	sld [smem:$0x3FC8]  }
0x92: {  	s4 =	sld [smem:$0x3FD0];
	(tm) =	ssettm $0x1  }
0x93: {  	s5 =	sld [smem:$0x3FFB];
	_ =	sdelay $0x3  }
0x94: {  	_ =	strace s5  }
0x95: {  	s5 =	sld [smem:$0x3FFC];
	_ =	sdelay $0x3  }
0x96: {  	_ =	strace s5  }
0x97: {  	s5 =	sld [smem:$0x3FFD];
	_ =	sdelay $0x3  }
0x98: {  	_ =	strace s5  }
0x99: {  	_ =	strace $0x8FFFFFFF  }
0x9a: {  	s20 =	sld [smem:$0x3FDB];
	_ =	sdelay $0x1  }
0x9b: {  	s6 =	simm.s32 $_scs_section_size  }
0x9c: {  	s7 =	simm.s32 $_size__tile_overlayer_lowered;
	s8 =	simm.s32 $_tile_overlayer_lowered  }
0x9d: {  	s23 =	simm.s32 $0x1BFF;
	s22 =	sshll.u32 s8, $0x1;
	s5 =	sadd.s32 s6, s20  }
0x9e: {  	s9 =	simm.s32 $0x0;
	s21 =	sshll.u32 s7, $0x1;
	s7 =	sadd.s32 s22, s5  }
0x9f: {  	[timem:s9], [sflag:s23] =	dma.local [hbm:s7], s21  }
0xa0: {  	_ =	swait.ge [sflag:s23], s21  }
0xa1: {  	s6 =	ssub.s32 $0x0, s21;
	[sflag:s23] =	ssyncset.done $0x0  }
0xa2: {  	[sflag:s23] =	ssyncadd.s32 s6;
	_ =	sdelay $0x1  }
0xa3: {  	s24 =	simm.s32 $0x1B8B  }
0xa4: {  	_ =	swait.ge [sflag:s24], $0x1  }
0xa5: {  	[sflag:s24] =	ssyncset.done $0x0  }
0xa6: {  	s25 =	simm.s32 $0x1B8E;
	[sflag:s24] =	ssyncadd.s32 $0xFFFFFFFF  }
0xa7: {  	s26 =	simm.s32 $execute0_lowered;
	[smem:$0x3FD2] =	sst s25  }
0xa8: {  	s6 =	sshll.u32 s26, $0x1;
	_ =	strace $0x80000046;
	[dreg:$0x1] =	wrdreg $0xFFFFFFFF  }
0xa9: {  	s28 =	simm.s32 $_size_execute0_lowered;
	s5 =	sadd.s32 s5, s6;
	[dreg:$0x0] =	wrdreg $0x0  }
0xaa: {  	s6 =	sshll.u32 s28, $0x1;
	[dreg:$0x2] =	wrdreg s5  }
0xab: {  	[dreg:$0x3] =	wrdreg s6  }
0xac: {  	[dreg:$0x4] =	wrdreg $0xC0  }
0xad: {  	_ =	task [dreg:s9], $0x5FFFF  }
0xae: {  	[dreg:$0x1] =	wrdreg $0xFFFFFFFF  }
0xaf: {  	[dreg:$0x0] =	wrdreg $0x60  }
0xb0: {  	[dreg:$0x2] =	wrdreg s2  }
0xb1: {  	[dreg:$0x3] =	wrdreg s19  }
0xb2: {  	[dreg:$0x4] =	wrdreg s4  }
0xb3: {  	[dreg:$0x5] =	wrdreg $0x102000  }
0xb4: {  	[dreg:$0x6] =	wrdreg $0x9  }
0xb5: {  	_ =	task.clear_ibuf [dreg:s9], $0x7FFFF;
	_ =	strace $0x90000046  }
0xb6: {  	s29 =	simm.s32 $0x9;
	_ =	strace $0x80000048  }
0xb7: {  	_ =	swait.ge [sflag:s29], $0x1  }
0xb8: {  	[sflag:s29] =	ssyncadd.s32 $0xFFFFFFFF  }
0xb9: {  	_ =	strace $0x90000048  }
0xba: {  	_ =	sfence  }
0xbb: {  	s30 =	sld [smem:$0x0];
	_ =	sdelay $0x2  }
0xbc: {  	s31 =	sshll.u32 s1, $0xD;
	s1 =	sshrl.u32 s1, $0x2  }
0xbd: {  	s3 =	sand.u32 $0x4000, s31;
	s1 =	sadd.s32 s1, s30  }
0xbe: {  	s0 =	sor.u32 s3, s0;
	s1 =	sshll.u32 s1, $0x11  }
0xbf: {  	s0 =	sor.u32 s1, s0  }
0xc0: {  	s0 =	sadd.s32 $0x8F2B, s0  }
0xc1: {  	[sflag:s0] =	ssyncadd.remote.s32 $0x1  }
0xc2: {  	_ =	sfence.sel $0xFFFF  }
0xc3: {  	[dreg:$0x0] =	wrdreg $0xFFFFFFFF;
	(pc) =	sbr.abs _section_cstart, $3  }
0xc4: {  	[dreg:$0x1] =	wrdreg $0xFFFFFFFF  }
0xc5: {  	_ =	task.clear_ibuf [dreg:s9], $0x2FFFF;
	_ =	strace $0x9FFFFFFF  }
0xc6: {  	(tm) =	ssettm $0x7FFFFFFF  }
0xc7: {  	_ =	shalt  }
tec
execute0_lowered:
.L_overlay_start_1:
0x0: {  	(tag) =	ssettag $0x1  }
0x1: {  	s1 =	rddreg [dreg:$0x0]  }
0x2: {  	s0 =	rddreg [dreg:$0x1]  }
0x3: {  	s2 =	rddreg [dreg:$0x2];
	s3 =	srdreg.scid  }
0x4: {  	s22 =	rddreg [dreg:$0x3];
	s4 =	sand.u32 $0x1, s3  }
0x5: {  	s19 =	stileid.u32;
	s3 =	simm.s32 $0x0;
	s5 =	sshll.u32 s4, $0x4  }
0x6: {  	[smem:$0x7FF] =	sst s3;
	s20 =	sor.u32 s19, s5  }
0x7: {  	s6 =	ssub.s32 $0x2, s4;
	s7 =	sshll.u32 s20, $0x4;
	s24 =	sshll.u32 s20, $0xA  }
0x8: {  	_ =	strace $0x80000047;
	s0 =	sadd.s32 s0, s7;
	[smem:$0x7FC] =	sst s24  }
0x9: {  	s25 =	sshrl.u32 s6, $0x1;
	s28 =	sor.u32 $0x80, s24;
	[dreg:$0x7] =	wrdreg s0  }
0xa: {  	s21 =	ssub.s32 s6, s25;
	s29 =	sor.u32 $0x100, s24;
	[dreg:$0xb] =	wrdreg s28  }
0xb: {  	p0 =	sne.s32 s19, $0x0;
	s31 =	smax.u32 s21, $0x1;
	[dreg:$0xd] =	wrdreg s29  }
0xc: {  	s26 =	sshll.u32 s4, $0x1;
	s4 =	sor.u32 $0x200, s24;
	[smem:$0x7D5] =	sst s31  }
0xd: {  	s30 =	sshll.u32 s19, $0x4;
	s19 =	sor.u32 $0x280, s24;
	[dreg:$0x11] =	wrdreg s4  }
0xe: {  	s21 =	sor.u32 $0x300, s24;
	[dreg:$0x13] =	wrdreg s19  }
0xf: {  	s23 =	sor.u32 $0x10, s24;
	[dreg:$0x1c] =	wrdreg s21  }
0x10: {  	s25 =	sor.u32 $0x110, s24;
	[smem:$0x7D7] =	sst s23  }
0x11: {  	s0 =	sadd.s32 s2, s26;
	[dreg:$0x8] =	wrdreg s25  }
0x12: {  	s2 =	sor.u32 $0x180, s24;
	[dreg:$0x5] =	wrdreg s0  }
0x13: {  	s23 =	sor.u32 $0x90, s24;
	[dreg:$0xf] =	wrdreg s2  }
0x14: {  	s26 =	sor.u32 $0x190, s24;
	[dreg:$0x6] =	wrdreg s23  }
0x15: {  	s28 =	sor.u32 $0x210, s24;
	[dreg:$0xa] =	wrdreg s26  }
0x16: {  	s29 =	sor.u32 $0x290, s24;
	[dreg:$0xc] =	wrdreg s28  }
0x17: {  	s31 =	sor.u32 $0x390, s24;
	[dreg:$0xe] =	wrdreg s29  }
0x18: {  	s4 =	sor.u32 $0xA0, s24;
	[dreg:$0x12] =	wrdreg s31  }
0x19: {  	s19 =	sor.u32 $0x120, s24;
	[dreg:$0x15] =	wrdreg s4  }
0x1a: {  	s21 =	sor.u32 $0x1A0, s24;
	[dreg:$0x16] =	wrdreg s19  }
0x1b: {  	s25 =	sor.u32 $0x320, s24;
	[dreg:$0x17] =	wrdreg s21  }
0x1c: {  	s0 =	sadd.s32 s30, s22;
	[dreg:$0x1a] =	wrdreg s25  }
0x1d: {  	s22 =	sor.u32 $0x380, s24;
	[dreg:$0x9] =	wrdreg s0  }
0x1e: {  	s30 =	sor.u32 $0x310, s24;
	[smem:$0x7D6] =	sst s22  }
0x1f: {  	s2 =	sor.u32 $0x20, s24;
	[dreg:$0x10] =	wrdreg s30  }
0x20: {  	s23 =	sor.u32 $0x2A0, s24;
	[dreg:$0x14] =	wrdreg s2  }
0x21: {  	s26 =	sor.u32 $0x3A0, s24;
	[dreg:$0x19] =	wrdreg s23  }
0x22: {  	s28 =	sor.u32 $0x30, s24;
	[dreg:$0x1b] =	wrdreg s26  }
0x23: {  	s29 =	sor.u32 $0xB0, s24;
	[dreg:$0x1d] =	wrdreg s28  }
0x24: {  	s31 =	sor.u32 $0x1B0, s24;
	[dreg:$0x1e] =	wrdreg s29  }
0x25: {  	s4 =	sor.u32 $0x2B0, s24;
	[smem:$0x7D8] =	sst s31  }
0x26: {  	s19 =	sor.u32 $0x330, s24;
	[smem:$0x7DA] =	sst s4  }
0x27: {  	s21 =	sor.u32 $0x3B0, s24;
	[smem:$0x7DB] =	sst s19  }
0x28: {  	s25 =	sor.u32 $0x140, s24;
	[smem:$0x7DC] =	sst s21  }
0x29: {  	s22 =	sor.u32 $0x220, s24;
	[smem:$0x7DF] =	sst s25  }
0x2a: {  	s30 =	sor.u32 $0x130, s24;
	[dreg:$0x18] =	wrdreg s22  }
0x2b: {  	s2 =	sor.u32 $0x230, s24;
	[dreg:$0x1f] =	wrdreg s30  }
0x2c: {  	s23 =	sor.u32 $0xC0, s24;
	[smem:$0x7D9] =	sst s2  }
0x2d: {  	s26 =	sor.u32 $0x1C0, s24;
	[smem:$0x7DE] =	sst s23  }
0x2e: {  	s28 =	sor.u32 $0x240, s24;
	[smem:$0x7E0] =	sst s26  }
0x2f: {  	s29 =	sor.u32 $0x2C0, s24;
	[smem:$0x7E1] =	sst s28  }
0x30: {  	s31 =	sor.u32 $0x3C0, s24;
	[smem:$0x7E2] =	sst s29  }
0x31: {  	s4 =	sor.u32 $0xD0, s24;
	[smem:$0x7E4] =	sst s31  }
0x32: {  	s19 =	sor.u32 $0x150, s24;
	[smem:$0x7E6] =	sst s4  }
0x33: {  	s21 =	sor.u32 $0x1D0, s24;
	[smem:$0x7E7] =	sst s19  }
0x34: {  	s25 =	sor.u32 $0x350, s24;
	[smem:$0x7E8] =	sst s21  }
0x35: {  	s22 =	sor.u32 $0x40, s24;
	[smem:$0x7EB] =	sst s25  }
0x36: {  	v0 =	vimm.s32 $0xFEDCBA98;
	v1 =	vimm.s32 $0x76543210;
	s30 =	sor.u32 $0x340, s24;
	[smem:$0x7DD] =	sst s22  }
0x37: {  	v3 =	vlaneseq.u32;
	v61 =	vimm.s32 $0xBA98FEDC;
	v2 =	vunpack.c.l.s4.s8 v0;
	s2 =	sor.u32 $0x50, s24;
	[smem:$0x7E3] =	sst s30  }
0x38: {  	v5 =	vimm.s32 $0x32107654;
	vm1 =	vmmov $0x1;
	v4 =	vunpack.c.l.s4.s8 v1;
	s23 =	sor.u32 $0x2D0, s24;
	[smem:$0x7E5] =	sst s2  }
0x39: {  	v63 =	vimm.s32 $0x54761032;
	s8 =	sadd.s32 $0x400, s1;
	v43 =	vand.u32 $0x7, v3;
	v2 =	vunpack.c.0.s8.s32 v2;
	s26 =	sor.u32 $0x3D0, s24;
	[smem:$0x7EA] =	sst s23  }
0x3a: {  	s9 =	sadd.s32 $0x500, s1;
	v1 =	vshrl.u32 v3, $0x3;
	v0 =	vimm.s32 $0x0;
	v3 =	vunpack.c.0.s8.s32 v4;
	s28 =	sor.u32 $0x60, s24;
	[smem:$0x7EC] =	sst s26  }
0x3b: {  	s10 =	sadd.s32 $0x600, s1;
	v0 =	vsel vm1, $0xFFFFFFFF, v0;
	v2 =	vand.u32 $0xF, v2;
	s29 =	sor.u32 $0xE0, s24;
	[smem:$0x7ED] =	sst s28  }
0x3c: {  	s11 =	sadd.s32 $0x700, s1;
	v62 =	vunpack.c.l.s4.s8 v5;
	[tilespmem:$0x1FFA0] =	vst v0;
	v0 =	vcombine.low v2, v3;
	v3 =	vunpack.c.l.s4.s8 v61;
	s31 =	sor.u32 $0x1E0, s24;
	[smem:$0x7EE] =	sst s29  }
0x3d: {  	s12 =	sadd.s32 $0x800, s1;
	v5 =	vunpack.c.l.s4.s8 v63;
	v2 =	vimm.s32 $0xDCFE98BA;
	s4 =	sor.u32 $0x2E0, s24;
	[smem:$0x7F0] =	sst s31  }
0x3e: {  	s13 =	sadd.s32 $0x900, s1;
	v4 =	vunpack.c.0.s8.s32 v62;
	v2 =	vunpack.c.l.s4.s8 v2;
	v3 =	vunpack.c.0.s8.s32 v3;
	s19 =	sor.u32 $0x360, s24;
	[smem:$0x7F2] =	sst s4  }
0x3f: {  	s14 =	sadd.s32 $0xA00, s1;
	s21 =	sor.u32 $0x3E0, s24;
	[smem:$0x7F3] =	sst s19  }
0x40: {  	s15 =	sadd.s32 $0xB00, s1;
	v5 =	vunpack.c.0.s8.s32 v5;
	[tilespmem:$0x1FFB0] =	vst v0;
	s25 =	sor.u32 $0x170, s24;
	v2 =	vunpack.c.0.s8.s32 v2;
	[smem:$0x7F4] =	sst s21;
	v0 =	vcombine.low v4, v3  }
0x41: {  	s22 =	sor.u32 $0x250, s24;
	s30 =	sor.u32 $0x160, s24;
	[smem:$0x7F7] =	sst s25  }
0x42: {  	v3 =	vimm.s32 $0xEFCDAB89;
	[smem:$0x7E9] =	sst s22;
	[tilespmem:$0x1FFC0] =	vst v0;
	v0 =	vcombine.low v5, v2;
	v2 =	vimm.s32 $0x67452301  }
0x43: {  	s16 =	sadd.s32 $0xC00, s1;
	s2 =	sor.u32 $0x260, s24;
	[smem:$0x7EF] =	sst s30;
	v3 =	vunpack.c.l.s4.s8 v3;
	v2 =	vunpack.c.l.s4.s8 v2  }
0x44: {  	s17 =	sadd.s32 $0xD00, s1;
	s23 =	sor.u32 $0xF0, s24;
	[smem:$0x7F1] =	sst s2  }
0x45: {  	s18 =	sadd.s32 $0xE00, s1;
	s26 =	sor.u32 $0x1F0, s24;
	[smem:$0x7F6] =	sst s23;
	v3 =	vunpack.c.0.s8.s32 v3;
	v2 =	vunpack.c.0.s8.s32 v2  }
0x46: {  	s5 =	sadd.s32 $0x100, s1;
	s28 =	sor.u32 $0x270, s24;
	[smem:$0x7F8] =	sst s26  }
.Ltmp0:
0x47: {  	s29 =	sor.u32 $0x2F0, s24;
	[smem:$0x7F9] =	sst s28;
	[tilespmem:$0x1FFD0] =	vst v0;
	v0 =	vcombine.low v2, v3;
	(pc) =	sbr.rel .LBB2_1-.Ltmp0, $4  }
0x48: {  	s6 =	sadd.s32 $0x200, s1;
	s31 =	sor.u32 $0x3F0, s24;
	[smem:$0x7FA] =	sst s29  }
0x49: {  	vm1 =	vmmov $0x7fff;
	s20 =	sadd.s32 $0xF00, s1;
	s22 =	sor.u32 $0x70, s24;
	[smem:$0x7FD] =	sst s31;
	[tilespmem:$0x1FFE0] =	vst v0;
	v0 =	vimm.s32 $0x0  }
0x4a: {  	s7 =	sadd.s32 $0x300, s1;
	s30 =	sor.u32 $0x370, s24;
	[smem:$0x7F5] =	sst s22;
	v0 =	vsel vm1, $0xFFFFFFFF, v0  }
0x4b: {  	vm0 =	vmmov $0xffff;
	v1 =	vmul.u32 $0x8, v1;
	s23 =	simm.s32 $0x1;
	s26 =	simm.s32 $0x2;
	[smem:$0x7FB] =	sst s30;
	[tilespmem:$0x1FFF0] =	vst v0  }
.LBB2_3:
0x4c: {  	s0 =	sld [smem:$0x7D5];
	_ =	sdelay $0x2  }
0x4d: {  	s0 =	sadd.s32 $0xFFFFFFFF, s0  }
0x4e: {  	p1 =	sne.s32 s0, $0x0  }
.Ltmp1:
0x4f: {  	_ = 	snop;
	(pc) =	sbr.rel @!p1 .LBB2_4-.Ltmp1, $2  }
0x50: {  	_ =	sdelay $0x2  }
0x51: {  	[smem:$0x7D5] =	sst s0  }
.LBB2_1:
0x52: {  	s19 =	rddreg [dreg:$0x7];
	s0 =	simm.s32 $0x3  }
0x53: {  	[tilespmem:s3], [sflag:$0x3] =	stream.linear.gather [hbm4b:s19+s3], $0x80, $0x38;
	[tilespmem:$0x10310] =	vst v63  }
0x54: {  	_ =	swait.ge [sflag:s0], $0x80  }
0x55: {  	[sflag:s0] =	ssyncset.done $0x0  }
0x56: {  	[sflag:s0] =	ssyncadd.s32 $0xFFFFFF80  }
0x57: {  	v2 =	vld.msk [tilespmem:$0x0], $0xff;
	_ =	sdelay $0x4  }
0x58: {  	v3 =	vshll.u32 v2, $0x5  }
0x59: {  	v4 =	vand.u32 $0x7, v2;
	v3 =	vand.u32 $0xFFFFFF00, v3  }
0x5a: {  	v3 =	vor.u32 v4, v3  }
0x5b: {  	v3 =	vperm.xlane v3, v43;
	_ =	sdelay $0x1  }
0x5c: {  	v3 =	vadd.s32 v1, v3;
	_ =	sdelay $0x2  }
0x5d: {  	s2 =	simm.s32 $0x80  }
0x5e: {  	s4 =	simm.s32 $0x180;
	[tilespmem:s2+$0x0] =	vst.msk $0xff, v2  }
0x5f: {  	[tilespmem:s4], [sflag:$0x1] =	stream.indirect_vreg.gather [hbm4b:s1+s3], $0x80, v3, vm0, $0xb8;
	[tilespmem:$0x10310] =	vst v63  }
0x60: {  	s19 =	simm.s32 $0x980  }
0x61: {  	[tilespmem:s19], [sflag:$0x1] =	stream.indirect_vreg.gather [hbm4b:s5+s3], $0x80, v3, vm0, $0xb8;
	[tilespmem:$0x10310] =	vst v63  }
0x62: {  	s21 =	simm.s32 $0x1180  }
0x63: {  	[tilespmem:s21], [sflag:$0x1] =	stream.indirect_vreg.gather [hbm4b:s6+s3], $0x80, v3, vm0, $0xb8;
	[tilespmem:$0x10310] =	vst v63  }
0x64: {  	s22 =	simm.s32 $0x1980  }
0x65: {  	[tilespmem:s22], [sflag:$0x1] =	stream.indirect_vreg.gather [hbm4b:s7+s3], $0x80, v3, vm0, $0xb8;
	[tilespmem:$0x10310] =	vst v63  }
0x66: {  	s24 =	simm.s32 $0x2180  }
0x67: {  	[tilespmem:s24], [sflag:$0x1] =	stream.indirect_vreg.gather [hbm4b:s8+s3], $0x80, v3, vm0, $0xb8;
	[tilespmem:$0x10310] =	vst v63  }
0x68: {  	s25 =	simm.s32 $0x2980  }
0x69: {  	[tilespmem:s25], [sflag:$0x1] =	stream.indirect_vreg.gather [hbm4b:s9+s3], $0x80, v3, vm0, $0xb8;
	[tilespmem:$0x10310] =	vst v63  }
0x6a: {  	s28 =	simm.s32 $0x3180  }
0x6b: {  	[tilespmem:s28], [sflag:$0x1] =	stream.indirect_vreg.gather [hbm4b:s10+s3], $0x80, v3, vm0, $0xb8;
	[tilespmem:$0x10310] =	vst v63  }
0x6c: {  	s29 =	simm.s32 $0x3980  }
0x6d: {  	[tilespmem:s29], [sflag:$0x1] =	stream.indirect_vreg.gather [hbm4b:s11+s3], $0x80, v3, vm0, $0xb8;
	[tilespmem:$0x10310] =	vst v63  }
0x6e: {  	s30 =	simm.s32 $0x4180  }
0x6f: {  	[tilespmem:s30], [sflag:$0x1] =	stream.indirect_vreg.gather [hbm4b:s12+s3], $0x80, v3, vm0, $0xb8;
	[tilespmem:$0x10310] =	vst v63  }
0x70: {  	s31 =	simm.s32 $0x4980  }
0x71: {  	[tilespmem:s31], [sflag:$0x1] =	stream.indirect_vreg.gather [hbm4b:s13+s3], $0x80, v3, vm0, $0xb8;
	[tilespmem:$0x10310] =	vst v63  }
0x72: {  	s2 =	simm.s32 $0x5180  }
0x73: {  	[tilespmem:s2], [sflag:$0x1] =	stream.indirect_vreg.gather [hbm4b:s14+s3], $0x80, v3, vm0, $0xb8;
	[tilespmem:$0x10310] =	vst v63  }
0x74: {  	s4 =	simm.s32 $0x5980  }
0x75: {  	[tilespmem:s4], [sflag:$0x1] =	stream.indirect_vreg.gather [hbm4b:s15+s3], $0x80, v3, vm0, $0xb8;
	[tilespmem:$0x10310] =	vst v63  }
0x76: {  	s19 =	simm.s32 $0x6180  }
0x77: {  	[tilespmem:s19], [sflag:$0x1] =	stream.indirect_vreg.gather [hbm4b:s16+s3], $0x80, v3, vm0, $0xb8;
	[tilespmem:$0x10310] =	vst v63  }
0x78: {  	s21 =	simm.s32 $0x6980  }
0x79: {  	[tilespmem:s21], [sflag:$0x1] =	stream.indirect_vreg.gather [hbm4b:s17+s3], $0x80, v3, vm0, $0xb8;
	[tilespmem:$0x10310] =	vst v63  }
0x7a: {  	s22 =	simm.s32 $0x7180  }
0x7b: {  	[tilespmem:s22], [sflag:$0x1] =	stream.indirect_vreg.gather [hbm4b:s18+s3], $0x80, v3, vm0, $0xb8;
	[tilespmem:$0x10310] =	vst v63  }
0x7c: {  	s24 =	simm.s32 $0x7980  }
0x7d: {  	[tilespmem:s24], [sflag:$0x1] =	stream.indirect_vreg.gather [hbm4b:s20+s3], $0x80, v3, vm0, $0xb8;
	[tilespmem:$0x10310] =	vst v63  }
0x7e: {  	v2 =	vld.msk [tilespmem:$0x8], $0xff;
	_ =	sdelay $0x4  }
0x7f: {  	v3 =	vshll.u32 v2, $0x5  }
0x80: {  	v32 =	vand.u32 $0x7, v2;
	v3 =	vand.u32 $0xFFFFFF00, v3  }
0x81: {  	v3 =	vor.u32 v32, v3  }
0x82: {  	v3 =	vperm.xlane v3, v43;
	_ =	sdelay $0x1  }
0x83: {  	v3 =	vadd.s32 v1, v3;
	_ =	sdelay $0x2  }
0x84: {  	s28 =	simm.s32 $0x100  }
0x85: {  	s30 =	simm.s32 $0x8180;
	[tilespmem:s28+$0x0] =	vst.msk $0xff, v2  }
0x86: {  	[tilespmem:s30], [sflag:$0x2] =	stream.indirect_vreg.gather [hbm4b:s1+s3], $0x80, v3, vm0, $0xb8;
	[tilespmem:$0x10310] =	vst v63  }
0x87: {  	s31 =	simm.s32 $0x8980  }
0x88: {  	[tilespmem:s31], [sflag:$0x2] =	stream.indirect_vreg.gather [hbm4b:s5+s3], $0x80, v3, vm0, $0xb8;
	[tilespmem:$0x10310] =	vst v63  }
0x89: {  	s2 =	simm.s32 $0x9180  }
0x8a: {  	[tilespmem:s2], [sflag:$0x2] =	stream.indirect_vreg.gather [hbm4b:s6+s3], $0x80, v3, vm0, $0xb8;
	[tilespmem:$0x10310] =	vst v63  }
0x8b: {  	s4 =	simm.s32 $0x9980  }
0x8c: {  	[tilespmem:s4], [sflag:$0x2] =	stream.indirect_vreg.gather [hbm4b:s7+s3], $0x80, v3, vm0, $0xb8;
	[tilespmem:$0x10310] =	vst v63  }
0x8d: {  	s19 =	simm.s32 $0xA180  }
0x8e: {  	[tilespmem:s19], [sflag:$0x2] =	stream.indirect_vreg.gather [hbm4b:s8+s3], $0x80, v3, vm0, $0xb8;
	[tilespmem:$0x10310] =	vst v63  }
0x8f: {  	s22 =	simm.s32 $0xA980  }
0x90: {  	[tilespmem:s22], [sflag:$0x2] =	stream.indirect_vreg.gather [hbm4b:s9+s3], $0x80, v3, vm0, $0xb8;
	[tilespmem:$0x10310] =	vst v63  }
0x91: {  	s24 =	simm.s32 $0xB180  }
0x92: {  	[tilespmem:s24], [sflag:$0x2] =	stream.indirect_vreg.gather [hbm4b:s10+s3], $0x80, v3, vm0, $0xb8;
	[tilespmem:$0x10310] =	vst v63  }
0x93: {  	s28 =	simm.s32 $0xB980  }
0x94: {  	[tilespmem:s28], [sflag:$0x2] =	stream.indirect_vreg.gather [hbm4b:s11+s3], $0x80, v3, vm0, $0xb8;
	[tilespmem:$0x10310] =	vst v63  }
0x95: {  	s30 =	simm.s32 $0xC180  }
0x96: {  	[tilespmem:s30], [sflag:$0x2] =	stream.indirect_vreg.gather [hbm4b:s12+s3], $0x80, v3, vm0, $0xb8;
	[tilespmem:$0x10310] =	vst v63  }
0x97: {  	s31 =	simm.s32 $0xC980  }
0x98: {  	[tilespmem:s31], [sflag:$0x2] =	stream.indirect_vreg.gather [hbm4b:s13+s3], $0x80, v3, vm0, $0xb8;
	[tilespmem:$0x10310] =	vst v63  }
0x99: {  	s2 =	simm.s32 $0xD180  }
0x9a: {  	[tilespmem:s2], [sflag:$0x2] =	stream.indirect_vreg.gather [hbm4b:s14+s3], $0x80, v3, vm0, $0xb8;
	[tilespmem:$0x10310] =	vst v63  }
0x9b: {  	s4 =	simm.s32 $0xD980  }
0x9c: {  	[tilespmem:s4], [sflag:$0x2] =	stream.indirect_vreg.gather [hbm4b:s15+s3], $0x80, v3, vm0, $0xb8;
	[tilespmem:$0x10310] =	vst v63  }
0x9d: {  	s19 =	simm.s32 $0xE180  }
0x9e: {  	[tilespmem:s19], [sflag:$0x2] =	stream.indirect_vreg.gather [hbm4b:s16+s3], $0x80, v3, vm0, $0xb8;
	[tilespmem:$0x10310] =	vst v63  }
0x9f: {  	s22 =	simm.s32 $0xE980  }
0xa0: {  	[tilespmem:s22], [sflag:$0x2] =	stream.indirect_vreg.gather [hbm4b:s17+s3], $0x80, v3, vm0, $0xb8;
	[tilespmem:$0x10310] =	vst v63  }
0xa1: {  	s24 =	simm.s32 $0xF180  }
0xa2: {  	[tilespmem:s24], [sflag:$0x2] =	stream.indirect_vreg.gather [hbm4b:s18+s3], $0x80, v3, vm0, $0xb8;
	[tilespmem:$0x10310] =	vst v63  }
0xa3: {  	s28 =	simm.s32 $0xF980  }
0xa4: {  	[tilespmem:s28], [sflag:$0x2] =	stream.indirect_vreg.gather [hbm4b:s20+s3], $0x80, v3, vm0, $0xb8;
	[tilespmem:$0x10310] =	vst v63  }
0xa5: {  	_ =	swait.ge [sflag:s23], $0x8000  }
0xa6: {  	s31 =	sld [smem:$0x7FC]  }
0xa7: {  	[sflag:s23] =	ssyncset.done $0x0  }
0xa8: {  	[sflag:s23] =	ssyncadd.s32 $0xFFFF8000  }
0xa9: {  	v0 =	vld [tilespmem:s31+$0x180];
	_ =	sdelay $0x3  }
0xaa: {  	s19 =	rddreg [dreg:$0xb]  }
0xab: {  	[tilespmem:$0x1FE50] =	vst v0;
	v0 =	vld [tilespmem:s19+$0x180];
	_ =	sdelay $0x1  }
0xac: {  	v2 =	vld.msk [tilespmem:$0x10], $0xff;
	_ =	sdelay $0x1  }
0xad: {  	s28 =	rddreg [dreg:$0xd]  }
0xae: {  	[tilespmem:$0x1FE60] =	vst v0;
	v0 =	vld [tilespmem:s28+$0x180];
	_ =	sdelay $0x1  }
0xaf: {  	v3 =	vshll.u32 v2, $0x5  }
0xb0: {  	v33 =	vand.u32 $0x7, v2;
	v3 =	vand.u32 $0xFFFFFF00, v3  }
0xb1: {  	s0 =	rddreg [dreg:$0xf];
	v3 =	vor.u32 v33, v3  }
0xb2: {  	v3 =	vperm.xlane v3, v43;
	[tilespmem:$0x1FE70] =	vst v0;
	v0 =	vld [tilespmem:s0+$0x180]  }
0xb3: {  	s2 =	rddreg [dreg:$0x11]  }
0xb4: {  	s22 =	rddreg [dreg:$0x13];
	v3 =	vadd.s32 v1, v3  }
0xb5: {  	s30 =	sld [smem:$0x7D6];
	v42 =	vld [tilespmem:s2+$0x180]  }
0xb6: {  	s4 =	rddreg [dreg:$0x1c];
	v41 =	vld [tilespmem:s22+$0x180]  }
0xb7: {  	s24 =	simm.s32 $0x80;
	v39 =	vld [tilespmem:s4+$0x180];
	[tilespmem:$0x1FE80] =	vst v0  }
0xb8: {  	v0 =	vld [tilespmem:s30+$0x180];
	[tilespmem:s24+$0x0] =	vst.msk $0xff, v2;
	s24 =	simm.s32 $0x180  }
0xb9: {  	[tilespmem:s24], [sflag:$0x1] =	stream.indirect_vreg.gather [hbm4b:s1+s3], $0x80, v3, vm0, $0xb8;
	[tilespmem:$0x10310] =	vst v63  }
0xba: {  	s24 =	simm.s32 $0x980  }
0xbb: {  	[tilespmem:s24], [sflag:$0x1] =	stream.indirect_vreg.gather [hbm4b:s5+s3], $0x80, v3, vm0, $0xb8;
	[tilespmem:$0x10310] =	vst v63  }
0xbc: {  	s24 =	simm.s32 $0x1180  }
0xbd: {  	[tilespmem:s24], [sflag:$0x1] =	stream.indirect_vreg.gather [hbm4b:s6+s3], $0x80, v3, vm0, $0xb8;
	[tilespmem:$0x10310] =	vst v63  }
0xbe: {  	s24 =	simm.s32 $0x1980  }
0xbf: {  	[tilespmem:s24], [sflag:$0x1] =	stream.indirect_vreg.gather [hbm4b:s7+s3], $0x80, v3, vm0, $0xb8;
	[tilespmem:$0x10310] =	vst v63  }
0xc0: {  	s24 =	simm.s32 $0x2180  }
0xc1: {  	[tilespmem:s24], [sflag:$0x1] =	stream.indirect_vreg.gather [hbm4b:s8+s3], $0x80, v3, vm0, $0xb8;
	[tilespmem:$0x10310] =	vst v63  }
0xc2: {  	s24 =	simm.s32 $0x2980  }
0xc3: {  	[tilespmem:s24], [sflag:$0x1] =	stream.indirect_vreg.gather [hbm4b:s9+s3], $0x80, v3, vm0, $0xb8;
	[tilespmem:$0x10310] =	vst v63  }
0xc4: {  	s24 =	simm.s32 $0x3180  }
0xc5: {  	[tilespmem:s24], [sflag:$0x1] =	stream.indirect_vreg.gather [hbm4b:s10+s3], $0x80, v3, vm0, $0xb8;
	[tilespmem:$0x10310] =	vst v63  }
0xc6: {  	s24 =	simm.s32 $0x3980  }
0xc7: {  	[tilespmem:s24], [sflag:$0x1] =	stream.indirect_vreg.gather [hbm4b:s11+s3], $0x80, v3, vm0, $0xb8;
	[tilespmem:$0x10310] =	vst v63  }
0xc8: {  	s24 =	simm.s32 $0x4180  }
0xc9: {  	[tilespmem:s24], [sflag:$0x1] =	stream.indirect_vreg.gather [hbm4b:s12+s3], $0x80, v3, vm0, $0xb8;
	[tilespmem:$0x10310] =	vst v63  }
0xca: {  	s24 =	simm.s32 $0x4980  }
0xcb: {  	[tilespmem:s24], [sflag:$0x1] =	stream.indirect_vreg.gather [hbm4b:s13+s3], $0x80, v3, vm0, $0xb8;
	[tilespmem:$0x10310] =	vst v63  }
0xcc: {  	s24 =	simm.s32 $0x5180  }
0xcd: {  	[tilespmem:s24], [sflag:$0x1] =	stream.indirect_vreg.gather [hbm4b:s14+s3], $0x80, v3, vm0, $0xb8;
	[tilespmem:$0x10310] =	vst v63  }
0xce: {  	s24 =	simm.s32 $0x5980  }
0xcf: {  	[tilespmem:s24], [sflag:$0x1] =	stream.indirect_vreg.gather [hbm4b:s15+s3], $0x80, v3, vm0, $0xb8;
	[tilespmem:$0x10310] =	vst v63  }
0xd0: {  	s29 =	simm.s32 $0x6180  }
0xd1: {  	[tilespmem:s29], [sflag:$0x1] =	stream.indirect_vreg.gather [hbm4b:s16+s3], $0x80, v3, vm0, $0xb8;
	[tilespmem:$0x10310] =	vst v63  }
0xd2: {  	s25 =	simm.s32 $0x6980  }
0xd3: {  	[tilespmem:s25], [sflag:$0x1] =	stream.indirect_vreg.gather [hbm4b:s17+s3], $0x80, v3, vm0, $0xb8;
	[tilespmem:$0x10310] =	vst v63  }
0xd4: {  	s29 =	simm.s32 $0x7180  }
0xd5: {  	[tilespmem:s29], [sflag:$0x1] =	stream.indirect_vreg.gather [hbm4b:s18+s3], $0x80, v3, vm0, $0xb8;
	[tilespmem:$0x10310] =	vst v63  }
0xd6: {  	s21 =	simm.s32 $0x7980  }
0xd7: {  	[tilespmem:s21], [sflag:$0x1] =	stream.indirect_vreg.gather [hbm4b:s20+s3], $0x80, v3, vm0, $0xb8;
	[tilespmem:$0x10310] =	vst v63  }
0xd8: {  	_ =	swait.ge [sflag:s26], $0x8000  }
0xd9: {  	[sflag:s26] =	ssyncset.done $0x0  }
0xda: {  	[sflag:s26] =	ssyncadd.s32 $0xFFFF8000  }
0xdb: {  	v3 =	vld.msk [tilespmem:$0x18], $0xff;
	_ =	sdelay $0x4  }
0xdc: {  	v2 =	vshll.u32 v3, $0x5  }
0xdd: {  	v34 =	vand.u32 $0x7, v3;
	v5 =	vand.u32 $0xFFFFFF00, v2  }
0xde: {  	v25 =	vld [tilespmem:s31+$0x8180];
	v4 =	vor.u32 v34, v5  }
0xdf: {  	v35 =	vld [tilespmem:s28+$0x8180];
	v4 =	vperm.xlane v4, v43  }
0xe0: {  	v36 =	vld [tilespmem:s0+$0x8180]  }
0xe1: {  	v37 =	vld [tilespmem:s2+$0x8180];
	v4 =	vadd.s32 v1, v4  }
0xe2: {  	v38 =	vld [tilespmem:s22+$0x8180]  }
0xe3: {  	v40 =	vld [tilespmem:s4+$0x8180]  }
0xe4: {  	v2 =	vld [tilespmem:s19+$0x8180];
	s19 =	simm.s32 $0x100  }
0xe5: {  	s21 =	simm.s32 $0x8180;
	v44 =	vld [tilespmem:s30+$0x8180];
	[tilespmem:s19+$0x0] =	vst.msk $0xff, v3  }
0xe6: {  	[tilespmem:s21], [sflag:$0x2] =	stream.indirect_vreg.gather [hbm4b:s1+s3], $0x80, v4, vm0, $0xb8;
	[tilespmem:$0x10310] =	vst v63  }
0xe7: {  	s22 =	simm.s32 $0x8980  }
0xe8: {  	[tilespmem:s22], [sflag:$0x2] =	stream.indirect_vreg.gather [hbm4b:s5+s3], $0x80, v4, vm0, $0xb8;
	[tilespmem:$0x10310] =	vst v63  }
0xe9: {  	s24 =	simm.s32 $0x9180  }
0xea: {  	[tilespmem:s24], [sflag:$0x2] =	stream.indirect_vreg.gather [hbm4b:s6+s3], $0x80, v4, vm0, $0xb8;
	[tilespmem:$0x10310] =	vst v63  }
0xeb: {  	s25 =	simm.s32 $0x9980  }
0xec: {  	[tilespmem:s25], [sflag:$0x2] =	stream.indirect_vreg.gather [hbm4b:s7+s3], $0x80, v4, vm0, $0xb8;
	[tilespmem:$0x10310] =	vst v63  }
0xed: {  	s28 =	simm.s32 $0xA180  }
0xee: {  	[tilespmem:s28], [sflag:$0x2] =	stream.indirect_vreg.gather [hbm4b:s8+s3], $0x80, v4, vm0, $0xb8;
	[tilespmem:$0x10310] =	vst v63  }
0xef: {  	s29 =	simm.s32 $0xA980  }
0xf0: {  	[tilespmem:s29], [sflag:$0x2] =	stream.indirect_vreg.gather [hbm4b:s9+s3], $0x80, v4, vm0, $0xb8;
	[tilespmem:$0x10310] =	vst v63  }
0xf1: {  	s30 =	simm.s32 $0xB180  }
0xf2: {  	[tilespmem:s30], [sflag:$0x2] =	stream.indirect_vreg.gather [hbm4b:s10+s3], $0x80, v4, vm0, $0xb8;
	[tilespmem:$0x10310] =	vst v63  }
0xf3: {  	s31 =	simm.s32 $0xB980  }
0xf4: {  	[tilespmem:s31], [sflag:$0x2] =	stream.indirect_vreg.gather [hbm4b:s11+s3], $0x80, v4, vm0, $0xb8;
	[tilespmem:$0x10310] =	vst v63  }
0xf5: {  	s2 =	simm.s32 $0xC180  }
0xf6: {  	[tilespmem:s2], [sflag:$0x2] =	stream.indirect_vreg.gather [hbm4b:s12+s3], $0x80, v4, vm0, $0xb8;
	[tilespmem:$0x10310] =	vst v63  }
0xf7: {  	s4 =	simm.s32 $0xC980  }
0xf8: {  	[tilespmem:s4], [sflag:$0x2] =	stream.indirect_vreg.gather [hbm4b:s13+s3], $0x80, v4, vm0, $0xb8;
	[tilespmem:$0x10310] =	vst v63  }
0xf9: {  	[tilespmem:$0x1FE90] =	vst v35;
	s19 =	simm.s32 $0xD180  }
0xfa: {  	[tilespmem:s19], [sflag:$0x2] =	stream.indirect_vreg.gather [hbm4b:s14+s3], $0x80, v4, vm0, $0xb8;
	[tilespmem:$0x10310] =	vst v63  }
0xfb: {  	[tilespmem:$0x1FEA0] =	vst v36;
	s21 =	simm.s32 $0xD980  }
0xfc: {  	[tilespmem:s21], [sflag:$0x2] =	stream.indirect_vreg.gather [hbm4b:s15+s3], $0x80, v4, vm0, $0xb8;
	[tilespmem:$0x10310] =	vst v63  }
0xfd: {  	[tilespmem:$0x1FEB0] =	vst v37;
	s22 =	simm.s32 $0xE180  }
0xfe: {  	[tilespmem:s22], [sflag:$0x2] =	stream.indirect_vreg.gather [hbm4b:s16+s3], $0x80, v4, vm0, $0xb8;
	[tilespmem:$0x10310] =	vst v63  }
0xff: {  	[tilespmem:$0x1FEC0] =	vst v38;
	s24 =	simm.s32 $0xE980  }
0x100: {  	[tilespmem:s24], [sflag:$0x2] =	stream.indirect_vreg.gather [hbm4b:s17+s3], $0x80, v4, vm0, $0xb8;
	[tilespmem:$0x10310] =	vst v63  }
0x101: {  	[tilespmem:$0x1FED0] =	vst v40;
	s25 =	simm.s32 $0xF180  }
0x102: {  	[tilespmem:s25], [sflag:$0x2] =	stream.indirect_vreg.gather [hbm4b:s18+s3], $0x80, v4, vm0, $0xb8;
	[tilespmem:$0x10310] =	vst v63  }
0x103: {  	[tilespmem:$0x1FEE0] =	vst v44;
	s28 =	simm.s32 $0xF980  }
0x104: {  	[tilespmem:s28], [sflag:$0x2] =	stream.indirect_vreg.gather [hbm4b:s20+s3], $0x80, v4, vm0, $0xb8;
	[tilespmem:$0x10310] =	vst v63  }
0x105: {  	_ =	swait.ge [sflag:s23], $0x8000  }
0x106: {  	[sflag:s23] =	ssyncset.done $0x0  }
0x107: {  	[sflag:s23] =	ssyncadd.s32 $0xFFFF8000  }
0x108: {  	v3 =	vld.msk [tilespmem:$0x20], $0xff;
	_ =	sdelay $0x4  }
0x109: {  	s4 =	sld [smem:$0x7D7];
	v45 =	vshll.u32 v3, $0x5  }
0x10a: {  	s19 =	rddreg [dreg:$0x6];
	v46 =	vand.u32 $0x7, v3;
	v4 =	vand.u32 $0xFFFFFF00, v45  }
0x10b: {  	s31 =	rddreg [dreg:$0x8];
	v28 =	vld [tilespmem:s19+$0x180];
	v4 =	vor.u32 v46, v4  }
0x10c: {  	s30 =	rddreg [dreg:$0xa];
	v26 =	vld [tilespmem:s31+$0x180];
	v4 =	vperm.xlane v4, v43  }
0x10d: {  	s28 =	rddreg [dreg:$0xc];
	v47 =	vld [tilespmem:s30+$0x180]  }
0x10e: {  	s0 =	rddreg [dreg:$0xe];
	v48 =	vld [tilespmem:s28+$0x180];
	v4 =	vadd.s32 v1, v4  }
0x10f: {  	s2 =	rddreg [dreg:$0x10];
	v49 =	vld [tilespmem:s0+$0x180]  }
0x110: {  	s22 =	rddreg [dreg:$0x12];
	v50 =	vld [tilespmem:s2+$0x180]  }
0x111: {  	s21 =	simm.s32 $0x80;
	v51 =	vld [tilespmem:s22+$0x180]  }
0x112: {  	v30 =	vld [tilespmem:s4+$0x180];
	[tilespmem:s21+$0x0] =	vst.msk $0xff, v3;
	s21 =	simm.s32 $0x180  }
0x113: {  	[tilespmem:s21], [sflag:$0x1] =	stream.indirect_vreg.gather [hbm4b:s1+s3], $0x80, v4, vm0, $0xb8;
	[tilespmem:$0x10310] =	vst v63  }
0x114: {  	s21 =	simm.s32 $0x980  }
0x115: {  	[tilespmem:s21], [sflag:$0x1] =	stream.indirect_vreg.gather [hbm4b:s5+s3], $0x80, v4, vm0, $0xb8;
	[tilespmem:$0x10310] =	vst v63  }
0x116: {  	s21 =	simm.s32 $0x1180  }
0x117: {  	[tilespmem:s21], [sflag:$0x1] =	stream.indirect_vreg.gather [hbm4b:s6+s3], $0x80, v4, vm0, $0xb8;
	[tilespmem:$0x10310] =	vst v63  }
0x118: {  	s21 =	simm.s32 $0x1980  }
0x119: {  	[tilespmem:s21], [sflag:$0x1] =	stream.indirect_vreg.gather [hbm4b:s7+s3], $0x80, v4, vm0, $0xb8;
	[tilespmem:$0x10310] =	vst v63  }
0x11a: {  	s21 =	simm.s32 $0x2180  }
0x11b: {  	[tilespmem:s21], [sflag:$0x1] =	stream.indirect_vreg.gather [hbm4b:s8+s3], $0x80, v4, vm0, $0xb8;
	[tilespmem:$0x10310] =	vst v63  }
0x11c: {  	s21 =	simm.s32 $0x2980  }
0x11d: {  	[tilespmem:s21], [sflag:$0x1] =	stream.indirect_vreg.gather [hbm4b:s9+s3], $0x80, v4, vm0, $0xb8;
	[tilespmem:$0x10310] =	vst v63  }
0x11e: {  	s21 =	simm.s32 $0x3180  }
0x11f: {  	[tilespmem:s21], [sflag:$0x1] =	stream.indirect_vreg.gather [hbm4b:s10+s3], $0x80, v4, vm0, $0xb8;
	[tilespmem:$0x10310] =	vst v63  }
0x120: {  	s21 =	simm.s32 $0x3980  }
0x121: {  	[tilespmem:s21], [sflag:$0x1] =	stream.indirect_vreg.gather [hbm4b:s11+s3], $0x80, v4, vm0, $0xb8;
	[tilespmem:$0x10310] =	vst v63  }
0x122: {  	s21 =	simm.s32 $0x4180  }
0x123: {  	[tilespmem:s21], [sflag:$0x1] =	stream.indirect_vreg.gather [hbm4b:s12+s3], $0x80, v4, vm0, $0xb8;
	[tilespmem:$0x10310] =	vst v63  }
0x124: {  	s21 =	simm.s32 $0x4980  }
0x125: {  	[tilespmem:s21], [sflag:$0x1] =	stream.indirect_vreg.gather [hbm4b:s13+s3], $0x80, v4, vm0, $0xb8;
	[tilespmem:$0x10310] =	vst v63  }
0x126: {  	s21 =	simm.s32 $0x5180  }
0x127: {  	[tilespmem:s21], [sflag:$0x1] =	stream.indirect_vreg.gather [hbm4b:s14+s3], $0x80, v4, vm0, $0xb8;
	[tilespmem:$0x10310] =	vst v63  }
0x128: {  	[tilespmem:$0x1FEF0] =	vst v47;
	s21 =	simm.s32 $0x5980  }
0x129: {  	[tilespmem:s21], [sflag:$0x1] =	stream.indirect_vreg.gather [hbm4b:s15+s3], $0x80, v4, vm0, $0xb8;
	[tilespmem:$0x10310] =	vst v63  }
0x12a: {  	[tilespmem:$0x1FF00] =	vst v48;
	s21 =	simm.s32 $0x6180  }
0x12b: {  	[tilespmem:s21], [sflag:$0x1] =	stream.indirect_vreg.gather [hbm4b:s16+s3], $0x80, v4, vm0, $0xb8;
	[tilespmem:$0x10310] =	vst v63  }
0x12c: {  	[tilespmem:$0x1FF10] =	vst v49;
	s21 =	simm.s32 $0x6980  }
0x12d: {  	[tilespmem:s21], [sflag:$0x1] =	stream.indirect_vreg.gather [hbm4b:s17+s3], $0x80, v4, vm0, $0xb8;
	[tilespmem:$0x10310] =	vst v63  }
0x12e: {  	[tilespmem:$0x1FF20] =	vst v50;
	s21 =	simm.s32 $0x7180  }
0x12f: {  	[tilespmem:s21], [sflag:$0x1] =	stream.indirect_vreg.gather [hbm4b:s18+s3], $0x80, v4, vm0, $0xb8;
	[tilespmem:$0x10310] =	vst v63  }
0x130: {  	[tilespmem:$0x1FF30] =	vst v51;
	s21 =	simm.s32 $0x7980  }
0x131: {  	[tilespmem:s21], [sflag:$0x1] =	stream.indirect_vreg.gather [hbm4b:s20+s3], $0x80, v4, vm0, $0xb8;
	[tilespmem:$0x10310] =	vst v63  }
0x132: {  	_ =	swait.ge [sflag:s26], $0x8000  }
0x133: {  	[sflag:s26] =	ssyncset.done $0x0  }
0x134: {  	[sflag:s26] =	ssyncadd.s32 $0xFFFF8000  }
0x135: {  	v3 =	vld.msk [tilespmem:$0x28], $0xff;
	_ =	sdelay $0x4  }
0x136: {  	v52 =	vshll.u32 v3, $0x5  }
0x137: {  	v53 =	vand.u32 $0x7, v3;
	v4 =	vand.u32 $0xFFFFFF00, v52  }
0x138: {  	v36 =	vld [tilespmem:s4+$0x8180];
	v4 =	vor.u32 v53, v4  }
0x139: {  	v37 =	vld [tilespmem:s19+$0x8180];
	v4 =	vperm.xlane v4, v43  }
0x13a: {  	v35 =	vld [tilespmem:s31+$0x8180]  }
0x13b: {  	v34 =	vld [tilespmem:s30+$0x8180];
	v4 =	vadd.s32 v1, v4  }
0x13c: {  	v54 =	vld [tilespmem:s28+$0x8180]  }
0x13d: {  	v55 =	vld [tilespmem:s0+$0x8180]  }
0x13e: {  	v56 =	vld [tilespmem:s2+$0x8180];
	s30 =	simm.s32 $0x100  }
0x13f: {  	v57 =	vld [tilespmem:s22+$0x8180];
	s31 =	simm.s32 $0x8180;
	[tilespmem:s30+$0x0] =	vst.msk $0xff, v3  }
0x140: {  	[tilespmem:s31], [sflag:$0x2] =	stream.indirect_vreg.gather [hbm4b:s1+s3], $0x80, v4, vm0, $0xb8;
	[tilespmem:$0x10310] =	vst v63  }
0x141: {  	s2 =	simm.s32 $0x8980  }
0x142: {  	[tilespmem:s2], [sflag:$0x2] =	stream.indirect_vreg.gather [hbm4b:s5+s3], $0x80, v4, vm0, $0xb8;
	[tilespmem:$0x10310] =	vst v63  }
0x143: {  	s4 =	simm.s32 $0x9180  }
0x144: {  	[tilespmem:s4], [sflag:$0x2] =	stream.indirect_vreg.gather [hbm4b:s6+s3], $0x80, v4, vm0, $0xb8;
	[tilespmem:$0x10310] =	vst v63  }
0x145: {  	s19 =	simm.s32 $0x9980  }
0x146: {  	[tilespmem:s19], [sflag:$0x2] =	stream.indirect_vreg.gather [hbm4b:s7+s3], $0x80, v4, vm0, $0xb8;
	[tilespmem:$0x10310] =	vst v63  }
0x147: {  	s21 =	simm.s32 $0xA180  }
0x148: {  	[tilespmem:s21], [sflag:$0x2] =	stream.indirect_vreg.gather [hbm4b:s8+s3], $0x80, v4, vm0, $0xb8;
	[tilespmem:$0x10310] =	vst v63  }
0x149: {  	s22 =	simm.s32 $0xA980  }
0x14a: {  	[tilespmem:s22], [sflag:$0x2] =	stream.indirect_vreg.gather [hbm4b:s9+s3], $0x80, v4, vm0, $0xb8;
	[tilespmem:$0x10310] =	vst v63  }
0x14b: {  	s28 =	simm.s32 $0xB180  }
0x14c: {  	[tilespmem:s28], [sflag:$0x2] =	stream.indirect_vreg.gather [hbm4b:s10+s3], $0x80, v4, vm0, $0xb8;
	[tilespmem:$0x10310] =	vst v63  }
0x14d: {  	s30 =	simm.s32 $0xB980  }
0x14e: {  	[tilespmem:s30], [sflag:$0x2] =	stream.indirect_vreg.gather [hbm4b:s11+s3], $0x80, v4, vm0, $0xb8;
	[tilespmem:$0x10310] =	vst v63  }
0x14f: {  	s31 =	simm.s32 $0xC180  }
0x150: {  	[tilespmem:s31], [sflag:$0x2] =	stream.indirect_vreg.gather [hbm4b:s12+s3], $0x80, v4, vm0, $0xb8;
	[tilespmem:$0x10310] =	vst v63  }
0x151: {  	s2 =	simm.s32 $0xC980  }
0x152: {  	[tilespmem:s2], [sflag:$0x2] =	stream.indirect_vreg.gather [hbm4b:s13+s3], $0x80, v4, vm0, $0xb8;
	[tilespmem:$0x10310] =	vst v63  }
0x153: {  	s4 =	simm.s32 $0xD180  }
0x154: {  	[tilespmem:s4], [sflag:$0x2] =	stream.indirect_vreg.gather [hbm4b:s14+s3], $0x80, v4, vm0, $0xb8;
	[tilespmem:$0x10310] =	vst v63  }
0x155: {  	s19 =	simm.s32 $0xD980  }
0x156: {  	[tilespmem:s19], [sflag:$0x2] =	stream.indirect_vreg.gather [hbm4b:s15+s3], $0x80, v4, vm0, $0xb8;
	[tilespmem:$0x10310] =	vst v63  }
0x157: {  	[tilespmem:$0x1FF40] =	vst v54;
	s21 =	simm.s32 $0xE180  }
0x158: {  	[tilespmem:s21], [sflag:$0x2] =	stream.indirect_vreg.gather [hbm4b:s16+s3], $0x80, v4, vm0, $0xb8;
	[tilespmem:$0x10310] =	vst v63  }
0x159: {  	s29 =	simm.s32 $0xE980;
	[tilespmem:$0x1FF50] =	vst v55  }
0x15a: {  	[tilespmem:s29], [sflag:$0x2] =	stream.indirect_vreg.gather [hbm4b:s17+s3], $0x80, v4, vm0, $0xb8;
	[tilespmem:$0x10310] =	vst v63  }
0x15b: {  	s25 =	simm.s32 $0xF180;
	[tilespmem:$0x1FF60] =	vst v56  }
0x15c: {  	[tilespmem:s25], [sflag:$0x2] =	stream.indirect_vreg.gather [hbm4b:s18+s3], $0x80, v4, vm0, $0xb8;
	[tilespmem:$0x10310] =	vst v63  }
0x15d: {  	s24 =	simm.s32 $0xF980;
	[tilespmem:$0x1FF70] =	vst v57  }
0x15e: {  	[tilespmem:s24], [sflag:$0x2] =	stream.indirect_vreg.gather [hbm4b:s20+s3], $0x80, v4, vm0, $0xb8;
	[tilespmem:$0x10310] =	vst v63  }
0x15f: {  	_ =	swait.ge [sflag:s23], $0x8000  }
0x160: {  	[sflag:s23] =	ssyncset.done $0x0  }
0x161: {  	[sflag:s23] =	ssyncadd.s32 $0xFFFF8000  }
0x162: {  	v3 =	vld.msk [tilespmem:$0x30], $0xff;
	_ =	sdelay $0x4  }
0x163: {  	v58 =	vshll.u32 v3, $0x5  }
0x164: {  	s0 =	rddreg [dreg:$0x14];
	v59 =	vand.u32 $0x7, v3;
	v4 =	vand.u32 $0xFFFFFF00, v58  }
0x165: {  	s2 =	rddreg [dreg:$0x15];
	v49 =	vld [tilespmem:s0+$0x180];
	v4 =	vor.u32 v59, v4  }
0x166: {  	s19 =	rddreg [dreg:$0x16];
	v50 =	vld [tilespmem:s2+$0x180];
	v4 =	vperm.xlane v4, v43  }
0x167: {  	s22 =	rddreg [dreg:$0x17];
	v48 =	vld [tilespmem:s19+$0x180]  }
0x168: {  	s28 =	rddreg [dreg:$0x18];
	v46 =	vld [tilespmem:s22+$0x180];
	v4 =	vadd.s32 v1, v4  }
0x169: {  	s30 =	rddreg [dreg:$0x19];
	v32 =	vld [tilespmem:s28+$0x180]  }
0x16a: {  	s31 =	rddreg [dreg:$0x1a];
	v33 =	vld [tilespmem:s30+$0x180]  }
0x16b: {  	s21 =	simm.s32 $0x80;
	s4 =	rddreg [dreg:$0x1b];
	v40 =	vld [tilespmem:s31+$0x180]  }
0x16c: {  	v38 =	vld [tilespmem:s4+$0x180];
	[tilespmem:s21+$0x0] =	vst.msk $0xff, v3;
	s21 =	simm.s32 $0x180  }
0x16d: {  	[tilespmem:s21], [sflag:$0x1] =	stream.indirect_vreg.gather [hbm4b:s1+s3], $0x80, v4, vm0, $0xb8;
	[tilespmem:$0x10310] =	vst v63  }
0x16e: {  	s21 =	simm.s32 $0x980  }
0x16f: {  	[tilespmem:s21], [sflag:$0x1] =	stream.indirect_vreg.gather [hbm4b:s5+s3], $0x80, v4, vm0, $0xb8;
	[tilespmem:$0x10310] =	vst v63  }
0x170: {  	s21 =	simm.s32 $0x1180  }
0x171: {  	[tilespmem:s21], [sflag:$0x1] =	stream.indirect_vreg.gather [hbm4b:s6+s3], $0x80, v4, vm0, $0xb8;
	[tilespmem:$0x10310] =	vst v63  }
0x172: {  	s21 =	simm.s32 $0x1980  }
0x173: {  	[tilespmem:s21], [sflag:$0x1] =	stream.indirect_vreg.gather [hbm4b:s7+s3], $0x80, v4, vm0, $0xb8;
	[tilespmem:$0x10310] =	vst v63  }
0x174: {  	s21 =	simm.s32 $0x2180  }
0x175: {  	[tilespmem:s21], [sflag:$0x1] =	stream.indirect_vreg.gather [hbm4b:s8+s3], $0x80, v4, vm0, $0xb8;
	[tilespmem:$0x10310] =	vst v63  }
0x176: {  	s21 =	simm.s32 $0x2980  }
0x177: {  	[tilespmem:s21], [sflag:$0x1] =	stream.indirect_vreg.gather [hbm4b:s9+s3], $0x80, v4, vm0, $0xb8;
	[tilespmem:$0x10310] =	vst v63  }
0x178: {  	s21 =	simm.s32 $0x3180  }
0x179: {  	[tilespmem:s21], [sflag:$0x1] =	stream.indirect_vreg.gather [hbm4b:s10+s3], $0x80, v4, vm0, $0xb8;
	[tilespmem:$0x10310] =	vst v63  }
0x17a: {  	s21 =	simm.s32 $0x3980  }
0x17b: {  	[tilespmem:s21], [sflag:$0x1] =	stream.indirect_vreg.gather [hbm4b:s11+s3], $0x80, v4, vm0, $0xb8;
	[tilespmem:$0x10310] =	vst v63  }
0x17c: {  	s21 =	simm.s32 $0x4180  }
0x17d: {  	[tilespmem:s21], [sflag:$0x1] =	stream.indirect_vreg.gather [hbm4b:s12+s3], $0x80, v4, vm0, $0xb8;
	[tilespmem:$0x10310] =	vst v63  }
0x17e: {  	s21 =	simm.s32 $0x4980  }
0x17f: {  	[tilespmem:s21], [sflag:$0x1] =	stream.indirect_vreg.gather [hbm4b:s13+s3], $0x80, v4, vm0, $0xb8;
	[tilespmem:$0x10310] =	vst v63  }
0x180: {  	s21 =	simm.s32 $0x5180  }
0x181: {  	[tilespmem:s21], [sflag:$0x1] =	stream.indirect_vreg.gather [hbm4b:s14+s3], $0x80, v4, vm0, $0xb8;
	[tilespmem:$0x10310] =	vst v63  }
0x182: {  	s21 =	simm.s32 $0x5980  }
0x183: {  	[tilespmem:s21], [sflag:$0x1] =	stream.indirect_vreg.gather [hbm4b:s15+s3], $0x80, v4, vm0, $0xb8;
	[tilespmem:$0x10310] =	vst v63  }
0x184: {  	s21 =	simm.s32 $0x6180  }
0x185: {  	[tilespmem:s21], [sflag:$0x1] =	stream.indirect_vreg.gather [hbm4b:s16+s3], $0x80, v4, vm0, $0xb8;
	[tilespmem:$0x10310] =	vst v63  }
0x186: {  	s21 =	simm.s32 $0x6980  }
0x187: {  	[tilespmem:s21], [sflag:$0x1] =	stream.indirect_vreg.gather [hbm4b:s17+s3], $0x80, v4, vm0, $0xb8;
	[tilespmem:$0x10310] =	vst v63  }
0x188: {  	s21 =	simm.s32 $0x7180  }
0x189: {  	[tilespmem:s21], [sflag:$0x1] =	stream.indirect_vreg.gather [hbm4b:s18+s3], $0x80, v4, vm0, $0xb8;
	[tilespmem:$0x10310] =	vst v63  }
0x18a: {  	s21 =	simm.s32 $0x7980  }
0x18b: {  	[tilespmem:s21], [sflag:$0x1] =	stream.indirect_vreg.gather [hbm4b:s20+s3], $0x80, v4, vm0, $0xb8;
	[tilespmem:$0x10310] =	vst v63  }
0x18c: {  	_ =	swait.ge [sflag:s26], $0x8000  }
0x18d: {  	[sflag:s26] =	ssyncset.done $0x0  }
0x18e: {  	[sflag:s26] =	ssyncadd.s32 $0xFFFF8000  }
0x18f: {  	v3 =	vld.msk [tilespmem:$0x38], $0xff;
	_ =	sdelay $0x4  }
0x190: {  	v60 =	vshll.u32 v3, $0x5  }
0x191: {  	v61 =	vand.u32 $0x7, v3;
	v4 =	vand.u32 $0xFFFFFF00, v60  }
0x192: {  	v55 =	vld [tilespmem:s0+$0x8180];
	v4 =	vor.u32 v61, v4  }
0x193: {  	v53 =	vld [tilespmem:s2+$0x8180];
	v4 =	vperm.xlane v4, v43  }
0x194: {  	v51 =	vld [tilespmem:s19+$0x8180]  }
0x195: {  	v47 =	vld [tilespmem:s22+$0x8180];
	v4 =	vadd.s32 v1, v4  }
0x196: {  	v45 =	vld [tilespmem:s28+$0x8180]  }
0x197: {  	v44 =	vld [tilespmem:s30+$0x8180]  }
0x198: {  	v62 =	vld [tilespmem:s31+$0x8180];
	s22 =	simm.s32 $0x100  }
0x199: {  	v63 =	vld [tilespmem:s4+$0x8180];
	s28 =	simm.s32 $0x8180;
	[tilespmem:s22+$0x0] =	vst.msk $0xff, v3  }
0x19a: {  	[tilespmem:s28], [sflag:$0x2] =	stream.indirect_vreg.gather [hbm4b:s1+s3], $0x80, v4, vm0, $0xb8;
	[tilespmem:$0x10310] =	vst v63  }
0x19b: {  	s30 =	simm.s32 $0x8980  }
0x19c: {  	[tilespmem:s30], [sflag:$0x2] =	stream.indirect_vreg.gather [hbm4b:s5+s3], $0x80, v4, vm0, $0xb8;
	[tilespmem:$0x10310] =	vst v63  }
0x19d: {  	s31 =	simm.s32 $0x9180  }
0x19e: {  	[tilespmem:s31], [sflag:$0x2] =	stream.indirect_vreg.gather [hbm4b:s6+s3], $0x80, v4, vm0, $0xb8;
	[tilespmem:$0x10310] =	vst v63  }
0x19f: {  	s2 =	simm.s32 $0x9980  }
0x1a0: {  	[tilespmem:s2], [sflag:$0x2] =	stream.indirect_vreg.gather [hbm4b:s7+s3], $0x80, v4, vm0, $0xb8;
	[tilespmem:$0x10310] =	vst v63  }
0x1a1: {  	s4 =	simm.s32 $0xA180  }
0x1a2: {  	[tilespmem:s4], [sflag:$0x2] =	stream.indirect_vreg.gather [hbm4b:s8+s3], $0x80, v4, vm0, $0xb8;
	[tilespmem:$0x10310] =	vst v63  }
0x1a3: {  	s19 =	simm.s32 $0xA980  }
0x1a4: {  	[tilespmem:s19], [sflag:$0x2] =	stream.indirect_vreg.gather [hbm4b:s9+s3], $0x80, v4, vm0, $0xb8;
	[tilespmem:$0x10310] =	vst v63  }
0x1a5: {  	s21 =	simm.s32 $0xB180  }
0x1a6: {  	[tilespmem:s21], [sflag:$0x2] =	stream.indirect_vreg.gather [hbm4b:s10+s3], $0x80, v4, vm0, $0xb8;
	[tilespmem:$0x10310] =	vst v63  }
0x1a7: {  	s22 =	simm.s32 $0xB980  }
0x1a8: {  	[tilespmem:s22], [sflag:$0x2] =	stream.indirect_vreg.gather [hbm4b:s11+s3], $0x80, v4, vm0, $0xb8;
	[tilespmem:$0x10310] =	vst v63  }
0x1a9: {  	s28 =	simm.s32 $0xC180  }
0x1aa: {  	[tilespmem:s28], [sflag:$0x2] =	stream.indirect_vreg.gather [hbm4b:s12+s3], $0x80, v4, vm0, $0xb8;
	[tilespmem:$0x10310] =	vst v63  }
0x1ab: {  	s30 =	simm.s32 $0xC980  }
0x1ac: {  	[tilespmem:s30], [sflag:$0x2] =	stream.indirect_vreg.gather [hbm4b:s13+s3], $0x80, v4, vm0, $0xb8;
	[tilespmem:$0x10310] =	vst v63  }
0x1ad: {  	s31 =	simm.s32 $0xD180  }
0x1ae: {  	[tilespmem:s31], [sflag:$0x2] =	stream.indirect_vreg.gather [hbm4b:s14+s3], $0x80, v4, vm0, $0xb8;
	[tilespmem:$0x10310] =	vst v63  }
0x1af: {  	s2 =	simm.s32 $0xD980  }
0x1b0: {  	[tilespmem:s2], [sflag:$0x2] =	stream.indirect_vreg.gather [hbm4b:s15+s3], $0x80, v4, vm0, $0xb8;
	[tilespmem:$0x10310] =	vst v63  }
0x1b1: {  	s4 =	simm.s32 $0xE180  }
0x1b2: {  	[tilespmem:s4], [sflag:$0x2] =	stream.indirect_vreg.gather [hbm4b:s16+s3], $0x80, v4, vm0, $0xb8;
	[tilespmem:$0x10310] =	vst v63  }
0x1b3: {  	s29 =	simm.s32 $0xE980  }
0x1b4: {  	[tilespmem:s29], [sflag:$0x2] =	stream.indirect_vreg.gather [hbm4b:s17+s3], $0x80, v4, vm0, $0xb8;
	[tilespmem:$0x10310] =	vst v63  }
0x1b5: {  	s25 =	simm.s32 $0xF180;
	[tilespmem:$0x1FF80] =	vst v62  }
0x1b6: {  	[tilespmem:s25], [sflag:$0x2] =	stream.indirect_vreg.gather [hbm4b:s18+s3], $0x80, v4, vm0, $0xb8;
	[tilespmem:$0x10310] =	vst v63  }
0x1b7: {  	s24 =	simm.s32 $0xF980;
	[tilespmem:$0x1FF90] =	vst v63  }
0x1b8: {  	[tilespmem:s24], [sflag:$0x2] =	stream.indirect_vreg.gather [hbm4b:s20+s3], $0x80, v4, vm0, $0xb8;
	[tilespmem:$0x10310] =	vst v63  }
0x1b9: {  	_ =	swait.ge [sflag:s23], $0x8000  }
0x1ba: {  	[sflag:s23] =	ssyncset.done $0x0  }
0x1bb: {  	[sflag:s23] =	ssyncadd.s32 $0xFFFF8000  }
0x1bc: {  	v3 =	vld.msk [tilespmem:$0x40], $0xff;
	_ =	sdelay $0x3  }
0x1bd: {  	s0 =	rddreg [dreg:$0x1d]  }
0x1be: {  	s2 =	rddreg [dreg:$0x1e];
	v8 =	vshll.u32 v3, $0x5  }
0x1bf: {  	s4 =	rddreg [dreg:$0x1f];
	v9 =	vand.u32 $0x7, v3;
	v4 =	vand.u32 $0xFFFFFF00, v8  }
0x1c0: {  	s19 =	sld [smem:$0x7D8];
	v60 =	vld [tilespmem:s0+$0x180];
	v4 =	vor.u32 v9, v4  }
0x1c1: {  	s22 =	sld [smem:$0x7D9];
	v61 =	vld [tilespmem:s2+$0x180];
	v4 =	vperm.xlane v4, v43  }
0x1c2: {  	s28 =	sld [smem:$0x7DA];
	v59 =	vld [tilespmem:s4+$0x180]  }
0x1c3: {  	s30 =	sld [smem:$0x7DB];
	v58 =	vld [tilespmem:s19+$0x180];
	v4 =	vadd.s32 v1, v4  }
0x1c4: {  	s31 =	sld [smem:$0x7DC];
	v57 =	vld [tilespmem:s22+$0x180]  }
0x1c5: {  	v56 =	vld [tilespmem:s28+$0x180]  }
0x1c6: {  	s21 =	simm.s32 $0x80;
	v54 =	vld [tilespmem:s30+$0x180]  }
0x1c7: {  	v52 =	vld [tilespmem:s31+$0x180];
	[tilespmem:s21+$0x0] =	vst.msk $0xff, v3;
	s21 =	simm.s32 $0x180  }
0x1c8: {  	[tilespmem:s21], [sflag:$0x1] =	stream.indirect_vreg.gather [hbm4b:s1+s3], $0x80, v4, vm0, $0xb8;
	[tilespmem:$0x10310] =	vst v63  }
0x1c9: {  	s21 =	simm.s32 $0x980  }
0x1ca: {  	[tilespmem:s21], [sflag:$0x1] =	stream.indirect_vreg.gather [hbm4b:s5+s3], $0x80, v4, vm0, $0xb8;
	[tilespmem:$0x10310] =	vst v63  }
0x1cb: {  	s21 =	simm.s32 $0x1180  }
0x1cc: {  	[tilespmem:s21], [sflag:$0x1] =	stream.indirect_vreg.gather [hbm4b:s6+s3], $0x80, v4, vm0, $0xb8;
	[tilespmem:$0x10310] =	vst v63  }
0x1cd: {  	s21 =	simm.s32 $0x1980  }
0x1ce: {  	[tilespmem:s21], [sflag:$0x1] =	stream.indirect_vreg.gather [hbm4b:s7+s3], $0x80, v4, vm0, $0xb8;
	[tilespmem:$0x10310] =	vst v63  }
0x1cf: {  	s21 =	simm.s32 $0x2180  }
0x1d0: {  	[tilespmem:s21], [sflag:$0x1] =	stream.indirect_vreg.gather [hbm4b:s8+s3], $0x80, v4, vm0, $0xb8;
	[tilespmem:$0x10310] =	vst v63  }
0x1d1: {  	s21 =	simm.s32 $0x2980  }
0x1d2: {  	[tilespmem:s21], [sflag:$0x1] =	stream.indirect_vreg.gather [hbm4b:s9+s3], $0x80, v4, vm0, $0xb8;
	[tilespmem:$0x10310] =	vst v63  }
0x1d3: {  	s21 =	simm.s32 $0x3180  }
0x1d4: {  	[tilespmem:s21], [sflag:$0x1] =	stream.indirect_vreg.gather [hbm4b:s10+s3], $0x80, v4, vm0, $0xb8;
	[tilespmem:$0x10310] =	vst v63  }
0x1d5: {  	s21 =	simm.s32 $0x3980  }
0x1d6: {  	[tilespmem:s21], [sflag:$0x1] =	stream.indirect_vreg.gather [hbm4b:s11+s3], $0x80, v4, vm0, $0xb8;
	[tilespmem:$0x10310] =	vst v63  }
0x1d7: {  	s21 =	simm.s32 $0x4180  }
0x1d8: {  	[tilespmem:s21], [sflag:$0x1] =	stream.indirect_vreg.gather [hbm4b:s12+s3], $0x80, v4, vm0, $0xb8;
	[tilespmem:$0x10310] =	vst v63  }
0x1d9: {  	s21 =	simm.s32 $0x4980  }
0x1da: {  	[tilespmem:s21], [sflag:$0x1] =	stream.indirect_vreg.gather [hbm4b:s13+s3], $0x80, v4, vm0, $0xb8;
	[tilespmem:$0x10310] =	vst v63  }
0x1db: {  	s21 =	simm.s32 $0x5180  }
0x1dc: {  	[tilespmem:s21], [sflag:$0x1] =	stream.indirect_vreg.gather [hbm4b:s14+s3], $0x80, v4, vm0, $0xb8;
	[tilespmem:$0x10310] =	vst v63  }
0x1dd: {  	s21 =	simm.s32 $0x5980  }
0x1de: {  	[tilespmem:s21], [sflag:$0x1] =	stream.indirect_vreg.gather [hbm4b:s15+s3], $0x80, v4, vm0, $0xb8;
	[tilespmem:$0x10310] =	vst v63  }
0x1df: {  	s21 =	simm.s32 $0x6180  }
0x1e0: {  	[tilespmem:s21], [sflag:$0x1] =	stream.indirect_vreg.gather [hbm4b:s16+s3], $0x80, v4, vm0, $0xb8;
	[tilespmem:$0x10310] =	vst v63  }
0x1e1: {  	s21 =	simm.s32 $0x6980  }
0x1e2: {  	[tilespmem:s21], [sflag:$0x1] =	stream.indirect_vreg.gather [hbm4b:s17+s3], $0x80, v4, vm0, $0xb8;
	[tilespmem:$0x10310] =	vst v63  }
0x1e3: {  	s21 =	simm.s32 $0x7180  }
0x1e4: {  	[tilespmem:s21], [sflag:$0x1] =	stream.indirect_vreg.gather [hbm4b:s18+s3], $0x80, v4, vm0, $0xb8;
	[tilespmem:$0x10310] =	vst v63  }
0x1e5: {  	s21 =	simm.s32 $0x7980  }
0x1e6: {  	[tilespmem:s21], [sflag:$0x1] =	stream.indirect_vreg.gather [hbm4b:s20+s3], $0x80, v4, vm0, $0xb8;
	[tilespmem:$0x10310] =	vst v63  }
0x1e7: {  	_ =	swait.ge [sflag:s26], $0x8000  }
0x1e8: {  	[sflag:s26] =	ssyncset.done $0x0  }
0x1e9: {  	[sflag:s26] =	ssyncadd.s32 $0xFFFF8000  }
0x1ea: {  	v3 =	vld.msk [tilespmem:$0x48], $0xff;
	_ =	sdelay $0x4  }
0x1eb: {  	v10 =	vshll.u32 v3, $0x5  }
0x1ec: {  	v11 =	vand.u32 $0x7, v3;
	v4 =	vand.u32 $0xFFFFFF00, v10  }
0x1ed: {  	v17 =	vld [tilespmem:s0+$0x8180];
	v4 =	vor.u32 v11, v4  }
0x1ee: {  	v18 =	vld [tilespmem:s2+$0x8180];
	v4 =	vperm.xlane v4, v43  }
0x1ef: {  	v20 =	vld [tilespmem:s4+$0x8180]  }
0x1f0: {  	v22 =	vld [tilespmem:s19+$0x8180];
	v4 =	vadd.s32 v1, v4  }
0x1f1: {  	v24 =	vld [tilespmem:s22+$0x8180]  }
0x1f2: {  	v29 =	vld [tilespmem:s28+$0x8180]  }
0x1f3: {  	v63 =	vld [tilespmem:s30+$0x8180];
	s19 =	simm.s32 $0x100  }
0x1f4: {  	s21 =	simm.s32 $0x8180;
	v62 =	vld [tilespmem:s31+$0x8180];
	[tilespmem:s19+$0x0] =	vst.msk $0xff, v3  }
0x1f5: {  	[tilespmem:s21], [sflag:$0x2] =	stream.indirect_vreg.gather [hbm4b:s1+s3], $0x80, v4, vm0, $0xb8;
	[tilespmem:$0x10310] =	vst v63  }
0x1f6: {  	s22 =	simm.s32 $0x8980  }
0x1f7: {  	[tilespmem:s22], [sflag:$0x2] =	stream.indirect_vreg.gather [hbm4b:s5+s3], $0x80, v4, vm0, $0xb8;
	[tilespmem:$0x10310] =	vst v63  }
0x1f8: {  	s28 =	simm.s32 $0x9180  }
0x1f9: {  	[tilespmem:s28], [sflag:$0x2] =	stream.indirect_vreg.gather [hbm4b:s6+s3], $0x80, v4, vm0, $0xb8;
	[tilespmem:$0x10310] =	vst v63  }
0x1fa: {  	s30 =	simm.s32 $0x9980  }
0x1fb: {  	[tilespmem:s30], [sflag:$0x2] =	stream.indirect_vreg.gather [hbm4b:s7+s3], $0x80, v4, vm0, $0xb8;
	[tilespmem:$0x10310] =	vst v63  }
0x1fc: {  	s31 =	simm.s32 $0xA180  }
0x1fd: {  	[tilespmem:s31], [sflag:$0x2] =	stream.indirect_vreg.gather [hbm4b:s8+s3], $0x80, v4, vm0, $0xb8;
	[tilespmem:$0x10310] =	vst v63  }
0x1fe: {  	s2 =	simm.s32 $0xA980  }
0x1ff: {  	[tilespmem:s2], [sflag:$0x2] =	stream.indirect_vreg.gather [hbm4b:s9+s3], $0x80, v4, vm0, $0xb8;
	[tilespmem:$0x10310] =	vst v63  }
0x200: {  	s4 =	simm.s32 $0xB180  }
0x201: {  	[tilespmem:s4], [sflag:$0x2] =	stream.indirect_vreg.gather [hbm4b:s10+s3], $0x80, v4, vm0, $0xb8;
	[tilespmem:$0x10310] =	vst v63  }
0x202: {  	s19 =	simm.s32 $0xB980  }
0x203: {  	[tilespmem:s19], [sflag:$0x2] =	stream.indirect_vreg.gather [hbm4b:s11+s3], $0x80, v4, vm0, $0xb8;
	[tilespmem:$0x10310] =	vst v63  }
0x204: {  	s21 =	simm.s32 $0xC180  }
0x205: {  	[tilespmem:s21], [sflag:$0x2] =	stream.indirect_vreg.gather [hbm4b:s12+s3], $0x80, v4, vm0, $0xb8;
	[tilespmem:$0x10310] =	vst v63  }
0x206: {  	s22 =	simm.s32 $0xC980  }
0x207: {  	[tilespmem:s22], [sflag:$0x2] =	stream.indirect_vreg.gather [hbm4b:s13+s3], $0x80, v4, vm0, $0xb8;
	[tilespmem:$0x10310] =	vst v63  }
0x208: {  	s28 =	simm.s32 $0xD180  }
0x209: {  	[tilespmem:s28], [sflag:$0x2] =	stream.indirect_vreg.gather [hbm4b:s14+s3], $0x80, v4, vm0, $0xb8;
	[tilespmem:$0x10310] =	vst v63  }
0x20a: {  	s30 =	simm.s32 $0xD980  }
0x20b: {  	[tilespmem:s30], [sflag:$0x2] =	stream.indirect_vreg.gather [hbm4b:s15+s3], $0x80, v4, vm0, $0xb8;
	[tilespmem:$0x10310] =	vst v63  }
0x20c: {  	s31 =	simm.s32 $0xE180  }
0x20d: {  	[tilespmem:s31], [sflag:$0x2] =	stream.indirect_vreg.gather [hbm4b:s16+s3], $0x80, v4, vm0, $0xb8;
	[tilespmem:$0x10310] =	vst v63  }
0x20e: {  	s29 =	simm.s32 $0xE980  }
0x20f: {  	[tilespmem:s29], [sflag:$0x2] =	stream.indirect_vreg.gather [hbm4b:s17+s3], $0x80, v4, vm0, $0xb8;
	[tilespmem:$0x10310] =	vst v63  }
0x210: {  	s25 =	simm.s32 $0xF180  }
0x211: {  	[tilespmem:s25], [sflag:$0x2] =	stream.indirect_vreg.gather [hbm4b:s18+s3], $0x80, v4, vm0, $0xb8;
	[tilespmem:$0x10310] =	vst v63  }
0x212: {  	s24 =	simm.s32 $0xF980  }
0x213: {  	[tilespmem:s24], [sflag:$0x2] =	stream.indirect_vreg.gather [hbm4b:s20+s3], $0x80, v4, vm0, $0xb8;
	[tilespmem:$0x10310] =	vst v63  }
0x214: {  	_ =	swait.ge [sflag:s23], $0x8000  }
0x215: {  	[sflag:s23] =	ssyncset.done $0x0  }
0x216: {  	[sflag:s23] =	ssyncadd.s32 $0xFFFF8000  }
0x217: {  	v3 =	vld.msk [tilespmem:$0x50], $0xff;
	_ =	sdelay $0x3  }
0x218: {  	s0 =	sld [smem:$0x7DD]  }
0x219: {  	s4 =	sld [smem:$0x7DF];
	v12 =	vshll.u32 v3, $0x5  }
0x21a: {  	s19 =	sld [smem:$0x7E0];
	v13 =	vand.u32 $0x7, v3;
	v4 =	vand.u32 $0xFFFFFF00, v12  }
0x21b: {  	s22 =	sld [smem:$0x7E1];
	v10 =	vld [tilespmem:s0+$0x180];
	v4 =	vor.u32 v13, v4  }
0x21c: {  	s28 =	sld [smem:$0x7E2];
	v16 =	vld [tilespmem:s4+$0x180];
	v4 =	vperm.xlane v4, v43  }
0x21d: {  	s30 =	sld [smem:$0x7E3];
	v19 =	vld [tilespmem:s19+$0x180]  }
0x21e: {  	s31 =	sld [smem:$0x7E4];
	v21 =	vld [tilespmem:s22+$0x180];
	v4 =	vadd.s32 v1, v4  }
0x21f: {  	s2 =	sld [smem:$0x7DE];
	v23 =	vld [tilespmem:s28+$0x180]  }
0x220: {  	v27 =	vld [tilespmem:s30+$0x180]  }
0x221: {  	s24 =	simm.s32 $0x80;
	v31 =	vld [tilespmem:s31+$0x180]  }
0x222: {  	v13 =	vld [tilespmem:s2+$0x180];
	[tilespmem:s24+$0x0] =	vst.msk $0xff, v3;
	s24 =	simm.s32 $0x180  }
0x223: {  	[tilespmem:s24], [sflag:$0x1] =	stream.indirect_vreg.gather [hbm4b:s1+s3], $0x80, v4, vm0, $0xb8;
	[tilespmem:$0x10310] =	vst v63  }
0x224: {  	s24 =	simm.s32 $0x980  }
0x225: {  	[tilespmem:s24], [sflag:$0x1] =	stream.indirect_vreg.gather [hbm4b:s5+s3], $0x80, v4, vm0, $0xb8;
	[tilespmem:$0x10310] =	vst v63  }
0x226: {  	s24 =	simm.s32 $0x1180  }
0x227: {  	[tilespmem:s24], [sflag:$0x1] =	stream.indirect_vreg.gather [hbm4b:s6+s3], $0x80, v4, vm0, $0xb8;
	[tilespmem:$0x10310] =	vst v63  }
0x228: {  	s24 =	simm.s32 $0x1980  }
0x229: {  	[tilespmem:s24], [sflag:$0x1] =	stream.indirect_vreg.gather [hbm4b:s7+s3], $0x80, v4, vm0, $0xb8;
	[tilespmem:$0x10310] =	vst v63  }
0x22a: {  	s24 =	simm.s32 $0x2180  }
0x22b: {  	[tilespmem:s24], [sflag:$0x1] =	stream.indirect_vreg.gather [hbm4b:s8+s3], $0x80, v4, vm0, $0xb8;
	[tilespmem:$0x10310] =	vst v63  }
0x22c: {  	s24 =	simm.s32 $0x2980  }
0x22d: {  	[tilespmem:s24], [sflag:$0x1] =	stream.indirect_vreg.gather [hbm4b:s9+s3], $0x80, v4, vm0, $0xb8;
	[tilespmem:$0x10310] =	vst v63  }
0x22e: {  	s24 =	simm.s32 $0x3180  }
0x22f: {  	[tilespmem:s24], [sflag:$0x1] =	stream.indirect_vreg.gather [hbm4b:s10+s3], $0x80, v4, vm0, $0xb8;
	[tilespmem:$0x10310] =	vst v63  }
0x230: {  	s24 =	simm.s32 $0x3980  }
0x231: {  	[tilespmem:s24], [sflag:$0x1] =	stream.indirect_vreg.gather [hbm4b:s11+s3], $0x80, v4, vm0, $0xb8;
	[tilespmem:$0x10310] =	vst v63  }
0x232: {  	s24 =	simm.s32 $0x4180  }
0x233: {  	[tilespmem:s24], [sflag:$0x1] =	stream.indirect_vreg.gather [hbm4b:s12+s3], $0x80, v4, vm0, $0xb8;
	[tilespmem:$0x10310] =	vst v63  }
0x234: {  	s24 =	simm.s32 $0x4980  }
0x235: {  	[tilespmem:s24], [sflag:$0x1] =	stream.indirect_vreg.gather [hbm4b:s13+s3], $0x80, v4, vm0, $0xb8;
	[tilespmem:$0x10310] =	vst v63  }
0x236: {  	s24 =	simm.s32 $0x5180  }
0x237: {  	[tilespmem:s24], [sflag:$0x1] =	stream.indirect_vreg.gather [hbm4b:s14+s3], $0x80, v4, vm0, $0xb8;
	[tilespmem:$0x10310] =	vst v63  }
0x238: {  	s24 =	simm.s32 $0x5980  }
0x239: {  	[tilespmem:s24], [sflag:$0x1] =	stream.indirect_vreg.gather [hbm4b:s15+s3], $0x80, v4, vm0, $0xb8;
	[tilespmem:$0x10310] =	vst v63  }
0x23a: {  	s24 =	simm.s32 $0x6180  }
0x23b: {  	[tilespmem:s24], [sflag:$0x1] =	stream.indirect_vreg.gather [hbm4b:s16+s3], $0x80, v4, vm0, $0xb8;
	[tilespmem:$0x10310] =	vst v63  }
0x23c: {  	s24 =	simm.s32 $0x6980  }
0x23d: {  	[tilespmem:s24], [sflag:$0x1] =	stream.indirect_vreg.gather [hbm4b:s17+s3], $0x80, v4, vm0, $0xb8;
	[tilespmem:$0x10310] =	vst v63  }
0x23e: {  	s24 =	simm.s32 $0x7180  }
0x23f: {  	[tilespmem:s24], [sflag:$0x1] =	stream.indirect_vreg.gather [hbm4b:s18+s3], $0x80, v4, vm0, $0xb8;
	[tilespmem:$0x10310] =	vst v63  }
0x240: {  	s24 =	simm.s32 $0x7980  }
0x241: {  	[tilespmem:s24], [sflag:$0x1] =	stream.indirect_vreg.gather [hbm4b:s20+s3], $0x80, v4, vm0, $0xb8;
	[tilespmem:$0x10310] =	vst v63  }
0x242: {  	_ =	swait.ge [sflag:s26], $0x8000  }
0x243: {  	[sflag:s26] =	ssyncset.done $0x0  }
0x244: {  	[sflag:s26] =	ssyncadd.s32 $0xFFFF8000  }
0x245: {  	v3 =	vld.msk [tilespmem:$0x58], $0xff;
	_ =	sdelay $0x1  }
0x246: {  	v6 =	vld [tilespmem:s0+$0x8180]  }
0x247: {  	v7 =	vld [tilespmem:s2+$0x8180]  }
0x248: {  	v8 =	vld [tilespmem:s4+$0x8180]  }
0x249: {  	v9 =	vld [tilespmem:s19+$0x8180];
	v14 =	vshll.u32 v3, $0x5  }
0x24a: {  	v11 =	vld [tilespmem:s22+$0x8180];
	v15 =	vand.u32 $0x7, v3;
	v4 =	vand.u32 $0xFFFFFF00, v14  }
0x24b: {  	v12 =	vld [tilespmem:s28+$0x8180];
	v4 =	vor.u32 v15, v4  }
0x24c: {  	v14 =	vld [tilespmem:s30+$0x8180];
	v4 =	vperm.xlane v4, v43  }
0x24d: {  	s2 =	simm.s32 $0x100;
	v15 =	vld [tilespmem:s31+$0x8180]  }
0x24e: {  	[tilespmem:s2+$0x0] =	vst.msk $0xff, v3;
	v3 =	vld [tilespmem:$0x1FFA0];
	v4 =	vadd.s32 v1, v4;
	_ =	sdelay $0x3  }
0x24f: {  	s4 =	simm.s32 $0x8180  }
0x250: {  	vm2 =	vnez.u8 v3;
	v3 =	vld [tilespmem:$0x1FE50];
	[tilespmem:s4], [sflag:$0x2] =	stream.indirect_vreg.gather [hbm4b:s1+s3], $0x80, v4, vm0, $0xb8  }
0x251: {  	s19 =	simm.s32 $0x8980  }
0x252: {  	v5 =	vld [tilespmem:$0x1FE60];
	[tilespmem:s19], [sflag:$0x2] =	stream.indirect_vreg.gather [hbm4b:s5+s3], $0x80, v4, vm0, $0xb8  }
0x253: {  	s22 =	simm.s32 $0x9180  }
0x254: {  	[tilespmem:s22], [sflag:$0x2] =	stream.indirect_vreg.gather [hbm4b:s6+s3], $0x80, v4, vm0, $0xb8;
	[tilespmem:$0x10310] =	vst v63  }
0x255: {  	s24 =	simm.s32 $0x9980;
	v3 =	vnsel vm2, $0x0, v3  }
0x256: {  	vm3 =	vcmask $0x308;
	v3 =	vadd.f32 $0.0e+00, v3;
	[tilespmem:s24], [sflag:$0x2] =	stream.indirect_vreg.gather [hbm4b:s7+s3], $0x80, v4, vm0, $0xb8;
	[tilespmem:$0x10310] =	vst v63  }
0x257: {  	s28 =	simm.s32 $0xA180;
	v5 =	vsel vm3, $0x0, v5  }
0x258: {  	v3 =	vadd.f32 v5, v3;
	v5 =	vld [tilespmem:$0x1FE70];
	[tilespmem:s28], [sflag:$0x2] =	stream.indirect_vreg.gather [hbm4b:s8+s3], $0x80, v4, vm0, $0xb8  }
0x259: {  	s30 =	simm.s32 $0xA980  }
0x25a: {  	[tilespmem:s30], [sflag:$0x2] =	stream.indirect_vreg.gather [hbm4b:s9+s3], $0x80, v4, vm0, $0xb8;
	[tilespmem:$0x10310] =	vst v63  }
0x25b: {  	s31 =	simm.s32 $0xB180  }
0x25c: {  	vm4 =	vcmask $0x70C;
	[tilespmem:s31], [sflag:$0x2] =	stream.indirect_vreg.gather [hbm4b:s10+s3], $0x80, v4, vm0, $0xb8;
	[tilespmem:$0x10310] =	vst v63  }
0x25d: {  	s2 =	simm.s32 $0xB980;
	v5 =	vsel vm4, $0x0, v5  }
0x25e: {  	v3 =	vadd.f32 v5, v3;
	v5 =	vld [tilespmem:$0x1FE80];
	[tilespmem:s2], [sflag:$0x2] =	stream.indirect_vreg.gather [hbm4b:s11+s3], $0x80, v4, vm0, $0xb8  }
0x25f: {  	s4 =	simm.s32 $0xC180  }
0x260: {  	[tilespmem:s4], [sflag:$0x2] =	stream.indirect_vreg.gather [hbm4b:s12+s3], $0x80, v4, vm0, $0xb8;
	[tilespmem:$0x10310] =	vst v63  }
0x261: {  	s19 =	simm.s32 $0xC980  }
0x262: {  	vm5 =	vcmask $0xB10;
	[tilespmem:s19], [sflag:$0x2] =	stream.indirect_vreg.gather [hbm4b:s13+s3], $0x80, v4, vm0, $0xb8;
	[tilespmem:$0x10310] =	vst v63  }
0x263: {  	s22 =	simm.s32 $0xD180;
	v5 =	vsel vm5, $0x0, v5  }
0x264: {  	vm6 =	vcmask $0xF14;
	v3 =	vadd.f32 v5, v3;
	[tilespmem:s22], [sflag:$0x2] =	stream.indirect_vreg.gather [hbm4b:s14+s3], $0x80, v4, vm0, $0xb8;
	[tilespmem:$0x10310] =	vst v63  }
0x265: {  	v42 =	vsel vm6, $0x0, v42;
	s21 =	simm.s32 $0xD980  }
0x266: {  	vm7 =	vcmask $0x1318;
	v3 =	vadd.f32 v42, v3;
	[tilespmem:s21], [sflag:$0x2] =	stream.indirect_vreg.gather [hbm4b:s15+s3], $0x80, v4, vm0, $0xb8;
	[tilespmem:$0x10310] =	vst v63  }
0x267: {  	s24 =	simm.s32 $0xE180;
	v42 =	vsel vm7, $0x0, v41  }
0x268: {  	vm8 =	vcmask $0x171C;
	v3 =	vadd.f32 v42, v3;
	[tilespmem:s24], [sflag:$0x2] =	stream.indirect_vreg.gather [hbm4b:s16+s3], $0x80, v4, vm0, $0xb8;
	[tilespmem:$0x10310] =	vst v63  }
0x269: {  	v39 =	vsel vm8, $0x0, v39;
	s29 =	simm.s32 $0xE980  }
0x26a: {  	vm9 =	vcmask $0x1B20;
	v3 =	vadd.f32 v39, v3;
	[tilespmem:s29], [sflag:$0x2] =	stream.indirect_vreg.gather [hbm4b:s17+s3], $0x80, v4, vm0, $0xb8;
	[tilespmem:$0x10310] =	vst v63  }
0x26b: {  	s25 =	simm.s32 $0xF180;
	v41 =	vsel vm9, $0x0, v0;
	v0 =	vld [tilespmem:$0x1FE90]  }
0x26c: {  	vm10 =	vcmask $0x1F24;
	v3 =	vadd.f32 v41, v3;
	[tilespmem:s25], [sflag:$0x2] =	stream.indirect_vreg.gather [hbm4b:s18+s3], $0x80, v4, vm0, $0xb8;
	[tilespmem:$0x10310] =	vst v63  }
0x26d: {  	s28 =	simm.s32 $0xF980;
	v42 =	vsel vm10, $0x0, v25  }
0x26e: {  	vm11 =	vcmask $0x2328;
	v3 =	vadd.f32 v42, v3;
	[tilespmem:s28], [sflag:$0x2] =	stream.indirect_vreg.gather [hbm4b:s20+s3], $0x80, v4, vm0, $0xb8;
	[tilespmem:$0x10310] =	vst v63  }
0x26f: {  	vm12 =	vcmask $0x272C;
	v2 =	vsel vm11, $0x0, v2;
	_ =	swait.ge [sflag:s23], $0x8000  }
0x270: {  	v2 =	vadd.f32 v2, v3;
	v3 =	vsel vm12, $0x0, v0;
	v0 =	vld [tilespmem:$0x1FEA0];
	_ =	sdelay $0x3  }
0x271: {  	vm13 =	vcmask $0x2B30;
	v2 =	vadd.f32 v3, v2  }
0x272: {  	v3 =	vsel vm13, $0x0, v0  }
0x273: {  	v2 =	vadd.f32 v3, v2;
	v3 =	vld [tilespmem:$0x1FEB0];
	_ =	sdelay $0x3  }
0x274: {  	vm14 =	vcmask $0x2F34  }
0x275: {  	v3 =	vsel vm14, $0x0, v3  }
0x276: {  	v2 =	vadd.f32 v3, v2;
	v3 =	vld [tilespmem:$0x1FEC0];
	_ =	sdelay $0x2  }
0x277: {  	[sflag:s23] =	ssyncset.done $0x0  }
0x278: {  	vm15 =	vcmask $0x3338;
	[sflag:s23] =	ssyncadd.s32 $0xFFFF8000  }
0x279: {  	v0 =	vld.msk [tilespmem:$0x60], $0xff;
	v3 =	vsel vm15, $0x0, v3  }
0x27a: {  	v2 =	vadd.f32 v3, v2;
	v3 =	vld [tilespmem:$0x1FED0];
	_ =	sdelay $0x3  }
0x27b: {  	vm1 =	vcmask $0x373C  }
0x27c: {  	v25 =	vshll.u32 v0, $0x5;
	v3 =	vsel vm1, $0x0, v3  }
0x27d: {  	v39 =	vand.u32 $0x7, v0;
	v3 =	vadd.f32 v3, v2;
	v2 =	vand.u32 $0xFFFFFF00, v25  }
0x27e: {  	v5 =	vor.u32 v39, v2;
	v2 =	vld [tilespmem:$0x1FFF0];
	_ =	sdelay $0x4  }
0x27f: {  	s0 =	sld [smem:$0x7E5];
	vm1 =	vnez.u8 v2;
	v2 =	vld [tilespmem:$0x1FEE0]  }
0x280: {  	s19 =	sld [smem:$0x7E8]  }
0x281: {  	s31 =	sld [smem:$0x7EC]  }
0x282: {  	s2 =	sld [smem:$0x7E6];
	v4 =	vld [tilespmem:s0+$0x180];
	v42 =	vperm.xlane v5, v43  }
0x283: {  	s4 =	sld [smem:$0x7E7];
	v5 =	vld [tilespmem:s19+$0x180]  }
0x284: {  	s28 =	sld [smem:$0x7EA];
	v39 =	vadd.s32 v1, v42;
	v42 =	vsel vm4, $0x0, v26;
	v26 =	vld [tilespmem:s31+$0x180];
	v41 =	vsel vm1, $0x0, v2  }
0x285: {  	s22 =	sld [smem:$0x7E9];
	v2 =	vld [tilespmem:s2+$0x180];
	v25 =	vadd.f32 v41, v3  }
0x286: {  	v30 =	vnsel vm2, $0x0, v30;
	s30 =	sld [smem:$0x7EB];
	v3 =	vld [tilespmem:s4+$0x180]  }
0x287: {  	v41 =	vsel vm3, $0x0, v28;
	v28 =	vld [tilespmem:s28+$0x180];
	v25 =	vadd.f32 v30, v25  }
0x288: {  	v30 =	vld [tilespmem:s22+$0x180]  }
0x289: {  	s29 =	simm.s32 $0x80;
	v41 =	vadd.f32 v41, v25;
	v25 =	vld [tilespmem:s30+$0x180]  }
0x28a: {  	[tilespmem:s29+$0x0] =	vst.msk $0xff, v0;
	v0 =	vld [tilespmem:$0x1FEF0];
	_ =	sdelay $0x3  }
0x28b: {  	v41 =	vadd.f32 v42, v41  }
0x28c: {  	v0 =	vsel vm5, $0x0, v0  }
0x28d: {  	v0 =	vadd.f32 v0, v41;
	v41 =	vld [tilespmem:$0x1FF00];
	_ =	sdelay $0x4  }
0x28e: {  	v41 =	vsel vm6, $0x0, v41  }
0x28f: {  	v0 =	vadd.f32 v41, v0;
	v41 =	vld [tilespmem:$0x1FF10];
	_ =	sdelay $0x4  }
0x290: {  	v41 =	vsel vm7, $0x0, v41  }
0x291: {  	v0 =	vadd.f32 v41, v0;
	v41 =	vld [tilespmem:$0x1FF20];
	_ =	sdelay $0x1  }
0x292: {  	s29 =	simm.s32 $0x180  }
0x293: {  	[tilespmem:s29], [sflag:$0x1] =	stream.indirect_vreg.gather [hbm4b:s1+s3], $0x80, v39, vm0, $0xb8;
	[tilespmem:$0x10310] =	vst v63  }
0x294: {  	s29 =	simm.s32 $0x980  }
0x295: {  	[tilespmem:s29], [sflag:$0x1] =	stream.indirect_vreg.gather [hbm4b:s5+s3], $0x80, v39, vm0, $0xb8;
	v41 =	vsel vm8, $0x0, v41;
	[tilespmem:$0x10310] =	vst v63  }
0x296: {  	s29 =	simm.s32 $0x1180;
	v0 =	vadd.f32 v41, v0;
	v41 =	vld [tilespmem:$0x1FF30]  }
0x297: {  	[tilespmem:s29], [sflag:$0x1] =	stream.indirect_vreg.gather [hbm4b:s6+s3], $0x80, v39, vm0, $0xb8;
	[tilespmem:$0x10310] =	vst v63  }
0x298: {  	s29 =	simm.s32 $0x1980  }
0x299: {  	[tilespmem:s29], [sflag:$0x1] =	stream.indirect_vreg.gather [hbm4b:s7+s3], $0x80, v39, vm0, $0xb8;
	[tilespmem:$0x10310] =	vst v63  }
0x29a: {  	s29 =	simm.s32 $0x2180  }
0x29b: {  	[tilespmem:s29], [sflag:$0x1] =	stream.indirect_vreg.gather [hbm4b:s8+s3], $0x80, v39, vm0, $0xb8;
	v41 =	vsel vm9, $0x0, v41;
	[tilespmem:$0x10310] =	vst v63  }
0x29c: {  	s29 =	simm.s32 $0x2980;
	v0 =	vadd.f32 v41, v0  }
0x29d: {  	v36 =	vsel vm10, $0x0, v36;
	[tilespmem:s29], [sflag:$0x1] =	stream.indirect_vreg.gather [hbm4b:s9+s3], $0x80, v39, vm0, $0xb8;
	[tilespmem:$0x10310] =	vst v63  }
0x29e: {  	s29 =	simm.s32 $0x3180;
	v0 =	vadd.f32 v36, v0  }
0x29f: {  	v42 =	vsel vm11, $0x0, v37;
	[tilespmem:s29], [sflag:$0x1] =	stream.indirect_vreg.gather [hbm4b:s10+s3], $0x80, v39, vm0, $0xb8;
	[tilespmem:$0x10310] =	vst v63  }
0x2a0: {  	s29 =	simm.s32 $0x3980;
	v36 =	vld [tilespmem:$0x1FF40];
	v0 =	vadd.f32 v42, v0  }
0x2a1: {  	v35 =	vsel vm12, $0x0, v35;
	[tilespmem:s29], [sflag:$0x1] =	stream.indirect_vreg.gather [hbm4b:s11+s3], $0x80, v39, vm0, $0xb8;
	[tilespmem:$0x10310] =	vst v63  }
0x2a2: {  	v37 =	vld [tilespmem:$0x1FF50];
	s29 =	simm.s32 $0x4180;
	v0 =	vadd.f32 v35, v0  }
0x2a3: {  	v34 =	vsel vm13, $0x0, v34;
	[tilespmem:s29], [sflag:$0x1] =	stream.indirect_vreg.gather [hbm4b:s12+s3], $0x80, v39, vm0, $0xb8;
	[tilespmem:$0x10310] =	vst v63  }
0x2a4: {  	s29 =	simm.s32 $0x4980;
	v41 =	vld [tilespmem:$0x1FF60];
	v0 =	vadd.f32 v34, v0  }
0x2a5: {  	[tilespmem:s29], [sflag:$0x1] =	stream.indirect_vreg.gather [hbm4b:s13+s3], $0x80, v39, vm0, $0xb8;
	v34 =	vsel vm14, $0x0, v36;
	[tilespmem:$0x10310] =	vst v63  }
0x2a6: {  	s29 =	simm.s32 $0x5180;
	v42 =	vld [tilespmem:$0x1FF70];
	v0 =	vadd.f32 v34, v0  }
0x2a7: {  	[tilespmem:s29], [sflag:$0x1] =	stream.indirect_vreg.gather [hbm4b:s14+s3], $0x80, v39, vm0, $0xb8;
	v34 =	vsel vm15, $0x0, v37;
	[tilespmem:$0x10310] =	vst v63  }
0x2a8: {  	vm13 =	vcmask $0x373C;
	s29 =	simm.s32 $0x5980;
	v0 =	vadd.f32 v34, v0  }
0x2a9: {  	[tilespmem:s29], [sflag:$0x1] =	stream.indirect_vreg.gather [hbm4b:s15+s3], $0x80, v39, vm0, $0xb8;
	v34 =	vsel vm13, $0x0, v41;
	[tilespmem:$0x10310] =	vst v63  }
0x2aa: {  	s29 =	simm.s32 $0x6180;
	v0 =	vadd.f32 v34, v0  }
0x2ab: {  	[tilespmem:s29], [sflag:$0x1] =	stream.indirect_vreg.gather [hbm4b:s16+s3], $0x80, v39, vm0, $0xb8;
	v34 =	vsel vm1, $0x0, v42;
	[tilespmem:$0x10310] =	vst v63  }
0x2ac: {  	s29 =	simm.s32 $0x6980;
	v0 =	vadd.f32 v34, v0  }
0x2ad: {  	v49 =	vnsel vm2, $0x0, v49;
	[tilespmem:s29], [sflag:$0x1] =	stream.indirect_vreg.gather [hbm4b:s17+s3], $0x80, v39, vm0, $0xb8;
	[tilespmem:$0x10310] =	vst v63  }
0x2ae: {  	s29 =	simm.s32 $0x7180;
	v0 =	vadd.f32 v49, v0  }
0x2af: {  	[tilespmem:s29], [sflag:$0x1] =	stream.indirect_vreg.gather [hbm4b:s18+s3], $0x80, v39, vm0, $0xb8;
	v36 =	vsel vm3, $0x0, v50;
	[tilespmem:$0x10310] =	vst v63  }
0x2b0: {  	s29 =	simm.s32 $0x7980;
	v0 =	vadd.f32 v36, v0  }
0x2b1: {  	[tilespmem:s29], [sflag:$0x1] =	stream.indirect_vreg.gather [hbm4b:s20+s3], $0x80, v39, vm0, $0xb8;
	v37 =	vsel vm4, $0x0, v48;
	[tilespmem:$0x10310] =	vst v63  }
0x2b2: {  	_ =	swait.ge [sflag:s26], $0x8000;
	v0 =	vadd.f32 v37, v0  }
0x2b3: {  	v39 =	vsel vm5, $0x0, v46;
	[sflag:s26] =	ssyncset.done $0x0  }
0x2b4: {  	[sflag:s26] =	ssyncadd.s32 $0xFFFF8000;
	v0 =	vadd.f32 v39, v0  }
0x2b5: {  	v32 =	vsel vm6, $0x0, v32;
	v39 =	vld.msk [tilespmem:$0x68], $0xff  }
0x2b6: {  	v0 =	vadd.f32 v32, v0  }
0x2b7: {  	v41 =	vsel vm7, $0x0, v33  }
0x2b8: {  	v0 =	vadd.f32 v41, v0  }
0x2b9: {  	v42 =	vsel vm8, $0x0, v40  }
0x2ba: {  	v46 =	vshll.u32 v39, $0x5;
	v0 =	vadd.f32 v42, v0  }
0x2bb: {  	v48 =	vsel vm9, $0x0, v38;
	v49 =	vand.u32 $0x7, v39;
	v32 =	vand.u32 $0xFFFFFF00, v46  }
0x2bc: {  	v35 =	vld [tilespmem:s28+$0x8180];
	v32 =	vor.u32 v49, v32;
	v0 =	vadd.f32 v48, v0  }
0x2bd: {  	v50 =	vsel vm10, $0x0, v55;
	v38 =	vld [tilespmem:s2+$0x8180];
	v32 =	vperm.xlane v32, v43  }
0x2be: {  	v33 =	vld [tilespmem:s30+$0x8180];
	v0 =	vadd.f32 v50, v0  }
0x2bf: {  	v55 =	vsel vm11, $0x0, v53;
	v40 =	vld [tilespmem:s0+$0x8180];
	v41 =	vadd.s32 v1, v32  }
0x2c0: {  	v34 =	vld [tilespmem:s22+$0x8180];
	v0 =	vadd.f32 v55, v0  }
0x2c1: {  	v36 =	vld [tilespmem:s19+$0x8180];
	v46 =	vsel vm12, $0x0, v51  }
0x2c2: {  	s28 =	simm.s32 $0x100;
	vm13 =	vcmask $0x2B30;
	v37 =	vld [tilespmem:s4+$0x8180];
	v0 =	vadd.f32 v46, v0  }
0x2c3: {  	s29 =	simm.s32 $0x8180;
	v47 =	vsel vm13, $0x0, v47;
	v32 =	vld [tilespmem:s31+$0x8180];
	[tilespmem:s28+$0x0] =	vst.msk $0xff, v39  }
0x2c4: {  	v50 =	vld [tilespmem:$0x1FF80];
	[tilespmem:s29], [sflag:$0x2] =	stream.indirect_vreg.gather [hbm4b:s1+s3], $0x80, v41, vm0, $0xb8;
	v0 =	vadd.f32 v47, v0  }
0x2c5: {  	s30 =	simm.s32 $0x8980;
	v48 =	vsel vm14, $0x0, v45  }
0x2c6: {  	v51 =	vld [tilespmem:$0x1FF90];
	[tilespmem:s30], [sflag:$0x2] =	stream.indirect_vreg.gather [hbm4b:s5+s3], $0x80, v41, vm0, $0xb8;
	v0 =	vadd.f32 v48, v0  }
0x2c7: {  	v49 =	vsel vm15, $0x0, v44;
	s31 =	simm.s32 $0x9180  }
0x2c8: {  	vm9 =	vcmask $0x373C;
	[tilespmem:s31], [sflag:$0x2] =	stream.indirect_vreg.gather [hbm4b:s6+s3], $0x80, v41, vm0, $0xb8;
	v0 =	vadd.f32 v49, v0;
	[tilespmem:$0x10310] =	vst v63  }
0x2c9: {  	s2 =	simm.s32 $0x9980;
	v39 =	vsel vm9, $0x0, v50  }
0x2ca: {  	[tilespmem:s2], [sflag:$0x2] =	stream.indirect_vreg.gather [hbm4b:s7+s3], $0x80, v41, vm0, $0xb8;
	v0 =	vadd.f32 v39, v0;
	[tilespmem:$0x10310] =	vst v63  }
0x2cb: {  	s4 =	simm.s32 $0xA180;
	v39 =	vsel vm1, $0x0, v51  }
0x2cc: {  	[tilespmem:s4], [sflag:$0x2] =	stream.indirect_vreg.gather [hbm4b:s8+s3], $0x80, v41, vm0, $0xb8;
	v0 =	vadd.f32 v39, v0;
	[tilespmem:$0x10310] =	vst v63  }
0x2cd: {  	v53 =	vnsel vm2, $0x0, v60;
	s19 =	simm.s32 $0xA980  }
0x2ce: {  	vm4 =	vmmov vm8;
	vm8 =	vcmask $0x308;
	[tilespmem:s19], [sflag:$0x2] =	stream.indirect_vreg.gather [hbm4b:s9+s3], $0x80, v41, vm0, $0xb8;
	v0 =	vadd.f32 v53, v0;
	[tilespmem:$0x10310] =	vst v63  }
0x2cf: {  	s22 =	simm.s32 $0xB180;
	v55 =	vsel vm8, $0x0, v61  }
0x2d0: {  	vm5 =	vmmov vm10;
	vm10 =	vcmask $0x70C;
	[tilespmem:s22], [sflag:$0x2] =	stream.indirect_vreg.gather [hbm4b:s10+s3], $0x80, v41, vm0, $0xb8;
	v0 =	vadd.f32 v55, v0;
	[tilespmem:$0x10310] =	vst v63  }
0x2d1: {  	v59 =	vsel vm10, $0x0, v59;
	s28 =	simm.s32 $0xB980  }
0x2d2: {  	vm3 =	vmmov vm1;
	vm1 =	vcmask $0xB10;
	[tilespmem:s28], [sflag:$0x2] =	stream.indirect_vreg.gather [hbm4b:s11+s3], $0x80, v41, vm0, $0xb8;
	v0 =	vadd.f32 v59, v0;
	[tilespmem:$0x10310] =	vst v63  }
0x2d3: {  	s29 =	simm.s32 $0xC180;
	v60 =	vsel vm1, $0x0, v58  }
0x2d4: {  	vm1 =	vcmask $0xF14;
	[tilespmem:s29], [sflag:$0x2] =	stream.indirect_vreg.gather [hbm4b:s12+s3], $0x80, v41, vm0, $0xb8;
	v0 =	vadd.f32 v60, v0;
	[tilespmem:$0x10310] =	vst v63  }
0x2d5: {  	s30 =	simm.s32 $0xC980;
	v61 =	vsel vm1, $0x0, v57  }
0x2d6: {  	[tilespmem:s30], [sflag:$0x2] =	stream.indirect_vreg.gather [hbm4b:s13+s3], $0x80, v41, vm0, $0xb8;
	v0 =	vadd.f32 v61, v0;
	[tilespmem:$0x10310] =	vst v63  }
0x2d7: {  	v42 =	vsel vm7, $0x0, v56;
	s31 =	simm.s32 $0xD180  }
0x2d8: {  	[tilespmem:s31], [sflag:$0x2] =	stream.indirect_vreg.gather [hbm4b:s14+s3], $0x80, v41, vm0, $0xb8;
	v0 =	vadd.f32 v42, v0;
	[tilespmem:$0x10310] =	vst v63  }
0x2d9: {  	v44 =	vsel vm4, $0x0, v54;
	s2 =	simm.s32 $0xD980  }
0x2da: {  	vm6 =	vmmov vm2;
	vm2 =	vcmask $0x1B20;
	[tilespmem:s2], [sflag:$0x2] =	stream.indirect_vreg.gather [hbm4b:s15+s3], $0x80, v41, vm0, $0xb8;
	v0 =	vadd.f32 v44, v0;
	[tilespmem:$0x10310] =	vst v63  }
0x2db: {  	v45 =	vsel vm2, $0x0, v52;
	s4 =	simm.s32 $0xE180  }
0x2dc: {  	[tilespmem:s4], [sflag:$0x2] =	stream.indirect_vreg.gather [hbm4b:s16+s3], $0x80, v41, vm0, $0xb8;
	v0 =	vadd.f32 v45, v0;
	[tilespmem:$0x10310] =	vst v63  }
0x2dd: {  	v17 =	vsel vm5, $0x0, v17;
	s19 =	simm.s32 $0xE980  }
0x2de: {  	[tilespmem:s19], [sflag:$0x2] =	stream.indirect_vreg.gather [hbm4b:s17+s3], $0x80, v41, vm0, $0xb8;
	v0 =	vadd.f32 v17, v0;
	[tilespmem:$0x10310] =	vst v63  }
0x2df: {  	s25 =	simm.s32 $0xF180;
	v46 =	vsel vm11, $0x0, v18  }
0x2e0: {  	[tilespmem:s25], [sflag:$0x2] =	stream.indirect_vreg.gather [hbm4b:s18+s3], $0x80, v41, vm0, $0xb8;
	v0 =	vadd.f32 v46, v0;
	[tilespmem:$0x10310] =	vst v63  }
0x2e1: {  	s21 =	simm.s32 $0xF980;
	v47 =	vsel vm12, $0x0, v20  }
0x2e2: {  	[tilespmem:s21], [sflag:$0x2] =	stream.indirect_vreg.gather [hbm4b:s20+s3], $0x80, v41, vm0, $0xb8;
	v0 =	vadd.f32 v47, v0;
	[tilespmem:$0x10310] =	vst v63  }
0x2e3: {  	v48 =	vsel vm13, $0x0, v22;
	_ =	swait.ge [sflag:s23], $0x8000  }
0x2e4: {  	[sflag:s23] =	ssyncset.done $0x0;
	v0 =	vadd.f32 v48, v0  }
0x2e5: {  	v49 =	vsel vm14, $0x0, v24;
	[sflag:s23] =	ssyncadd.s32 $0xFFFF8000  }
0x2e6: {  	v50 =	vld.msk [tilespmem:$0x70], $0xff;
	v0 =	vadd.f32 v49, v0  }
0x2e7: {  	v51 =	vsel vm15, $0x0, v29  }
0x2e8: {  	v0 =	vadd.f32 v51, v0  }
0x2e9: {  	v52 =	vsel vm9, $0x0, v63  }
0x2ea: {  	s0 =	sld [smem:$0x7ED];
	v0 =	vadd.f32 v52, v0  }
0x2eb: {  	v53 =	vsel vm3, $0x0, v62;
	s2 =	sld [smem:$0x7EE];
	v54 =	vshll.u32 v50, $0x5  }
0x2ec: {  	s19 =	sld [smem:$0x7F0];
	v55 =	vand.u32 $0x7, v50;
	v20 =	vand.u32 $0xFFFFFF00, v54;
	v0 =	vadd.f32 v53, v0  }
0x2ed: {  	v10 =	vnsel vm6, $0x0, v10;
	s22 =	sld [smem:$0x7F1];
	v18 =	vld [tilespmem:s0+$0x180];
	v20 =	vor.u32 v55, v20  }
0x2ee: {  	s28 =	sld [smem:$0x7F2];
	v24 =	vld [tilespmem:s2+$0x180];
	v20 =	vperm.xlane v20, v43;
	v0 =	vadd.f32 v10, v0  }
0x2ef: {  	v13 =	vsel vm8, $0x0, v13;
	s30 =	sld [smem:$0x7F3];
	v22 =	vld [tilespmem:s19+$0x180]  }
0x2f0: {  	s31 =	sld [smem:$0x7F4];
	v56 =	vld [tilespmem:s22+$0x180];
	v20 =	vadd.s32 v1, v20;
	v0 =	vadd.f32 v13, v0  }
0x2f1: {  	v16 =	vsel vm10, $0x0, v16;
	s4 =	sld [smem:$0x7EF];
	v57 =	vld [tilespmem:s28+$0x180]  }
0x2f2: {  	vm4 =	vmmov vm5;
	vm5 =	vcmask $0xB10;
	v58 =	vld [tilespmem:s30+$0x180];
	v0 =	vadd.f32 v16, v0  }
0x2f3: {  	v19 =	vsel vm5, $0x0, v19;
	s21 =	simm.s32 $0x80;
	v59 =	vld [tilespmem:s31+$0x180]  }
0x2f4: {  	vm1 =	vmmov vm3;
	vm3 =	vcmask $0xF14;
	v10 =	vld [tilespmem:s4+$0x180];
	[tilespmem:s21+$0x0] =	vst.msk $0xff, v50;
	s21 =	simm.s32 $0x180;
	v0 =	vadd.f32 v19, v0  }
0x2f5: {  	v60 =	vsel vm3, $0x0, v21;
	[tilespmem:s21], [sflag:$0x1] =	stream.indirect_vreg.gather [hbm4b:s1+s3], $0x80, v20, vm0, $0xb8;
	[tilespmem:$0x10310] =	vst v63  }
0x2f6: {  	s21 =	simm.s32 $0x980;
	v0 =	vadd.f32 v60, v0  }
0x2f7: {  	vm11 =	vmmov vm15;
	v61 =	vsel vm7, $0x0, v23;
	[tilespmem:s21], [sflag:$0x1] =	stream.indirect_vreg.gather [hbm4b:s5+s3], $0x80, v20, vm0, $0xb8;
	[tilespmem:$0x10310] =	vst v63  }
0x2f8: {  	vm15 =	vmmov vm8;
	vm8 =	vcmask $0x171C;
	s21 =	simm.s32 $0x1180;
	v0 =	vadd.f32 v61, v0  }
0x2f9: {  	v62 =	vsel vm8, $0x0, v27;
	[tilespmem:s21], [sflag:$0x1] =	stream.indirect_vreg.gather [hbm4b:s6+s3], $0x80, v20, vm0, $0xb8;
	[tilespmem:$0x10310] =	vst v63  }
0x2fa: {  	s21 =	simm.s32 $0x1980;
	v0 =	vadd.f32 v62, v0  }
0x2fb: {  	v63 =	vsel vm2, $0x0, v31;
	[tilespmem:s21], [sflag:$0x1] =	stream.indirect_vreg.gather [hbm4b:s7+s3], $0x80, v20, vm0, $0xb8;
	[tilespmem:$0x10310] =	vst v63  }
0x2fc: {  	s21 =	simm.s32 $0x2180;
	v0 =	vadd.f32 v63, v0  }
0x2fd: {  	v6 =	vsel vm4, $0x0, v6;
	[tilespmem:s21], [sflag:$0x1] =	stream.indirect_vreg.gather [hbm4b:s8+s3], $0x80, v20, vm0, $0xb8;
	[tilespmem:$0x10310] =	vst v63  }
0x2fe: {  	vm8 =	vcmask $0x2328;
	s21 =	simm.s32 $0x2980;
	v0 =	vadd.f32 v6, v0  }
0x2ff: {  	vm12 =	vmmov vm13;
	vm13 =	vmmov vm14;
	v17 =	vsel vm8, $0x0, v7;
	[tilespmem:s21], [sflag:$0x1] =	stream.indirect_vreg.gather [hbm4b:s9+s3], $0x80, v20, vm0, $0xb8;
	[tilespmem:$0x10310] =	vst v63  }
0x300: {  	vm14 =	vmmov vm2;
	vm2 =	vcmask $0x272C;
	s21 =	simm.s32 $0x3180;
	v0 =	vadd.f32 v17, v0  }
0x301: {  	v19 =	vsel vm2, $0x0, v8;
	[tilespmem:s21], [sflag:$0x1] =	stream.indirect_vreg.gather [hbm4b:s10+s3], $0x80, v20, vm0, $0xb8;
	[tilespmem:$0x10310] =	vst v63  }
0x302: {  	s21 =	simm.s32 $0x3980;
	v0 =	vadd.f32 v19, v0  }
0x303: {  	v21 =	vsel vm12, $0x0, v9;
	[tilespmem:s21], [sflag:$0x1] =	stream.indirect_vreg.gather [hbm4b:s11+s3], $0x80, v20, vm0, $0xb8;
	[tilespmem:$0x10310] =	vst v63  }
0x304: {  	s21 =	simm.s32 $0x4180;
	v0 =	vadd.f32 v21, v0  }
0x305: {  	v23 =	vsel vm13, $0x0, v11;
	[tilespmem:s21], [sflag:$0x1] =	stream.indirect_vreg.gather [hbm4b:s12+s3], $0x80, v20, vm0, $0xb8;
	[tilespmem:$0x10310] =	vst v63  }
0x306: {  	s21 =	simm.s32 $0x4980;
	v0 =	vadd.f32 v23, v0  }
0x307: {  	v27 =	vsel vm11, $0x0, v12;
	[tilespmem:s21], [sflag:$0x1] =	stream.indirect_vreg.gather [hbm4b:s13+s3], $0x80, v20, vm0, $0xb8;
	[tilespmem:$0x10310] =	vst v63  }
0x308: {  	s21 =	simm.s32 $0x5180;
	v0 =	vadd.f32 v27, v0  }
0x309: {  	v31 =	vsel vm9, $0x0, v14;
	[tilespmem:s21], [sflag:$0x1] =	stream.indirect_vreg.gather [hbm4b:s14+s3], $0x80, v20, vm0, $0xb8;
	[tilespmem:$0x10310] =	vst v63  }
0x30a: {  	s21 =	simm.s32 $0x5980;
	v0 =	vadd.f32 v31, v0  }
0x30b: {  	v41 =	vsel vm1, $0x0, v15;
	[tilespmem:s21], [sflag:$0x1] =	stream.indirect_vreg.gather [hbm4b:s15+s3], $0x80, v20, vm0, $0xb8;
	[tilespmem:$0x10310] =	vst v63  }
0x30c: {  	s21 =	simm.s32 $0x6180;
	v0 =	vadd.f32 v41, v0  }
0x30d: {  	v4 =	vnsel vm6, $0x0, v4;
	[tilespmem:s21], [sflag:$0x1] =	stream.indirect_vreg.gather [hbm4b:s16+s3], $0x80, v20, vm0, $0xb8;
	[tilespmem:$0x10310] =	vst v63  }
0x30e: {  	s21 =	simm.s32 $0x6980;
	v0 =	vadd.f32 v4, v0  }
0x30f: {  	v2 =	vsel vm15, $0x0, v2;
	[tilespmem:s21], [sflag:$0x1] =	stream.indirect_vreg.gather [hbm4b:s17+s3], $0x80, v20, vm0, $0xb8;
	[tilespmem:$0x10310] =	vst v63  }
0x310: {  	s21 =	simm.s32 $0x7180;
	v0 =	vadd.f32 v2, v0  }
0x311: {  	v2 =	vsel vm10, $0x0, v3;
	[tilespmem:s21], [sflag:$0x1] =	stream.indirect_vreg.gather [hbm4b:s18+s3], $0x80, v20, vm0, $0xb8;
	[tilespmem:$0x10310] =	vst v63  }
0x312: {  	s21 =	simm.s32 $0x7980;
	v0 =	vadd.f32 v2, v0  }
0x313: {  	v2 =	vsel vm5, $0x0, v5;
	[tilespmem:s21], [sflag:$0x1] =	stream.indirect_vreg.gather [hbm4b:s20+s3], $0x80, v20, vm0, $0xb8;
	[tilespmem:$0x10310] =	vst v63  }
0x314: {  	_ =	swait.ge [sflag:s26], $0x8000;
	v0 =	vadd.f32 v2, v0  }
0x315: {  	v2 =	vsel vm3, $0x0, v30;
	[sflag:s26] =	ssyncset.done $0x0  }
0x316: {  	[sflag:s26] =	ssyncadd.s32 $0xFFFF8000;
	v0 =	vadd.f32 v2, v0  }
0x317: {  	v2 =	vsel vm7, $0x0, v28;
	v3 =	vld.msk [tilespmem:$0x78], $0xff  }
0x318: {  	vm5 =	vcmask $0x171C;
	v0 =	vadd.f32 v2, v0  }
0x319: {  	v2 =	vsel vm5, $0x0, v25  }
0x31a: {  	v0 =	vadd.f32 v2, v0  }
0x31b: {  	v2 =	vsel vm14, $0x0, v26  }
0x31c: {  	v0 =	vadd.f32 v2, v0;
	v2 =	vshll.u32 v3, $0x5  }
0x31d: {  	v45 =	vand.u32 $0x7, v3;
	v2 =	vand.u32 $0xFFFFFF00, v2  }
0x31e: {  	v42 =	vsel vm4, $0x0, v40;
	v44 =	vld [tilespmem:s0+$0x8180];
	v2 =	vor.u32 v45, v2  }
0x31f: {  	v46 =	vld [tilespmem:s2+$0x8180];
	v0 =	vadd.f32 v42, v0;
	v2 =	vperm.xlane v2, v43  }
0x320: {  	v47 =	vsel vm8, $0x0, v38;
	v48 =	vld [tilespmem:s4+$0x8180]  }
0x321: {  	vm12 =	vcmask $0x272C;
	v49 =	vld [tilespmem:s19+$0x8180];
	v0 =	vadd.f32 v47, v0;
	v2 =	vadd.s32 v1, v2  }
0x322: {  	v50 =	vsel vm12, $0x0, v37;
	v51 =	vld [tilespmem:s22+$0x8180]  }
0x323: {  	vm13 =	vmmov vm15;
	vm8 =	vcmask $0x2B30;
	v52 =	vld [tilespmem:s28+$0x8180];
	v0 =	vadd.f32 v50, v0  }
0x324: {  	vm15 =	vmmov vm10;
	v53 =	vsel vm8, $0x0, v36;
	vm10 =	vmmov vm3;
	v54 =	vld [tilespmem:s30+$0x8180];
	s22 =	simm.s32 $0x100  }
0x325: {  	vm3 =	vmmov vm4;
	vm4 =	vcmask $0x2F34;
	v55 =	vld [tilespmem:s31+$0x8180];
	s28 =	simm.s32 $0x8180;
	[tilespmem:s22+$0x0] =	vst.msk $0xff, v3;
	v0 =	vadd.f32 v53, v0  }
0x326: {  	v3 =	vsel vm4, $0x0, v34;
	[tilespmem:s28], [sflag:$0x2] =	stream.indirect_vreg.gather [hbm4b:s1+s3], $0x80, v2, vm0, $0xb8;
	[tilespmem:$0x10310] =	vst v63  }
0x327: {  	s30 =	simm.s32 $0x8980;
	v0 =	vadd.f32 v3, v0  }
0x328: {  	v3 =	vsel vm11, $0x0, v35;
	[tilespmem:s30], [sflag:$0x2] =	stream.indirect_vreg.gather [hbm4b:s5+s3], $0x80, v2, vm0, $0xb8;
	[tilespmem:$0x10310] =	vst v63  }
0x329: {  	s31 =	simm.s32 $0x9180;
	v0 =	vadd.f32 v3, v0  }
0x32a: {  	v3 =	vsel vm9, $0x0, v33;
	[tilespmem:s31], [sflag:$0x2] =	stream.indirect_vreg.gather [hbm4b:s6+s3], $0x80, v2, vm0, $0xb8;
	[tilespmem:$0x10310] =	vst v63  }
0x32b: {  	vm2 =	vmmov vm1;
	s2 =	simm.s32 $0x9980;
	v0 =	vadd.f32 v3, v0  }
0x32c: {  	v3 =	vsel vm2, $0x0, v32;
	[tilespmem:s2], [sflag:$0x2] =	stream.indirect_vreg.gather [hbm4b:s7+s3], $0x80, v2, vm0, $0xb8;
	[tilespmem:$0x10310] =	vst v63  }
0x32d: {  	s4 =	simm.s32 $0xA180;
	v0 =	vadd.f32 v3, v0  }
0x32e: {  	v3 =	vnsel vm6, $0x0, v18;
	[tilespmem:s4], [sflag:$0x2] =	stream.indirect_vreg.gather [hbm4b:s8+s3], $0x80, v2, vm0, $0xb8;
	[tilespmem:$0x10310] =	vst v63  }
0x32f: {  	s24 =	simm.s32 $0xA980;
	v0 =	vadd.f32 v3, v0  }
0x330: {  	v3 =	vsel vm13, $0x0, v24;
	[tilespmem:s24], [sflag:$0x2] =	stream.indirect_vreg.gather [hbm4b:s9+s3], $0x80, v2, vm0, $0xb8;
	[tilespmem:$0x10310] =	vst v63  }
0x331: {  	s19 =	simm.s32 $0xB180;
	v0 =	vadd.f32 v3, v0  }
0x332: {  	v3 =	vsel vm15, $0x0, v10;
	[tilespmem:s19], [sflag:$0x2] =	stream.indirect_vreg.gather [hbm4b:s10+s3], $0x80, v2, vm0, $0xb8;
	[tilespmem:$0x10310] =	vst v63  }
0x333: {  	vm1 =	vmmov vm7;
	s21 =	simm.s32 $0xB980;
	vm7 =	vcmask $0xB10;
	v0 =	vadd.f32 v3, v0  }
0x334: {  	v3 =	vsel vm7, $0x0, v22;
	[tilespmem:s21], [sflag:$0x2] =	stream.indirect_vreg.gather [hbm4b:s11+s3], $0x80, v2, vm0, $0xb8;
	[tilespmem:$0x10310] =	vst v63  }
0x335: {  	s22 =	simm.s32 $0xC180;
	v0 =	vadd.f32 v3, v0  }
0x336: {  	v3 =	vsel vm10, $0x0, v56;
	[tilespmem:s22], [sflag:$0x2] =	stream.indirect_vreg.gather [hbm4b:s12+s3], $0x80, v2, vm0, $0xb8;
	[tilespmem:$0x10310] =	vst v63  }
0x337: {  	s24 =	simm.s32 $0xC980;
	v0 =	vadd.f32 v3, v0  }
0x338: {  	v3 =	vsel vm1, $0x0, v57;
	[tilespmem:s24], [sflag:$0x2] =	stream.indirect_vreg.gather [hbm4b:s13+s3], $0x80, v2, vm0, $0xb8;
	[tilespmem:$0x10310] =	vst v63  }
0x339: {  	s29 =	simm.s32 $0xD180;
	v0 =	vadd.f32 v3, v0  }
0x33a: {  	v3 =	vsel vm5, $0x0, v58;
	[tilespmem:s29], [sflag:$0x2] =	stream.indirect_vreg.gather [hbm4b:s14+s3], $0x80, v2, vm0, $0xb8;
	[tilespmem:$0x10310] =	vst v63  }
0x33b: {  	s28 =	simm.s32 $0xD980;
	v0 =	vadd.f32 v3, v0  }
0x33c: {  	v3 =	vsel vm14, $0x0, v59;
	[tilespmem:s28], [sflag:$0x2] =	stream.indirect_vreg.gather [hbm4b:s15+s3], $0x80, v2, vm0, $0xb8;
	[tilespmem:$0x10310] =	vst v63  }
0x33d: {  	s29 =	simm.s32 $0xE180;
	v0 =	vadd.f32 v3, v0  }
0x33e: {  	v3 =	vsel vm3, $0x0, v44;
	[tilespmem:s29], [sflag:$0x2] =	stream.indirect_vreg.gather [hbm4b:s16+s3], $0x80, v2, vm0, $0xb8;
	[tilespmem:$0x10310] =	vst v63  }
0x33f: {  	s30 =	simm.s32 $0xE980;
	vm7 =	vmmov vm1;
	vm1 =	vcmask $0x2328;
	v0 =	vadd.f32 v3, v0  }
0x340: {  	v3 =	vsel vm1, $0x0, v46;
	[tilespmem:s30], [sflag:$0x2] =	stream.indirect_vreg.gather [hbm4b:s17+s3], $0x80, v2, vm0, $0xb8;
	[tilespmem:$0x10310] =	vst v63  }
0x341: {  	s31 =	simm.s32 $0xF180;
	v0 =	vadd.f32 v3, v0  }
0x342: {  	v3 =	vsel vm12, $0x0, v48;
	[tilespmem:s31], [sflag:$0x2] =	stream.indirect_vreg.gather [hbm4b:s18+s3], $0x80, v2, vm0, $0xb8;
	[tilespmem:$0x10310] =	vst v63  }
0x343: {  	s25 =	simm.s32 $0xF980;
	v0 =	vadd.f32 v3, v0  }
0x344: {  	v3 =	vsel vm8, $0x0, v49;
	[tilespmem:s25], [sflag:$0x2] =	stream.indirect_vreg.gather [hbm4b:s20+s3], $0x80, v2, vm0, $0xb8;
	[tilespmem:$0x10310] =	vst v63  }
0x345: {  	v0 =	vadd.f32 v3, v0;
	_ =	swait.ge [sflag:s23], $0x8000  }
0x346: {  	v2 =	vsel vm4, $0x0, v51;
	s2 =	sld [smem:$0x7F5]  }
0x347: {  	v0 =	vadd.f32 v2, v0;
	[sflag:s23] =	ssyncset.done $0x0  }
0x348: {  	v2 =	vsel vm11, $0x0, v52;
	s4 =	sld [smem:$0x7F6];
	[sflag:s23] =	ssyncadd.s32 $0xFFFF8000  }
0x349: {  	v0 =	vadd.f32 v2, v0;
	v2 =	vld [tilespmem:s2+$0x180]  }
0x34a: {  	v3 =	vsel vm9, $0x0, v54;
	s19 =	sld [smem:$0x7F7]  }
0x34b: {  	v0 =	vadd.f32 v3, v0;
	v3 =	vld [tilespmem:s4+$0x180]  }
0x34c: {  	v56 =	vsel vm2, $0x0, v55;
	s22 =	sld [smem:$0x7F8]  }
0x34d: {  	v57 =	vld [tilespmem:s19+$0x180];
	v0 =	vadd.f32 v56, v0  }
0x34e: {  	s29 =	sld [smem:$0x7F9];
	v2 =	vnsel vm6, $0x0, v2  }
0x34f: {  	v0 =	vadd.f32 v2, v0;
	v2 =	vld [tilespmem:s22+$0x180]  }
0x350: {  	s21 =	sld [smem:$0x7FA];
	v3 =	vsel vm13, $0x0, v3  }
0x351: {  	v0 =	vadd.f32 v3, v0;
	v3 =	vld [tilespmem:s29+$0x180]  }
0x352: {  	s24 =	sld [smem:$0x7FB];
	v4 =	vsel vm15, $0x0, v57  }
0x353: {  	vm5 =	vmmov vm3;
	vm3 =	vcmask $0xB10;
	s25 =	sld [smem:$0x7FD];
	v58 =	vld [tilespmem:s21+$0x180];
	v0 =	vadd.f32 v4, v0  }
0x354: {  	v2 =	vsel vm3, $0x0, v2  }
0x355: {  	v59 =	vld [tilespmem:s24+$0x180];
	v0 =	vadd.f32 v2, v0  }
0x356: {  	v2 =	vld [tilespmem:s25+$0x180];
	_ =	swait.ge [sflag:s26], $0x8000;
	v3 =	vsel vm10, $0x0, v3  }
0x357: {  	[sflag:s26] =	ssyncset.done $0x0;
	v0 =	vadd.f32 v3, v0  }
0x358: {  	v3 =	vsel vm7, $0x0, v58;
	[sflag:s26] =	ssyncadd.s32 $0xFFFF8000  }
0x359: {  	vm3 =	vcmask $0x171C;
	v0 =	vadd.f32 v3, v0;
	v3 =	vld [tilespmem:s2+$0x8180]  }
0x35a: {  	v60 =	vsel vm3, $0x0, v59  }
0x35b: {  	v61 =	vld [tilespmem:s4+$0x8180];
	v0 =	vadd.f32 v60, v0  }
0x35c: {  	v2 =	vsel vm14, $0x0, v2  }
0x35d: {  	v0 =	vadd.f32 v2, v0;
	v2 =	vld [tilespmem:s19+$0x8180]  }
0x35e: {  	v3 =	vsel vm5, $0x0, v3  }
0x35f: {  	v0 =	vadd.f32 v3, v0;
	v3 =	vld [tilespmem:s22+$0x8180]  }
0x360: {  	v4 =	vsel vm1, $0x0, v61  }
0x361: {  	v62 =	vld [tilespmem:s29+$0x8180];
	v0 =	vadd.f32 v4, v0  }
0x362: {  	v2 =	vsel vm12, $0x0, v2  }
0x363: {  	v0 =	vadd.f32 v2, v0;
	v2 =	vld [tilespmem:s21+$0x8180]  }
0x364: {  	v3 =	vsel vm8, $0x0, v3  }
0x365: {  	v0 =	vadd.f32 v3, v0;
	v3 =	vld [tilespmem:s24+$0x8180]  }
0x366: {  	v4 =	vsel vm4, $0x0, v62  }
0x367: {  	v63 =	vld [tilespmem:s25+$0x8180];
	v0 =	vadd.f32 v4, v0  }
0x368: {  	v2 =	vsel vm11, $0x0, v2  }
0x369: {  	v0 =	vadd.f32 v2, v0  }
0x36a: {  	v2 =	vsel vm9, $0x0, v3  }
0x36b: {  	v0 =	vadd.f32 v2, v0  }
0x36c: {  	v2 =	vsel vm2, $0x0, v63  }
0x36d: {  	v0 =	vadd.f32 v2, v0;
	_ =	sdelay $0x1  }
0x36e: {  	s30 =	simm.s32 $0x10180;
	s31 =	simm.s32 $0x3;
	s29 =	rddreg [dreg:$0x9];
	[tilespmem:$0x10180] =	vst v0  }
0x36f: {  	[spmem:s29] =	stream.linear.scatter [tilespmem:s30], [sflag:$0x3], $0x10, $0x38;
	[tilespmem:$0x10310] =	vst v63  }
.Ltmp2:
0x370: {  	_ =	swait.ge [sflag:s31], $0x10;
	(pc) =	sbr.rel @p0 .LBB2_3-.Ltmp2, $3  }
0x371: {  	[sflag:s31] =	ssyncset.done $0x0  }
0x372: {  	[sflag:s31] =	ssyncadd.s32 $0xFFFFFFF0  }
0x373: {  	[bflag:$0x0] =	sbarrier.arrive $0xFFFF;
	_ =	sdelay $0x1  }
0x374: {  	s19 =	rddreg [dreg:$0x3];
	s0 =	simm.s32 $0x10210;
	s31 =	simm.s32 $0x3  }
0x375: {  	[tilespmem:s0], [sflag:$0x3] =	stream.linear.gather [spmem:s19], $0x100, $0x38;
	[tilespmem:$0x10310] =	vst v63  }
0x376: {  	_ =	swait.ge [sflag:s31], $0x100  }
0x377: {  	[sflag:s31] =	ssyncset.done $0x0  }
0x378: {  	[sflag:s31] =	ssyncadd.s32 $0xFFFFFF00  }
0x379: {  	v0 =	vld [tilespmem:$0x10210];
	_ =	sdelay $0x1  }
0x37a: {  	v2 =	vld [tilespmem:$0x10220];
	_ =	sdelay $0x1  }
0x37b: {  	v3 =	vld [tilespmem:$0x10230]  }
0x37c: {  	v0 =	vadd.f32 $0.0e+00, v0  }
0x37d: {  	v4 =	vld [tilespmem:$0x10240]  }
0x37e: {  	v0 =	vadd.f32 v2, v0  }
0x37f: {  	v2 =	vld [tilespmem:$0x10250]  }
0x380: {  	v0 =	vadd.f32 v3, v0  }
0x381: {  	v3 =	vld [tilespmem:$0x10260]  }
0x382: {  	v0 =	vadd.f32 v4, v0  }
0x383: {  	v60 =	vld [tilespmem:$0x10270]  }
0x384: {  	v0 =	vadd.f32 v2, v0  }
0x385: {  	v2 =	vld [tilespmem:$0x10280]  }
0x386: {  	v0 =	vadd.f32 v3, v0  }
0x387: {  	v3 =	vld [tilespmem:$0x10290]  }
0x388: {  	v0 =	vadd.f32 v60, v0  }
0x389: {  	v61 =	vld [tilespmem:$0x102A0]  }
0x38a: {  	v0 =	vadd.f32 v2, v0  }
0x38b: {  	v2 =	vld [tilespmem:$0x102B0]  }
0x38c: {  	v0 =	vadd.f32 v3, v0  }
0x38d: {  	v3 =	vld [tilespmem:$0x102C0]  }
0x38e: {  	v0 =	vadd.f32 v61, v0  }
0x38f: {  	v62 =	vld [tilespmem:$0x102D0]  }
0x390: {  	v0 =	vadd.f32 v2, v0  }
0x391: {  	v2 =	vld [tilespmem:$0x102E0]  }
0x392: {  	v0 =	vadd.f32 v3, v0  }
0x393: {  	v3 =	vld [tilespmem:$0x102F0]  }
0x394: {  	v0 =	vadd.f32 v62, v0  }
0x395: {  	v63 =	vld [tilespmem:$0x10300]  }
0x396: {  	v0 =	vadd.f32 v2, v0  }
0x397: {  	v2 =	vld [tilespmem:$0x1FFB0]  }
0x398: {  	v0 =	vadd.f32 v3, v0;
	_ =	sdelay $0x1  }
0x399: {  	v0 =	vadd.f32 v63, v0;
	_ =	sdelay $0x1  }
0x39a: {  	v2 =	vperm.xlane v0, v2;
	_ =	sdelay $0x1  }
0x39b: {  	v0 =	vadd.f32 v2, v0;
	v2 =	vld [tilespmem:$0x1FFC0];
	_ =	sdelay $0x4  }
0x39c: {  	v2 =	vperm.xlane v0, v2;
	_ =	sdelay $0x1  }
0x39d: {  	v0 =	vadd.f32 v2, v0;
	v2 =	vld [tilespmem:$0x1FFD0];
	_ =	sdelay $0x4  }
0x39e: {  	v2 =	vperm.xlane v0, v2;
	_ =	sdelay $0x1  }
0x39f: {  	v0 =	vadd.f32 v2, v0;
	v2 =	vld [tilespmem:$0x1FFE0];
	_ =	sdelay $0x4  }
0x3a0: {  	v2 =	vperm.xlane v0, v2;
	_ =	sdelay $0x1  }
0x3a1: {  	v0 =	vadd.f32 v2, v0;
	_ =	sdelay $0x1  }
0x3a2: {  	v0 =	vmul.f32 $2.441406250e-04, v0;
	_ =	sdelay $0x1  }
.Ltmp3:
0x3a3: {  	s2 =	simm.s32 $0x10180;
	s28 =	rddreg [dreg:$0x5];
	[tilespmem:$0x10180] =	vst v0;
	(pc) =	sbr.rel .LBB2_3-.Ltmp3, $4  }
0x3a4: {  	[hbm4b:s28+s3] =	stream.linear.scatter [tilespmem:s2], [sflag:$0x3], $0x10, $0x38;
	[tilespmem:$0x10310] =	vst v63  }
0x3a5: {  	s1 =	rddreg [dreg:$0x0];
	_ =	swait.ge [sflag:s31], $0x10  }
0x3a6: {  	[sflag:s31] =	ssyncset.done $0x0  }
0x3a7: {  	[sflag:s31] =	ssyncadd.s32 $0xFFFFFFF0  }
.LBB2_4:
0x3a8: {  	_ =	sfence.sel $0x180000  }
0x3a9: {  	[bflag:$0x0] =	sbarrier.arrive $0xFFFF  }
0x3aa: {  	_ =	strace $0x90000047  }
0x3ab: {  	[bflag:$0x2] =	sbarrier.arrive $0xFFFF  }
0x3ac: {  	s0 =	rddreg [dreg:$0x4]  }
0x3ad: {  	s0 =	sadd.s32 @!p0 $0x100000, s0  }
0x3ae: {  	[sflag:s0] =	ssyncadd.tile.s32 @!p0 $0x1;
	_ =	shalt  }
.Lfunc_end2:
_tile_overlayer_lowered:
.L_overlay_start_2:
0x3af: {  	(tag) =	ssettag $0x2  }
0x3b0: {  	s0 =	rddreg [dreg:$0x0];
	s2 =	stileid.u32  }
0x3b1: {  	s1 =	rddreg [dreg:$0x1];
	p0 =	sne.s32 s2, $0x0  }
0x3b2: {  	s3 =	rddreg [dreg:$0x2];
	[bflag:$0x3] =	sbarrier.arrive $0xFFFF;
	s2 =	simm.s32 @!p0 $0x1C03  }
0x3b3: {  	[timem:s3], [sflag:s2] =	dma.local @!p0 [hbm:s0], s1  }
0x3b4: {  	s0 =	simm.s32 @!p0 $0x3  }
0x3b5: {  	_ =	swait.ge @!p0 [sflag:s0], s1  }
0x3b6: {  	s1 =	ssub.s32 @!p0 $0x0, s1;
	[sflag:s0] =	ssyncset.done @!p0 $0x0  }
0x3b7: {  	[sflag:s0] =	ssyncadd.s32 @!p0 s1  }
0x3b8: {  	[bflag:$0x3] =	sbarrier.arrive $0xFFFF  }
0x3b9: {  	_ =	shalt  }

</sc_bundles>
